<compile_context>
chip_gen: v7x
topology: tpu7x:2x2x1
jax: 0.10.2.dev20260603
libtpu: 0.0.44.dev20260713+nightly
codegen_flags: <defaults>
</compile_context>

<pallas_src>
import functools

import jax
import jax.numpy as jnp
from jax import lax
from jax.experimental import pallas as pl
from jax.experimental.pallas import tpu as pltpu
from jax.experimental.pallas import tpu_sc as plsc

PAD, BOS, EOS = 0, 1, 2
NC, NS, L = 2, 16, 16
ROWS_PER_CORE = 8
CH = 32
NB = 5


def _body(B, T, S, tok_hbm, sco_hbm, attn_hbm, wdp_hbm,
          otok_hbm, osco_hbm, oattn_hbm,
          tok_v, wdp_v, sco_v, src_v, otok_v, osco_v, nk_v, src2_v,
          gb0, gb1, gb2, gb3, gb4, zbuf, spm_src, spm_nk, sem, zsem,
          gs0, gs1, gs2, gs3, gs4, ss0, ss1, ss2, ss3, ss4):
    gbufs = [gb0, gb1, gb2, gb3, gb4]
    gsems = [gs0, gs1, gs2, gs3, gs4]
    ssems = [ss0, ss1, ss2, ss3, ss4]
    c = lax.axis_index("c")
    s = lax.axis_index("s")
    half = T // 2
    nch = half // CH

    @pl.loop(0, CH)
    def _(r):
        @pl.loop(0, S // L)
        def _(cc):
            zbuf[r, pl.ds(cc * L, L)] = jnp.zeros((L,), jnp.float32)

    @pl.when(s < ROWS_PER_CORE)
    def _():
        b = c * ROWS_PER_CORE + s
        cp_t = pltpu.async_copy(tok_hbm.at[b], tok_v, sem)
        cp_w = pltpu.async_copy(wdp_hbm.at[b], wdp_v, zsem)
        cp_t.wait()
        cp_w.wait()

        row0 = b * T

        @pl.loop(0, T // L, unroll=4)
        def _(i):
            src_v[pl.ds(i * L, L)] = jnp.full((L,), row0, jnp.int32)

        @pl.loop(0, T // L, init_carry=jnp.zeros((L,), jnp.int32), unroll=4)
        def nk_vec(i, carry):
            base = i * L
            tok = tok_v[pl.ds(base, L)]
            wdp = wdp_v[pl.ds(base, L)] != 0
            pad_mask = tok == PAD
            boseos = (tok == BOS) | (tok == EOS)
            keep = boseos | jnp.logical_not(wdp | pad_mask)
            keep_i = jnp.where(keep, jnp.full((L,), 1, jnp.int32),
                               jnp.full((L,), 0, jnp.int32))
            cs = plsc.cumsum(keep_i)
            dest = carry + cs - keep_i
            pos = row0 + base + lax.iota(jnp.int32, L)
            plsc.store_scatter(src_v, [dest], pos, mask=keep)
            return carry + plsc.all_reduce_population_count(keep)

        nk_v[pl.ds(0, L)] = nk_vec
        pltpu.sync_copy(src_v, spm_src.at[s])
        pltpu.sync_copy(nk_v, spm_nk.at[s, pl.ds(0, L)])

    plsc.subcore_barrier()

    s8 = lax.rem(s, ROWS_PER_CORE)
    h = lax.div(s, ROWS_PER_CORE)
    b2 = c * ROWS_PER_CORE + s8
    pltpu.sync_copy(spm_src.at[s8], src2_v)
    pltpu.sync_copy(spm_nk.at[s8, pl.ds(0, L)], nk_v)
    nk = jnp.max(nk_v[...])
    out_base = b2 * T

    nchr = T // CH
    nf_row = lax.div(nk, CH)
    krem = lax.rem(nk, CH)
    zc = lax.div(nk + (CH - 1), CH)
    nfm = lax.div(nf_row - h + 1, 2)
    jz0 = lax.div(zc - h + 1, 2)

    @pl.loop(jz0, nchr // 2)
    def _(j):
        zc0 = (2 * j + h) * CH
        pltpu.async_copy(zbuf, oattn_hbm.at[pl.ds(out_base + zc0, CH)], zsem)

    for b in range(NB):
        @pl.when(b < nfm)
        def _(b=b):
            c0 = pl.multiple_of((2 * b + h) * CH, CH)
            pltpu.async_copy(
                attn_hbm.at[src2_v.at[pl.ds(c0, CH)]], gbufs[b], gsems[b])

    @pl.when(s < ROWS_PER_CORE)
    def _():
        b = c * ROWS_PER_CORE + s
        row0 = b * T
        pltpu.sync_copy(sco_hbm.at[b], sco_v)

        @pl.loop(0, T // L, unroll=4)
        def _(i):
            base = i * L
            lsrc = src_v[pl.ds(base, L)] - row0
            g_tok = plsc.load_gather(tok_v, [lsrc])
            g_sco = plsc.load_gather(sco_v, [lsrc])
            sel = (base + lax.iota(jnp.int32, L)) < nk
            otok_v[pl.ds(base, L)] = jnp.where(sel, g_tok, jnp.full((L,), PAD, jnp.int32))
            osco_v[pl.ds(base, L)] = jnp.where(sel, g_sco, jnp.zeros((L,), jnp.float32))

        pltpu.sync_copy(otok_v, otok_hbm.at[b])
        pltpu.sync_copy(osco_v, osco_hbm.at[b])

    ngroups = lax.div(nfm + (NB - 1), NB)

    @pl.loop(0, ngroups)
    def _(g):
        for b in range(NB):
            j = g * NB + b

            @pl.when(j < nfm)
            def _(b=b, j=j):
                c0 = pl.multiple_of((2 * j + h) * CH, CH)
                pltpu.make_async_copy(
                    attn_hbm.at[pl.ds(0, CH)], gbufs[b], gsems[b]).wait()
                pltpu.async_copy(
                    gbufs[b], oattn_hbm.at[pl.ds(out_base + c0, CH)], ssems[b])
                jn = j + NB

                @pl.when(jn < nfm)
                def _():
                    pltpu.make_async_copy(
                        gbufs[b], oattn_hbm.at[pl.ds(out_base, CH)],
                        ssems[b]).wait()
                    cn = pl.multiple_of((2 * jn + h) * CH, CH)
                    pltpu.async_copy(
                        attn_hbm.at[src2_v.at[pl.ds(cn, CH)]], gbufs[b],
                        gsems[b])

    for b in range(NB):
        @pl.when(b < nfm)
        def _(b=b):
            pltpu.make_async_copy(
                gbufs[b], oattn_hbm.at[pl.ds(out_base, CH)], ssems[b]).wait()

    @pl.when((krem != 0) & (lax.rem(nf_row, 2) == h))
    def _():
        pc0 = pl.multiple_of(nf_row * CH, CH)
        cp = pltpu.async_copy(attn_hbm.at[src2_v.at[pl.ds(pc0, CH)]], gbufs[0], sem)
        cp.wait()

        @pl.loop(krem, CH)
        def _(r):
            @pl.loop(0, S // L)
            def _(cc):
                gbufs[0][r, pl.ds(cc * L, L)] = jnp.zeros((L,), jnp.float32)

        pltpu.sync_copy(gbufs[0], oattn_hbm.at[pl.ds(out_base + pc0, CH)])

    @pl.loop(jz0, nchr // 2)
    def _(j):
        pltpu.make_async_copy(
            zbuf, oattn_hbm.at[pl.ds(out_base, CH)], zsem).wait()


def kernel(in_tokens, in_scores, in_attn, word_del_pred):
    B, T = in_tokens.shape
    S = in_attn.shape[-1]
    tok = in_tokens.astype(jnp.int32)
    wdp = word_del_pred.astype(jnp.int32)
    attn2 = in_attn.reshape(B * T, S)

    mesh = plsc.VectorSubcoreMesh(
        core_axis_name="c", subcore_axis_name="s", num_cores=NC, num_subcores=NS
    )
    half = T // 2
    kfn = pl.kernel(
        functools.partial(_body, B, T, S),
        out_type=[
            jax.ShapeDtypeStruct((B, T), jnp.int32),
            jax.ShapeDtypeStruct((B, T), jnp.float32),
            jax.ShapeDtypeStruct((B * T, S), jnp.float32),
        ],
        mesh=mesh,
        compiler_params=pltpu.CompilerParams(needs_layout_passes=False),
        scratch_types=[
            pltpu.VMEM((T,), jnp.int32),
            pltpu.VMEM((T,), jnp.int32),
            pltpu.VMEM((T,), jnp.float32),
            pltpu.VMEM((T,), jnp.int32),
            pltpu.VMEM((T,), jnp.int32),
            pltpu.VMEM((T,), jnp.float32),
            pltpu.VMEM((L,), jnp.int32),
            pltpu.VMEM((T,), jnp.int32),
            pltpu.VMEM((CH, S), jnp.float32),
            pltpu.VMEM((CH, S), jnp.float32),
            pltpu.VMEM((CH, S), jnp.float32),
            pltpu.VMEM((CH, S), jnp.float32),
            pltpu.VMEM((CH, S), jnp.float32),
            pltpu.VMEM((CH, S), jnp.float32),
            pltpu.VMEM_SHARED((ROWS_PER_CORE, T), jnp.int32),
            pltpu.VMEM_SHARED((ROWS_PER_CORE, 128), jnp.int32),
            pltpu.SemaphoreType.DMA,
            pltpu.SemaphoreType.DMA,
            pltpu.SemaphoreType.DMA,
            pltpu.SemaphoreType.DMA,
            pltpu.SemaphoreType.DMA,
            pltpu.SemaphoreType.DMA,
            pltpu.SemaphoreType.DMA,
            pltpu.SemaphoreType.DMA,
            pltpu.SemaphoreType.DMA,
            pltpu.SemaphoreType.DMA,
            pltpu.SemaphoreType.DMA,
            pltpu.SemaphoreType.DMA,
        ],
    )
    otok, osco, oattn = kfn(tok, in_scores, attn2, wdp)
    return (otok, osco, oattn.reshape(B, T, S))

# --- scband reference (transcript-rebuilt; emitter-appended) ---
"""Pipeline reference for scband-levenshtein-transformer-84542136254993 (READ-ONLY COPY).

The authoritative reference and input builder live on the scoring server;
editing this copy changes nothing except your own understanding.
"""

import jax, jax.numpy as jnp
import numpy as np

PAD, BOS, EOS = 0, 1, 2
B, T, S = 16, 2048, 512
VOCAB = 32000

def setup_inputs(seed: int = 0) -> dict:
    key = jax.random.key(seed)
    k1, k2, k3, k4 = jax.random.split(key, 4)
    in_tokens = jax.random.randint(k1, (B, T), 0, VOCAB, dtype=jnp.int64) if jax.config.jax_enable_x64 else jax.random.randint(k1, (B, T), 0, VOCAB, dtype=jnp.int32)
    in_scores = jax.random.uniform(k2, (B, T), dtype=jnp.float32)
    in_attn = jax.random.normal(k3, (B, T, S), dtype=jnp.float32)
    word_del_pred = jax.random.randint(k4, (B, T), 0, 2).astype(bool)
    return {"in_tokens": in_tokens, "in_scores": in_scores, "in_attn": in_attn, "word_del_pred": word_del_pred}

def reference(in_tokens, in_scores, in_attn, word_del_pred):
    # Faithful JAX translation of LevenshteinTransformer._apply_del_words
    # (the ragged deletion/compaction step of the refinement decoder).
    in_masks = in_tokens != PAD
    max_len = in_tokens.shape[1]
    # word_del_pred.masked_fill_(~in_masks, 1)
    wdp = jnp.where(~in_masks, True, word_del_pred)
    # never delete bos/eos
    bos_eos_masks = (in_tokens == BOS) | (in_tokens == EOS)
    wdp = jnp.where(bos_eos_masks, False, wdp)
    # reordering = new_arange(in_tokens).masked_fill_(wdp, max_len).sort(1)[1]
    ar = jnp.broadcast_to(jnp.arange(max_len)[None, :], in_tokens.shape)
    keys = jnp.where(wdp, max_len, ar)
    reordering = jnp.argsort(keys, axis=1)  # stable, matches compaction semantics
    # out_tokens = in_tokens.masked_fill(wdp, pad).gather(1, reordering)
    out_tokens = jnp.take_along_axis(jnp.where(wdp, PAD, in_tokens), reordering, axis=1)
    # out_scores = in_scores.masked_fill(wdp, 0).gather(1, reordering)
    out_scores = jnp.take_along_axis(jnp.where(wdp, 0.0, in_scores), reordering, axis=1)
    # out_attn = in_attn.masked_fill(mask, 0.0).gather(1, reordering_expanded)
    mask3 = jnp.broadcast_to(wdp[:, :, None], in_attn.shape)
    reo3 = jnp.broadcast_to(reordering[:, :, None], in_attn.shape)
    out_attn = jnp.take_along_axis(jnp.where(mask3, 0.0, in_attn), reo3, axis=1)
    return (out_tokens, out_scores, out_attn)

if __name__ == "__main__":
    import jax
    _d = setup_inputs()
    print(jax.jit(kernel)(*tuple(_d.values())))

</pallas_src>

<mosaic_0001>
#map = affine_map<(d0, d1) -> (0, 0)>
module attributes {stable_mosaic.version = 14 : i64} {
  func.func @_body(%arg0: i32, %arg1: i32, %arg2: memref<16x2048xi32, #tpu.memory_space<hbm>>, %arg3: memref<16x2048xf32, #tpu.memory_space<hbm>>, %arg4: memref<32768x512xf32, #tpu.memory_space<hbm>>, %arg5: memref<16x2048xi32, #tpu.memory_space<hbm>>, %arg6: memref<16x2048xi32, #tpu.memory_space<hbm>>, %arg7: memref<16x2048xf32, #tpu.memory_space<hbm>>, %arg8: memref<32768x512xf32, #tpu.memory_space<hbm>>, %arg9: memref<2048xi32, #tpu.memory_space<vmem>>, %arg10: memref<2048xi32, #tpu.memory_space<vmem>>, %arg11: memref<2048xf32, #tpu.memory_space<vmem>>, %arg12: memref<2048xi32, #tpu.memory_space<vmem>>, %arg13: memref<2048xi32, #tpu.memory_space<vmem>>, %arg14: memref<2048xf32, #tpu.memory_space<vmem>>, %arg15: memref<16xi32, #tpu.memory_space<vmem>>, %arg16: memref<2048xi32, #tpu.memory_space<vmem>>, %arg17: memref<32x512xf32, #tpu.memory_space<vmem>>, %arg18: memref<32x512xf32, #tpu.memory_space<vmem>>, %arg19: memref<32x512xf32, #tpu.memory_space<vmem>>, %arg20: memref<32x512xf32, #tpu.memory_space<vmem>>, %arg21: memref<32x512xf32, #tpu.memory_space<vmem>>, %arg22: memref<32x512xf32, #tpu.memory_space<vmem>>, %arg23: memref<8x2048xi32, #tpu.memory_space<vmem_shared>>, %arg24: memref<8x128xi32, #tpu.memory_space<vmem_shared>>, %arg25: memref<!tpu.dma_semaphore, #tpu.memory_space<semaphore_mem>>, %arg26: memref<!tpu.dma_semaphore, #tpu.memory_space<semaphore_mem>>, %arg27: memref<!tpu.dma_semaphore, #tpu.memory_space<semaphore_mem>>, %arg28: memref<!tpu.dma_semaphore, #tpu.memory_space<semaphore_mem>>, %arg29: memref<!tpu.dma_semaphore, #tpu.memory_space<semaphore_mem>>, %arg30: memref<!tpu.dma_semaphore, #tpu.memory_space<semaphore_mem>>, %arg31: memref<!tpu.dma_semaphore, #tpu.memory_space<semaphore_mem>>, %arg32: memref<!tpu.dma_semaphore, #tpu.memory_space<semaphore_mem>>, %arg33: memref<!tpu.dma_semaphore, #tpu.memory_space<semaphore_mem>>, %arg34: memref<!tpu.dma_semaphore, #tpu.memory_space<semaphore_mem>>, %arg35: memref<!tpu.dma_semaphore, #tpu.memory_space<semaphore_mem>>, %arg36: memref<!tpu.dma_semaphore, #tpu.memory_space<semaphore_mem>>) attributes {dimension_semantics = [#tpu.dimension_semantics<core_parallel>, #tpu.dimension_semantics<subcore_parallel>], iteration_bounds = array<i64: 2, 16>, scalar_prefetch = 0 : i64, scratch_operands = 28 : i64, tpu.core_type = #tpu.core_type<sc_vector_subcore>, window_params = [{transform_indices = #map}, {transform_indices = #map}, {transform_indices = #map}, {transform_indices = #map}, {transform_indices = #map}, {transform_indices = #map}, {transform_indices = #map}]} {
    %scan3A = arith.constant 0 : i32
    %scan3A_0 = arith.constant 32 : i32
    %scan3A_1 = arith.addi %scan3A, %scan3A_0 : i32
    %scan3A_2 = arith.constant 1 : i32
    scf.for %scan3A_154 = %scan3A to %scan3A_1 step %scan3A_2  : i32 {
      %mul3A_155 = arith.constant 1 : i32
      %mul3A_156 = arith.muli %scan3A_154, %mul3A_155 : i32
      %add3A_157 = arith.constant 0 : i32
      %add3A_158 = arith.addi %add3A_157, %mul3A_156 : i32
      %scan3A_159 = arith.constant 0 : i32
      %scan3A_160 = arith.constant 32 : i32
      %scan3A_161 = arith.addi %scan3A_159, %scan3A_160 : i32
      %scan3A_162 = arith.constant 1 : i32
      scf.for %scan3A_164 = %scan3A_159 to %scan3A_161 step %scan3A_162  : i32 {
        %mul3A_165 = arith.constant 1 : i32
        %mul3A_166 = arith.muli %scan3A_164, %mul3A_165 : i32
        %add3A_167 = arith.constant 0 : i32
        %add3A_168 = arith.addi %add3A_167, %mul3A_166 : i32
        %broadcast_in_dim3A = arith.constant 0.000000e+00 : f32
        %broadcast_in_dim3A_169 = vector.broadcast %broadcast_in_dim3A : f32 to vector<16xf32>
        %mul3A_170 = arith.constant 16 : i32
        %mul3A_171 = arith.muli %add3A_168, %mul3A_170 : i32
        %swap3A = arith.index_cast %add3A_158 : i32 to index
        %swap3A_172 = arith.index_cast %mul3A_171 : i32 to index
        %swap3A_173 = tpu.vector_load %arg22[%swap3A, %swap3A_172] {strides = array<i32>} : memref<32x512xf32, #tpu.memory_space<vmem>>, vector<16xf32>,
        tpu.vector_store %arg22[%swap3A, %swap3A_172], %broadcast_in_dim3A_169 {strides = array<i32>} : memref<32x512xf32, #tpu.memory_space<vmem>>, vector<16xf32>,
      }
      %scan3A_163 = arith.constant 32 : i32
    }
    %scan3A_3 = arith.constant 32 : i32
    %lt3A = arith.constant 8 : i32
    %lt3A_4 = arith.cmpi slt, %arg1, %lt3A : i32
    %convert_element_type3A = arith.extui %lt3A_4 : i1 to i32
    %cond3A = arith.constant 0 : i32
    %cond3A_5 = arith.cmpi ne, %convert_element_type3A, %cond3A : i32
    scf.if %cond3A_5 {
      %mul3A_154 = arith.constant 8 : i32
      %mul3A_155 = arith.muli %arg0, %mul3A_154 : i32
      %add3A_156 = arith.addi %mul3A_155, %arg1 : i32
      %dma_start3A = arith.constant 0 : i32
      %dma_start3A_157 = tpu.memref_slice %arg2[%add3A_156, %dma_start3A] : memref<16x2048xi32, #tpu.memory_space<hbm>> -> memref<1x2048xi32, #tpu.memory_space<hbm>>
      %dma_start3A_158 = tpu.memref_squeeze %dma_start3A_157 : memref<1x2048xi32, #tpu.memory_space<hbm>> -> memref<2048xi32, #tpu.memory_space<hbm>>
      %dma_start3A_159 = arith.constant 0 : i32
      %dma_start3A_160 = tpu.memref_slice %arg2[%add3A_156, %dma_start3A_159] : memref<16x2048xi32, #tpu.memory_space<hbm>> -> memref<1x2048xi32, #tpu.memory_space<hbm>>
      %dma_start3A_161 = tpu.memref_squeeze %dma_start3A_160 : memref<1x2048xi32, #tpu.memory_space<hbm>> -> memref<2048xi32, #tpu.memory_space<hbm>>
      tpu.enqueue_dma source(%dma_start3A_161 : memref<2048xi32, #tpu.memory_space<hbm>>) target(%arg9 : memref<2048xi32, #tpu.memory_space<vmem>>) target_semaphore(%arg25 : memref<!tpu.dma_semaphore, #tpu.memory_space<semaphore_mem>>)
      %dma_start3A_162 = arith.constant 0 : i32
      %dma_start3A_163 = tpu.memref_slice %arg5[%add3A_156, %dma_start3A_162] : memref<16x2048xi32, #tpu.memory_space<hbm>> -> memref<1x2048xi32, #tpu.memory_space<hbm>>
      %dma_start3A_164 = tpu.memref_squeeze %dma_start3A_163 : memref<1x2048xi32, #tpu.memory_space<hbm>> -> memref<2048xi32, #tpu.memory_space<hbm>>
      %dma_start3A_165 = arith.constant 0 : i32
      %dma_start3A_166 = tpu.memref_slice %arg5[%add3A_156, %dma_start3A_165] : memref<16x2048xi32, #tpu.memory_space<hbm>> -> memref<1x2048xi32, #tpu.memory_space<hbm>>
      %dma_start3A_167 = tpu.memref_squeeze %dma_start3A_166 : memref<1x2048xi32, #tpu.memory_space<hbm>> -> memref<2048xi32, #tpu.memory_space<hbm>>
      tpu.enqueue_dma source(%dma_start3A_167 : memref<2048xi32, #tpu.memory_space<hbm>>) target(%arg10 : memref<2048xi32, #tpu.memory_space<vmem>>) target_semaphore(%arg26 : memref<!tpu.dma_semaphore, #tpu.memory_space<semaphore_mem>>)
      %dma_wait3A = arith.constant 0 : i32
      %dma_wait3A_168 = tpu.memref_slice %arg2[%add3A_156, %dma_wait3A] : memref<16x2048xi32, #tpu.memory_space<hbm>> -> memref<1x2048xi32, #tpu.memory_space<hbm>>
      %dma_wait3A_169 = tpu.memref_squeeze %dma_wait3A_168 : memref<1x2048xi32, #tpu.memory_space<hbm>> -> memref<2048xi32, #tpu.memory_space<hbm>>
      %dma_wait3A_170 = arith.constant 0 : i32
      %dma_wait3A_171 = tpu.memref_slice %arg2[%add3A_156, %dma_wait3A_170] : memref<16x2048xi32, #tpu.memory_space<hbm>> -> memref<1x2048xi32, #tpu.memory_space<hbm>>
      %dma_wait3A_172 = tpu.memref_squeeze %dma_wait3A_171 : memref<1x2048xi32, #tpu.memory_space<hbm>> -> memref<2048xi32, #tpu.memory_space<hbm>>
      tpu.wait_dma2 semaphore(%arg25 : memref<!tpu.dma_semaphore, #tpu.memory_space<semaphore_mem>>) src(%dma_wait3A_172 : memref<2048xi32, #tpu.memory_space<hbm>>) dst(%arg9 : memref<2048xi32, #tpu.memory_space<vmem>>)
      %dma_wait3A_173 = arith.constant 0 : i32
      %dma_wait3A_174 = tpu.memref_slice %arg5[%add3A_156, %dma_wait3A_173] : memref<16x2048xi32, #tpu.memory_space<hbm>> -> memref<1x2048xi32, #tpu.memory_space<hbm>>
      %dma_wait3A_175 = tpu.memref_squeeze %dma_wait3A_174 : memref<1x2048xi32, #tpu.memory_space<hbm>> -> memref<2048xi32, #tpu.memory_space<hbm>>
      %dma_wait3A_176 = arith.constant 0 : i32
      %dma_wait3A_177 = tpu.memref_slice %arg5[%add3A_156, %dma_wait3A_176] : memref<16x2048xi32, #tpu.memory_space<hbm>> -> memref<1x2048xi32, #tpu.memory_space<hbm>>
      %dma_wait3A_178 = tpu.memref_squeeze %dma_wait3A_177 : memref<1x2048xi32, #tpu.memory_space<hbm>> -> memref<2048xi32, #tpu.memory_space<hbm>>
      tpu.wait_dma2 semaphore(%arg26 : memref<!tpu.dma_semaphore, #tpu.memory_space<semaphore_mem>>) src(%dma_wait3A_178 : memref<2048xi32, #tpu.memory_space<hbm>>) dst(%arg10 : memref<2048xi32, #tpu.memory_space<vmem>>)
      %mul3A_179 = arith.constant 2048 : i32
      %mul3A_180 = arith.muli %add3A_156, %mul3A_179 : i32
      %scan3A_181 = arith.constant 0 : i32
      %scan3A_182 = arith.constant 128 : i32
      %scan3A_183 = arith.addi %scan3A_181, %scan3A_182 : i32
      %scan3A_184 = arith.constant 4 : i32
      scf.for %scan3A_194 = %scan3A_181 to %scan3A_183 step %scan3A_184  : i32 {
        %mul3A_195 = arith.constant 1 : i32
        %mul3A_196 = arith.muli %scan3A_194, %mul3A_195 : i32
        %add3A_197 = arith.constant 0 : i32
        %add3A_198 = arith.addi %add3A_197, %mul3A_196 : i32
        %broadcast_in_dim3A_199 = vector.broadcast %mul3A_180 : i32 to vector<16xi32>
        %mul3A_200 = arith.constant 16 : i32
        %mul3A_201 = arith.muli %add3A_198, %mul3A_200 : i32
        %swap3A_202 = arith.index_cast %mul3A_201 : i32 to index
        %swap3A_203 = tpu.vector_load %arg12[%swap3A_202] {strides = array<i32>} : memref<2048xi32, #tpu.memory_space<vmem>>, vector<16xi32>,
        tpu.vector_store %arg12[%swap3A_202], %broadcast_in_dim3A_199 {strides = array<i32>} : memref<2048xi32, #tpu.memory_space<vmem>>, vector<16xi32>,
        %scan3A_204 = arith.constant 1 : i32
        %scan3A_205 = arith.addi %scan3A_194, %scan3A_204 : i32
        %mul3A_206 = arith.constant 1 : i32
        %mul3A_207 = arith.muli %scan3A_205, %mul3A_206 : i32
        %add3A_208 = arith.constant 0 : i32
        %add3A_209 = arith.addi %add3A_208, %mul3A_207 : i32
        %broadcast_in_dim3A_210 = vector.broadcast %mul3A_180 : i32 to vector<16xi32>
        %mul3A_211 = arith.constant 16 : i32
        %mul3A_212 = arith.muli %add3A_209, %mul3A_211 : i32
        %swap3A_213 = arith.index_cast %mul3A_212 : i32 to index
        %swap3A_214 = tpu.vector_load %arg12[%swap3A_213] {strides = array<i32>} : memref<2048xi32, #tpu.memory_space<vmem>>, vector<16xi32>,
        tpu.vector_store %arg12[%swap3A_213], %broadcast_in_dim3A_210 {strides = array<i32>} : memref<2048xi32, #tpu.memory_space<vmem>>, vector<16xi32>,
        %scan3A_215 = arith.constant 2 : i32
        %scan3A_216 = arith.addi %scan3A_194, %scan3A_215 : i32
        %mul3A_217 = arith.constant 1 : i32
        %mul3A_218 = arith.muli %scan3A_216, %mul3A_217 : i32
        %add3A_219 = arith.constant 0 : i32
        %add3A_220 = arith.addi %add3A_219, %mul3A_218 : i32
        %broadcast_in_dim3A_221 = vector.broadcast %mul3A_180 : i32 to vector<16xi32>
        %mul3A_222 = arith.constant 16 : i32
        %mul3A_223 = arith.muli %add3A_220, %mul3A_222 : i32
        %swap3A_224 = arith.index_cast %mul3A_223 : i32 to index
        %swap3A_225 = tpu.vector_load %arg12[%swap3A_224] {strides = array<i32>} : memref<2048xi32, #tpu.memory_space<vmem>>, vector<16xi32>,
        tpu.vector_store %arg12[%swap3A_224], %broadcast_in_dim3A_221 {strides = array<i32>} : memref<2048xi32, #tpu.memory_space<vmem>>, vector<16xi32>,
        %scan3A_226 = arith.constant 3 : i32
        %scan3A_227 = arith.addi %scan3A_194, %scan3A_226 : i32
        %mul3A_228 = arith.constant 1 : i32
        %mul3A_229 = arith.muli %scan3A_227, %mul3A_228 : i32
        %add3A_230 = arith.constant 0 : i32
        %add3A_231 = arith.addi %add3A_230, %mul3A_229 : i32
        %broadcast_in_dim3A_232 = vector.broadcast %mul3A_180 : i32 to vector<16xi32>
        %mul3A_233 = arith.constant 16 : i32
        %mul3A_234 = arith.muli %add3A_231, %mul3A_233 : i32
        %swap3A_235 = arith.index_cast %mul3A_234 : i32 to index
        %swap3A_236 = tpu.vector_load %arg12[%swap3A_235] {strides = array<i32>} : memref<2048xi32, #tpu.memory_space<vmem>>, vector<16xi32>,
        tpu.vector_store %arg12[%swap3A_235], %broadcast_in_dim3A_232 {strides = array<i32>} : memref<2048xi32, #tpu.memory_space<vmem>>, vector<16xi32>,
      }
      %scan3A_185 = arith.constant 128 : i32
      %broadcast_in_dim3A = arith.constant 0 : i32
      %broadcast_in_dim3A_186 = vector.broadcast %broadcast_in_dim3A : i32 to vector<16xi32>
      %scan3A_187 = arith.constant 0 : i32
      %scan3A_188 = arith.constant 128 : i32
      %scan3A_189 = arith.addi %scan3A_187, %scan3A_188 : i32
      %scan3A_190 = arith.constant 4 : i32
      %scan3A_191 = scf.for %scan3A_194 = %scan3A_187 to %scan3A_189 step %scan3A_190 iter_args(%scan3A_195 = %broadcast_in_dim3A_186) -> (vector<16xi32>)  : i32 {
        %mul3A_196 = arith.constant 1 : i32
        %mul3A_197 = arith.muli %scan3A_194, %mul3A_196 : i32
        %add3A_198 = arith.constant 0 : i32
        %add3A_199 = arith.addi %add3A_198, %mul3A_197 : i32
        %mul3A_200 = arith.constant 16 : i32
        %mul3A_201 = arith.muli %add3A_199, %mul3A_200 : i32
        %get3A_202 = arith.index_cast %mul3A_201 : i32 to index
        %get3A_203 = tpu.vector_load %arg9[%get3A_202] {strides = array<i32>} : memref<2048xi32, #tpu.memory_space<vmem>>, vector<16xi32>,
        %get3A_204 = arith.index_cast %mul3A_201 : i32 to index
        %get3A_205 = tpu.vector_load %arg10[%get3A_204] {strides = array<i32>} : memref<2048xi32, #tpu.memory_space<vmem>>, vector<16xi32>,
        %ne3A_206 = arith.constant 0 : i32
        %ne3A_207 = vector.broadcast %ne3A_206 : i32 to vector<16xi32>
        %ne3A_208 = arith.cmpi ne, %get3A_205, %ne3A_207 : vector<16xi32>
        %eq3A_209 = arith.constant 0 : i32
        %eq3A_210 = vector.broadcast %eq3A_209 : i32 to vector<16xi32>
        %eq3A_211 = arith.cmpi eq, %get3A_203, %eq3A_210 : vector<16xi32>
        %eq3A_212 = arith.constant 1 : i32
        %eq3A_213 = vector.broadcast %eq3A_212 : i32 to vector<16xi32>
        %eq3A_214 = arith.cmpi eq, %get3A_203, %eq3A_213 : vector<16xi32>
        %eq3A_215 = arith.constant 2 : i32
        %eq3A_216 = vector.broadcast %eq3A_215 : i32 to vector<16xi32>
        %eq3A_217 = arith.cmpi eq, %get3A_203, %eq3A_216 : vector<16xi32>
        %or3A = arith.ori %eq3A_214, %eq3A_217 : vector<16xi1>
        %or3A_218 = arith.ori %ne3A_208, %eq3A_211 : vector<16xi1>
        %not3A = arith.constant dense<true> : vector<16xi1>
        %not3A_219 = arith.xori %or3A_218, %not3A : vector<16xi1>
        %or3A_220 = arith.ori %or3A, %not3A_219 : vector<16xi1>
        %broadcast_in_dim3A_221 = arith.constant 1 : i32
        %broadcast_in_dim3A_222 = vector.broadcast %broadcast_in_dim3A_221 : i32 to vector<16xi32>
        %broadcast_in_dim3A_223 = arith.constant 0 : i32
        %broadcast_in_dim3A_224 = vector.broadcast %broadcast_in_dim3A_223 : i32 to vector<16xi32>
        %select_n3A = arith.select %or3A_220, %broadcast_in_dim3A_222, %broadcast_in_dim3A_224 : vector<16xi1>, vector<16xi32>
        %broadcast_in_dim3A_225 = arith.constant true
        %broadcast_in_dim3A_226 = vector.broadcast %broadcast_in_dim3A_225 : i1 to vector<16xi1>
        %masked_cumsum3A = tpu.scan <sum>, %select_n3A masked %broadcast_in_dim3A_226 : vector<16xi32>, vector<16xi1> -> vector<16xi32>
        %add3A_227 = arith.addi %scan3A_195, %masked_cumsum3A : vector<16xi32>
        %sub3A_228 = arith.subi %add3A_227, %select_n3A : vector<16xi32>
        %add3A_229 = arith.addi %mul3A_180, %mul3A_201 : i32
        %iota3A = tpu.iota {dimensions = array<i32: 0>} : vector<16xi32>
        %add3A_230 = vector.broadcast %add3A_229 : i32 to vector<16xi32>
        %add3A_231 = arith.addi %add3A_230, %iota3A : vector<16xi32>
        tpu.vector_store_idx %arg12[%sub3A_228], %add3A_231 masked %or3A_220 : memref<2048xi32, #tpu.memory_space<vmem>>[vector<16xi32>], vector<16xi32>, vector<16xi1>
        %all_reduce_population_count3A = tpu.all_reduce %or3A_220 {dim = 0 : i64, kind = #tpu.reduction_kind<sum>} : vector<16xi1> -> vector<16xi32>
        %add3A_232 = arith.addi %scan3A_195, %all_reduce_population_count3A : vector<16xi32>
        %scan3A_233 = arith.constant 1 : i32
        %scan3A_234 = arith.addi %scan3A_194, %scan3A_233 : i32
        %mul3A_235 = arith.constant 1 : i32
        %mul3A_236 = arith.muli %scan3A_234, %mul3A_235 : i32
        %add3A_237 = arith.constant 0 : i32
        %add3A_238 = arith.addi %add3A_237, %mul3A_236 : i32
        %mul3A_239 = arith.constant 16 : i32
        %mul3A_240 = arith.muli %add3A_238, %mul3A_239 : i32
        %get3A_241 = arith.index_cast %mul3A_240 : i32 to index
        %get3A_242 = tpu.vector_load %arg9[%get3A_241] {strides = array<i32>} : memref<2048xi32, #tpu.memory_space<vmem>>, vector<16xi32>,
        %get3A_243 = arith.index_cast %mul3A_240 : i32 to index
        %get3A_244 = tpu.vector_load %arg10[%get3A_243] {strides = array<i32>} : memref<2048xi32, #tpu.memory_space<vmem>>, vector<16xi32>,
        %ne3A_245 = arith.constant 0 : i32
        %ne3A_246 = vector.broadcast %ne3A_245 : i32 to vector<16xi32>
        %ne3A_247 = arith.cmpi ne, %get3A_244, %ne3A_246 : vector<16xi32>
        %eq3A_248 = arith.constant 0 : i32
        %eq3A_249 = vector.broadcast %eq3A_248 : i32 to vector<16xi32>
        %eq3A_250 = arith.cmpi eq, %get3A_242, %eq3A_249 : vector<16xi32>
        %eq3A_251 = arith.constant 1 : i32
        %eq3A_252 = vector.broadcast %eq3A_251 : i32 to vector<16xi32>
        %eq3A_253 = arith.cmpi eq, %get3A_242, %eq3A_252 : vector<16xi32>
        %eq3A_254 = arith.constant 2 : i32
        %eq3A_255 = vector.broadcast %eq3A_254 : i32 to vector<16xi32>
        %eq3A_256 = arith.cmpi eq, %get3A_242, %eq3A_255 : vector<16xi32>
        %or3A_257 = arith.ori %eq3A_253, %eq3A_256 : vector<16xi1>
        %or3A_258 = arith.ori %ne3A_247, %eq3A_250 : vector<16xi1>
        %not3A_259 = arith.constant dense<true> : vector<16xi1>
        %not3A_260 = arith.xori %or3A_258, %not3A_259 : vector<16xi1>
        %or3A_261 = arith.ori %or3A_257, %not3A_260 : vector<16xi1>
        %broadcast_in_dim3A_262 = arith.constant 1 : i32
        %broadcast_in_dim3A_263 = vector.broadcast %broadcast_in_dim3A_262 : i32 to vector<16xi32>
        %broadcast_in_dim3A_264 = arith.constant 0 : i32
        %broadcast_in_dim3A_265 = vector.broadcast %broadcast_in_dim3A_264 : i32 to vector<16xi32>
        %select_n3A_266 = arith.select %or3A_261, %broadcast_in_dim3A_263, %broadcast_in_dim3A_265 : vector<16xi1>, vector<16xi32>
        %broadcast_in_dim3A_267 = arith.constant true
        %broadcast_in_dim3A_268 = vector.broadcast %broadcast_in_dim3A_267 : i1 to vector<16xi1>
        %masked_cumsum3A_269 = tpu.scan <sum>, %select_n3A_266 masked %broadcast_in_dim3A_268 : vector<16xi32>, vector<16xi1> -> vector<16xi32>
        %add3A_270 = arith.addi %add3A_232, %masked_cumsum3A_269 : vector<16xi32>
        %sub3A_271 = arith.subi %add3A_270, %select_n3A_266 : vector<16xi32>
        %add3A_272 = arith.addi %mul3A_180, %mul3A_240 : i32
        %iota3A_273 = tpu.iota {dimensions = array<i32: 0>} : vector<16xi32>
        %add3A_274 = vector.broadcast %add3A_272 : i32 to vector<16xi32>
        %add3A_275 = arith.addi %add3A_274, %iota3A_273 : vector<16xi32>
        tpu.vector_store_idx %arg12[%sub3A_271], %add3A_275 masked %or3A_261 : memref<2048xi32, #tpu.memory_space<vmem>>[vector<16xi32>], vector<16xi32>, vector<16xi1>
        %all_reduce_population_count3A_276 = tpu.all_reduce %or3A_261 {dim = 0 : i64, kind = #tpu.reduction_kind<sum>} : vector<16xi1> -> vector<16xi32>
        %add3A_277 = arith.addi %add3A_232, %all_reduce_population_count3A_276 : vector<16xi32>
        %scan3A_278 = arith.constant 2 : i32
        %scan3A_279 = arith.addi %scan3A_194, %scan3A_278 : i32
        %mul3A_280 = arith.constant 1 : i32
        %mul3A_281 = arith.muli %scan3A_279, %mul3A_280 : i32
        %add3A_282 = arith.constant 0 : i32
        %add3A_283 = arith.addi %add3A_282, %mul3A_281 : i32
        %mul3A_284 = arith.constant 16 : i32
        %mul3A_285 = arith.muli %add3A_283, %mul3A_284 : i32
        %get3A_286 = arith.index_cast %mul3A_285 : i32 to index
        %get3A_287 = tpu.vector_load %arg9[%get3A_286] {strides = array<i32>} : memref<2048xi32, #tpu.memory_space<vmem>>, vector<16xi32>,
        %get3A_288 = arith.index_cast %mul3A_285 : i32 to index
        %get3A_289 = tpu.vector_load %arg10[%get3A_288] {strides = array<i32>} : memref<2048xi32, #tpu.memory_space<vmem>>, vector<16xi32>,
        %ne3A_290 = arith.constant 0 : i32
        %ne3A_291 = vector.broadcast %ne3A_290 : i32 to vector<16xi32>
        %ne3A_292 = arith.cmpi ne, %get3A_289, %ne3A_291 : vector<16xi32>
        %eq3A_293 = arith.constant 0 : i32
        %eq3A_294 = vector.broadcast %eq3A_293 : i32 to vector<16xi32>
        %eq3A_295 = arith.cmpi eq, %get3A_287, %eq3A_294 : vector<16xi32>
        %eq3A_296 = arith.constant 1 : i32
        %eq3A_297 = vector.broadcast %eq3A_296 : i32 to vector<16xi32>
        %eq3A_298 = arith.cmpi eq, %get3A_287, %eq3A_297 : vector<16xi32>
        %eq3A_299 = arith.constant 2 : i32
        %eq3A_300 = vector.broadcast %eq3A_299 : i32 to vector<16xi32>
        %eq3A_301 = arith.cmpi eq, %get3A_287, %eq3A_300 : vector<16xi32>
        %or3A_302 = arith.ori %eq3A_298, %eq3A_301 : vector<16xi1>
        %or3A_303 = arith.ori %ne3A_292, %eq3A_295 : vector<16xi1>
        %not3A_304 = arith.constant dense<true> : vector<16xi1>
        %not3A_305 = arith.xori %or3A_303, %not3A_304 : vector<16xi1>
        %or3A_306 = arith.ori %or3A_302, %not3A_305 : vector<16xi1>
        %broadcast_in_dim3A_307 = arith.constant 1 : i32
        %broadcast_in_dim3A_308 = vector.broadcast %broadcast_in_dim3A_307 : i32 to vector<16xi32>
        %broadcast_in_dim3A_309 = arith.constant 0 : i32
        %broadcast_in_dim3A_310 = vector.broadcast %broadcast_in_dim3A_309 : i32 to vector<16xi32>
        %select_n3A_311 = arith.select %or3A_306, %broadcast_in_dim3A_308, %broadcast_in_dim3A_310 : vector<16xi1>, vector<16xi32>
        %broadcast_in_dim3A_312 = arith.constant true
        %broadcast_in_dim3A_313 = vector.broadcast %broadcast_in_dim3A_312 : i1 to vector<16xi1>
        %masked_cumsum3A_314 = tpu.scan <sum>, %select_n3A_311 masked %broadcast_in_dim3A_313 : vector<16xi32>, vector<16xi1> -> vector<16xi32>
        %add3A_315 = arith.addi %add3A_277, %masked_cumsum3A_314 : vector<16xi32>
        %sub3A_316 = arith.subi %add3A_315, %select_n3A_311 : vector<16xi32>
        %add3A_317 = arith.addi %mul3A_180, %mul3A_285 : i32
        %iota3A_318 = tpu.iota {dimensions = array<i32: 0>} : vector<16xi32>
        %add3A_319 = vector.broadcast %add3A_317 : i32 to vector<16xi32>
        %add3A_320 = arith.addi %add3A_319, %iota3A_318 : vector<16xi32>
        tpu.vector_store_idx %arg12[%sub3A_316], %add3A_320 masked %or3A_306 : memref<2048xi32, #tpu.memory_space<vmem>>[vector<16xi32>], vector<16xi32>, vector<16xi1>
        %all_reduce_population_count3A_321 = tpu.all_reduce %or3A_306 {dim = 0 : i64, kind = #tpu.reduction_kind<sum>} : vector<16xi1> -> vector<16xi32>
        %add3A_322 = arith.addi %add3A_277, %all_reduce_population_count3A_321 : vector<16xi32>
        %scan3A_323 = arith.constant 3 : i32
        %scan3A_324 = arith.addi %scan3A_194, %scan3A_323 : i32
        %mul3A_325 = arith.constant 1 : i32
        %mul3A_326 = arith.muli %scan3A_324, %mul3A_325 : i32
        %add3A_327 = arith.constant 0 : i32
        %add3A_328 = arith.addi %add3A_327, %mul3A_326 : i32
        %mul3A_329 = arith.constant 16 : i32
        %mul3A_330 = arith.muli %add3A_328, %mul3A_329 : i32
        %get3A_331 = arith.index_cast %mul3A_330 : i32 to index
        %get3A_332 = tpu.vector_load %arg9[%get3A_331] {strides = array<i32>} : memref<2048xi32, #tpu.memory_space<vmem>>, vector<16xi32>,
        %get3A_333 = arith.index_cast %mul3A_330 : i32 to index
        %get3A_334 = tpu.vector_load %arg10[%get3A_333] {strides = array<i32>} : memref<2048xi32, #tpu.memory_space<vmem>>, vector<16xi32>,
        %ne3A_335 = arith.constant 0 : i32
        %ne3A_336 = vector.broadcast %ne3A_335 : i32 to vector<16xi32>
        %ne3A_337 = arith.cmpi ne, %get3A_334, %ne3A_336 : vector<16xi32>
        %eq3A_338 = arith.constant 0 : i32
        %eq3A_339 = vector.broadcast %eq3A_338 : i32 to vector<16xi32>
        %eq3A_340 = arith.cmpi eq, %get3A_332, %eq3A_339 : vector<16xi32>
        %eq3A_341 = arith.constant 1 : i32
        %eq3A_342 = vector.broadcast %eq3A_341 : i32 to vector<16xi32>
        %eq3A_343 = arith.cmpi eq, %get3A_332, %eq3A_342 : vector<16xi32>
        %eq3A_344 = arith.constant 2 : i32
        %eq3A_345 = vector.broadcast %eq3A_344 : i32 to vector<16xi32>
        %eq3A_346 = arith.cmpi eq, %get3A_332, %eq3A_345 : vector<16xi32>
        %or3A_347 = arith.ori %eq3A_343, %eq3A_346 : vector<16xi1>
        %or3A_348 = arith.ori %ne3A_337, %eq3A_340 : vector<16xi1>
        %not3A_349 = arith.constant dense<true> : vector<16xi1>
        %not3A_350 = arith.xori %or3A_348, %not3A_349 : vector<16xi1>
        %or3A_351 = arith.ori %or3A_347, %not3A_350 : vector<16xi1>
        %broadcast_in_dim3A_352 = arith.constant 1 : i32
        %broadcast_in_dim3A_353 = vector.broadcast %broadcast_in_dim3A_352 : i32 to vector<16xi32>
        %broadcast_in_dim3A_354 = arith.constant 0 : i32
        %broadcast_in_dim3A_355 = vector.broadcast %broadcast_in_dim3A_354 : i32 to vector<16xi32>
        %select_n3A_356 = arith.select %or3A_351, %broadcast_in_dim3A_353, %broadcast_in_dim3A_355 : vector<16xi1>, vector<16xi32>
        %broadcast_in_dim3A_357 = arith.constant true
        %broadcast_in_dim3A_358 = vector.broadcast %broadcast_in_dim3A_357 : i1 to vector<16xi1>
        %masked_cumsum3A_359 = tpu.scan <sum>, %select_n3A_356 masked %broadcast_in_dim3A_358 : vector<16xi32>, vector<16xi1> -> vector<16xi32>
        %add3A_360 = arith.addi %add3A_322, %masked_cumsum3A_359 : vector<16xi32>
        %sub3A_361 = arith.subi %add3A_360, %select_n3A_356 : vector<16xi32>
        %add3A_362 = arith.addi %mul3A_180, %mul3A_330 : i32
        %iota3A_363 = tpu.iota {dimensions = array<i32: 0>} : vector<16xi32>
        %add3A_364 = vector.broadcast %add3A_362 : i32 to vector<16xi32>
        %add3A_365 = arith.addi %add3A_364, %iota3A_363 : vector<16xi32>
        tpu.vector_store_idx %arg12[%sub3A_361], %add3A_365 masked %or3A_351 : memref<2048xi32, #tpu.memory_space<vmem>>[vector<16xi32>], vector<16xi32>, vector<16xi1>
        %all_reduce_population_count3A_366 = tpu.all_reduce %or3A_351 {dim = 0 : i64, kind = #tpu.reduction_kind<sum>} : vector<16xi1> -> vector<16xi32>
        %add3A_367 = arith.addi %add3A_322, %all_reduce_population_count3A_366 : vector<16xi32>
        scf.yield %add3A_367 : vector<16xi32>
      }
      %scan3A_192 = arith.constant 128 : i32
      %swap3A = arith.constant 0 : index
      %swap3A_193 = tpu.vector_load %arg15[%swap3A] {strides = array<i32>} : memref<16xi32, #tpu.memory_space<vmem>>, vector<16xi32>,
      tpu.vector_store %arg15[%swap3A], %scan3A_191 {strides = array<i32>} : memref<16xi32, #tpu.memory_space<vmem>>, vector<16xi32>,
      "tpu.region"() ({
        %run_scoped3A = tpu.sem_alloc : memref<!tpu.dma_semaphore, #tpu.memory_space<semaphore_mem>>
        %dma_start3A_194 = arith.constant 0 : i32
        %dma_start3A_195 = tpu.memref_slice %arg23[%arg1, %dma_start3A_194] : memref<8x2048xi32, #tpu.memory_space<vmem_shared>> -> memref<1x2048xi32, #tpu.memory_space<vmem_shared>>
        %dma_start3A_196 = tpu.memref_squeeze %dma_start3A_195 : memref<1x2048xi32, #tpu.memory_space<vmem_shared>> -> memref<2048xi32, #tpu.memory_space<vmem_shared>>
        %dma_start3A_197 = arith.constant 0 : i32
        %dma_start3A_198 = tpu.memref_slice %arg23[%arg1, %dma_start3A_197] : memref<8x2048xi32, #tpu.memory_space<vmem_shared>> -> memref<1x2048xi32, #tpu.memory_space<vmem_shared>>
        %dma_start3A_199 = tpu.memref_squeeze %dma_start3A_198 : memref<1x2048xi32, #tpu.memory_space<vmem_shared>> -> memref<2048xi32, #tpu.memory_space<vmem_shared>>
        tpu.enqueue_dma source(%arg12 : memref<2048xi32, #tpu.memory_space<vmem>>) target(%dma_start3A_199 : memref<2048xi32, #tpu.memory_space<vmem_shared>>) target_semaphore(%run_scoped3A : memref<!tpu.dma_semaphore, #tpu.memory_space<semaphore_mem>>)
        %dma_wait3A_200 = arith.constant 0 : i32
        %dma_wait3A_201 = tpu.memref_slice %arg23[%arg1, %dma_wait3A_200] : memref<8x2048xi32, #tpu.memory_space<vmem_shared>> -> memref<1x2048xi32, #tpu.memory_space<vmem_shared>>
        %dma_wait3A_202 = tpu.memref_squeeze %dma_wait3A_201 : memref<1x2048xi32, #tpu.memory_space<vmem_shared>> -> memref<2048xi32, #tpu.memory_space<vmem_shared>>
        %dma_wait3A_203 = arith.constant 0 : i32
        %dma_wait3A_204 = tpu.memref_slice %arg23[%arg1, %dma_wait3A_203] : memref<8x2048xi32, #tpu.memory_space<vmem_shared>> -> memref<1x2048xi32, #tpu.memory_space<vmem_shared>>
        %dma_wait3A_205 = tpu.memref_squeeze %dma_wait3A_204 : memref<1x2048xi32, #tpu.memory_space<vmem_shared>> -> memref<2048xi32, #tpu.memory_space<vmem_shared>>
        tpu.wait_dma2 semaphore(%run_scoped3A : memref<!tpu.dma_semaphore, #tpu.memory_space<semaphore_mem>>) src(%arg12 : memref<2048xi32, #tpu.memory_space<vmem>>) dst(%dma_wait3A_205 : memref<2048xi32, #tpu.memory_space<vmem_shared>>)
        tpu.yield
      }) : () -> ()
      "tpu.region"() ({
        %run_scoped3A = tpu.sem_alloc : memref<!tpu.dma_semaphore, #tpu.memory_space<semaphore_mem>>
        %dma_start3A_194 = arith.constant 0 : i32
        %dma_start3A_195 = tpu.memref_slice %arg24[%arg1, %dma_start3A_194] : memref<8x128xi32, #tpu.memory_space<vmem_shared>> -> memref<1x16xi32, #tpu.memory_space<vmem_shared>>
        %dma_start3A_196 = tpu.memref_squeeze %dma_start3A_195 : memref<1x16xi32, #tpu.memory_space<vmem_shared>> -> memref<16xi32, #tpu.memory_space<vmem_shared>>
        %dma_start3A_197 = arith.constant 0 : i32
        %dma_start3A_198 = tpu.memref_slice %arg24[%arg1, %dma_start3A_197] : memref<8x128xi32, #tpu.memory_space<vmem_shared>> -> memref<1x16xi32, #tpu.memory_space<vmem_shared>>
        %dma_start3A_199 = tpu.memref_squeeze %dma_start3A_198 : memref<1x16xi32, #tpu.memory_space<vmem_shared>> -> memref<16xi32, #tpu.memory_space<vmem_shared>>
        tpu.enqueue_dma source(%arg15 : memref<16xi32, #tpu.memory_space<vmem>>) target(%dma_start3A_199 : memref<16xi32, #tpu.memory_space<vmem_shared>>) target_semaphore(%run_scoped3A : memref<!tpu.dma_semaphore, #tpu.memory_space<semaphore_mem>>)
        %dma_wait3A_200 = arith.constant 0 : i32
        %dma_wait3A_201 = tpu.memref_slice %arg24[%arg1, %dma_wait3A_200] : memref<8x128xi32, #tpu.memory_space<vmem_shared>> -> memref<1x16xi32, #tpu.memory_space<vmem_shared>>
        %dma_wait3A_202 = tpu.memref_squeeze %dma_wait3A_201 : memref<1x16xi32, #tpu.memory_space<vmem_shared>> -> memref<16xi32, #tpu.memory_space<vmem_shared>>
        %dma_wait3A_203 = arith.constant 0 : i32
        %dma_wait3A_204 = tpu.memref_slice %arg24[%arg1, %dma_wait3A_203] : memref<8x128xi32, #tpu.memory_space<vmem_shared>> -> memref<1x16xi32, #tpu.memory_space<vmem_shared>>
        %dma_wait3A_205 = tpu.memref_squeeze %dma_wait3A_204 : memref<1x16xi32, #tpu.memory_space<vmem_shared>> -> memref<16xi32, #tpu.memory_space<vmem_shared>>
        tpu.wait_dma2 semaphore(%run_scoped3A : memref<!tpu.dma_semaphore, #tpu.memory_space<semaphore_mem>>) src(%arg15 : memref<16xi32, #tpu.memory_space<vmem>>) dst(%dma_wait3A_205 : memref<16xi32, #tpu.memory_space<vmem_shared>>)
        tpu.yield
      }) : () -> ()
    } else {
    }
    %barrier3A = arith.constant 0 : index
    tpu.barrier barrier_id(%barrier3A)
    %rem3A = arith.constant 8 : i32
    %rem3A_6 = arith.remsi %arg1, %rem3A : i32
    %div3A = arith.constant 8 : i32
    %div3A_7 = arith.divsi %arg1, %div3A : i32
    %mul3A = arith.constant 8 : i32
    %mul3A_8 = arith.muli %arg0, %mul3A : i32
    %add3A = arith.addi %mul3A_8, %rem3A_6 : i32
    "tpu.region"() ({
      %run_scoped3A = tpu.sem_alloc : memref<!tpu.dma_semaphore, #tpu.memory_space<semaphore_mem>>
      %dma_start3A = arith.constant 0 : i32
      %dma_start3A_154 = tpu.memref_slice %arg23[%rem3A_6, %dma_start3A] : memref<8x2048xi32, #tpu.memory_space<vmem_shared>> -> memref<1x2048xi32, #tpu.memory_space<vmem_shared>>
      %dma_start3A_155 = tpu.memref_squeeze %dma_start3A_154 : memref<1x2048xi32, #tpu.memory_space<vmem_shared>> -> memref<2048xi32, #tpu.memory_space<vmem_shared>>
      %dma_start3A_156 = arith.constant 0 : i32
      %dma_start3A_157 = tpu.memref_slice %arg23[%rem3A_6, %dma_start3A_156] : memref<8x2048xi32, #tpu.memory_space<vmem_shared>> -> memref<1x2048xi32, #tpu.memory_space<vmem_shared>>
      %dma_start3A_158 = tpu.memref_squeeze %dma_start3A_157 : memref<1x2048xi32, #tpu.memory_space<vmem_shared>> -> memref<2048xi32, #tpu.memory_space<vmem_shared>>
      tpu.enqueue_dma source(%dma_start3A_158 : memref<2048xi32, #tpu.memory_space<vmem_shared>>) target(%arg16 : memref<2048xi32, #tpu.memory_space<vmem>>) target_semaphore(%run_scoped3A : memref<!tpu.dma_semaphore, #tpu.memory_space<semaphore_mem>>)
      %dma_wait3A = arith.constant 0 : i32
      %dma_wait3A_159 = tpu.memref_slice %arg23[%rem3A_6, %dma_wait3A] : memref<8x2048xi32, #tpu.memory_space<vmem_shared>> -> memref<1x2048xi32, #tpu.memory_space<vmem_shared>>
      %dma_wait3A_160 = tpu.memref_squeeze %dma_wait3A_159 : memref<1x2048xi32, #tpu.memory_space<vmem_shared>> -> memref<2048xi32, #tpu.memory_space<vmem_shared>>
      %dma_wait3A_161 = arith.constant 0 : i32
      %dma_wait3A_162 = tpu.memref_slice %arg23[%rem3A_6, %dma_wait3A_161] : memref<8x2048xi32, #tpu.memory_space<vmem_shared>> -> memref<1x2048xi32, #tpu.memory_space<vmem_shared>>
      %dma_wait3A_163 = tpu.memref_squeeze %dma_wait3A_162 : memref<1x2048xi32, #tpu.memory_space<vmem_shared>> -> memref<2048xi32, #tpu.memory_space<vmem_shared>>
      tpu.wait_dma2 semaphore(%run_scoped3A : memref<!tpu.dma_semaphore, #tpu.memory_space<semaphore_mem>>) src(%dma_wait3A_163 : memref<2048xi32, #tpu.memory_space<vmem_shared>>) dst(%arg16 : memref<2048xi32, #tpu.memory_space<vmem>>)
      tpu.yield
    }) : () -> ()
    "tpu.region"() ({
      %run_scoped3A = tpu.sem_alloc : memref<!tpu.dma_semaphore, #tpu.memory_space<semaphore_mem>>
      %dma_start3A = arith.constant 0 : i32
      %dma_start3A_154 = tpu.memref_slice %arg24[%rem3A_6, %dma_start3A] : memref<8x128xi32, #tpu.memory_space<vmem_shared>> -> memref<1x16xi32, #tpu.memory_space<vmem_shared>>
      %dma_start3A_155 = tpu.memref_squeeze %dma_start3A_154 : memref<1x16xi32, #tpu.memory_space<vmem_shared>> -> memref<16xi32, #tpu.memory_space<vmem_shared>>
      %dma_start3A_156 = arith.constant 0 : i32
      %dma_start3A_157 = tpu.memref_slice %arg24[%rem3A_6, %dma_start3A_156] : memref<8x128xi32, #tpu.memory_space<vmem_shared>> -> memref<1x16xi32, #tpu.memory_space<vmem_shared>>
      %dma_start3A_158 = tpu.memref_squeeze %dma_start3A_157 : memref<1x16xi32, #tpu.memory_space<vmem_shared>> -> memref<16xi32, #tpu.memory_space<vmem_shared>>
      tpu.enqueue_dma source(%dma_start3A_158 : memref<16xi32, #tpu.memory_space<vmem_shared>>) target(%arg15 : memref<16xi32, #tpu.memory_space<vmem>>) target_semaphore(%run_scoped3A : memref<!tpu.dma_semaphore, #tpu.memory_space<semaphore_mem>>)
      %dma_wait3A = arith.constant 0 : i32
      %dma_wait3A_159 = tpu.memref_slice %arg24[%rem3A_6, %dma_wait3A] : memref<8x128xi32, #tpu.memory_space<vmem_shared>> -> memref<1x16xi32, #tpu.memory_space<vmem_shared>>
      %dma_wait3A_160 = tpu.memref_squeeze %dma_wait3A_159 : memref<1x16xi32, #tpu.memory_space<vmem_shared>> -> memref<16xi32, #tpu.memory_space<vmem_shared>>
      %dma_wait3A_161 = arith.constant 0 : i32
      %dma_wait3A_162 = tpu.memref_slice %arg24[%rem3A_6, %dma_wait3A_161] : memref<8x128xi32, #tpu.memory_space<vmem_shared>> -> memref<1x16xi32, #tpu.memory_space<vmem_shared>>
      %dma_wait3A_163 = tpu.memref_squeeze %dma_wait3A_162 : memref<1x16xi32, #tpu.memory_space<vmem_shared>> -> memref<16xi32, #tpu.memory_space<vmem_shared>>
      tpu.wait_dma2 semaphore(%run_scoped3A : memref<!tpu.dma_semaphore, #tpu.memory_space<semaphore_mem>>) src(%dma_wait3A_163 : memref<16xi32, #tpu.memory_space<vmem_shared>>) dst(%arg15 : memref<16xi32, #tpu.memory_space<vmem>>)
      tpu.yield
    }) : () -> ()
    %get3A = arith.constant 0 : index
    %get3A_9 = tpu.vector_load %arg15[%get3A] {strides = array<i32>} : memref<16xi32, #tpu.memory_space<vmem>>, vector<16xi32>,
    %reduce_max3A = arith.constant true
    %reduce_max3A_10 = vector.broadcast %reduce_max3A : i1 to vector<16xi1>
    %reduce_max3A_11 = arith.constant -2147483648 : i32
    %reduce_max3A_12 = vector.broadcast %reduce_max3A_11 : i32 to vector<16xi32>
    %reduce_max3A_13 = arith.xori %get3A_9, %reduce_max3A_12 : vector<16xi32>
    %reduce_max3A_14 = tpu.scan <max>, %reduce_max3A_13 masked %reduce_max3A_10 : vector<16xi32>, vector<16xi1> -> vector<16xi32>
    %reduce_max3A_15 = arith.xori %reduce_max3A_14, %reduce_max3A_12 : vector<16xi32>
    %reduce_max3A_16 = vector.extract %reduce_max3A_15[15] : i32 from vector<16xi32>
    %mul3A_17 = arith.constant 2048 : i32
    %mul3A_18 = arith.muli %add3A, %mul3A_17 : i32
    %div3A_19 = arith.constant 32 : i32
    %div3A_20 = arith.divsi %reduce_max3A_16, %div3A_19 : i32
    %rem3A_21 = arith.constant 32 : i32
    %rem3A_22 = arith.remsi %reduce_max3A_16, %rem3A_21 : i32
    %add3A_23 = arith.constant 31 : i32
    %add3A_24 = arith.addi %reduce_max3A_16, %add3A_23 : i32
    %div3A_25 = arith.constant 32 : i32
    %div3A_26 = arith.divsi %add3A_24, %div3A_25 : i32
    %sub3A = arith.subi %div3A_20, %div3A_7 : i32
    %add3A_27 = arith.constant 1 : i32
    %add3A_28 = arith.addi %sub3A, %add3A_27 : i32
    %div3A_29 = arith.constant 2 : i32
    %div3A_30 = arith.divsi %add3A_28, %div3A_29 : i32
    %sub3A_31 = arith.subi %div3A_26, %div3A_7 : i32
    %add3A_32 = arith.constant 1 : i32
    %add3A_33 = arith.addi %sub3A_31, %add3A_32 : i32
    %div3A_34 = arith.constant 2 : i32
    %div3A_35 = arith.divsi %add3A_33, %div3A_34 : i32
    %sub3A_36 = arith.constant 32 : i32
    %sub3A_37 = arith.subi %sub3A_36, %div3A_35 : i32
    %sub3A_38 = arith.constant 1 : i32
    %sub3A_39 = arith.constant 1 : i32
    %sub3A_40 = arith.subi %sub3A_38, %sub3A_39 : i32
    %add3A_41 = arith.addi %sub3A_37, %sub3A_40 : i32
    %div3A_42 = arith.constant 1 : i32
    %div3A_43 = arith.divsi %add3A_41, %div3A_42 : i32
    %while3A = arith.constant 1 : i32
    %while3A_44 = arith.constant 0 : i32
    %while3A_45 = arith.subi %div3A_43, %while3A_44 : i32
    %while3A_46 = arith.addi %while3A_44, %while3A_45 : i32
    %while3A_47 = arith.constant 1 : i32
    %while3A_48 = arith.divsi %while3A_45, %while3A_47 : i32
    %while3A_49 = arith.muli %while3A_48, %while3A_47 : i32
    %while3A_50 = arith.addi %while3A_44, %while3A_49 : i32
    %while3A_51 = arith.constant 1 : i32
    scf.for %while3A_154 = %while3A_44 to %while3A_50 step %while3A_51  : i32 {
      %mul3A_155 = arith.muli %while3A_154, %while3A : i32
      %add3A_156 = arith.addi %div3A_35, %mul3A_155 : i32
      %mul3A_157 = arith.constant 2 : i32
      %mul3A_158 = arith.muli %mul3A_157, %add3A_156 : i32
      %add3A_159 = arith.addi %mul3A_158, %div3A_7 : i32
      %mul3A_160 = arith.constant 32 : i32
      %mul3A_161 = arith.muli %add3A_159, %mul3A_160 : i32
      %add3A_162 = arith.addi %mul3A_18, %mul3A_161 : i32
      %dma_start3A = arith.constant 0 : i32
      %dma_start3A_163 = tpu.memref_slice %arg8[%add3A_162, %dma_start3A] : memref<32768x512xf32, #tpu.memory_space<hbm>> -> memref<32x512xf32, #tpu.memory_space<hbm>>
      %dma_start3A_164 = arith.constant 0 : i32
      %dma_start3A_165 = tpu.memref_slice %arg8[%add3A_162, %dma_start3A_164] : memref<32768x512xf32, #tpu.memory_space<hbm>> -> memref<32x512xf32, #tpu.memory_space<hbm>>
      tpu.enqueue_dma source(%arg22 : memref<32x512xf32, #tpu.memory_space<vmem>>) target(%dma_start3A_165 : memref<32x512xf32, #tpu.memory_space<hbm>>) target_semaphore(%arg26 : memref<!tpu.dma_semaphore, #tpu.memory_space<semaphore_mem>>)
    }
    %while3A_52 = arith.constant 1 : i32
    scf.for %while3A_154 = %while3A_50 to %while3A_46 step %while3A_52  : i32 {
      %mul3A_155 = arith.muli %while3A_154, %while3A : i32
      %add3A_156 = arith.addi %div3A_35, %mul3A_155 : i32
      %mul3A_157 = arith.constant 2 : i32
      %mul3A_158 = arith.muli %mul3A_157, %add3A_156 : i32
      %add3A_159 = arith.addi %mul3A_158, %div3A_7 : i32
      %mul3A_160 = arith.constant 32 : i32
      %mul3A_161 = arith.muli %add3A_159, %mul3A_160 : i32
      %add3A_162 = arith.addi %mul3A_18, %mul3A_161 : i32
      %dma_start3A = arith.constant 0 : i32
      %dma_start3A_163 = tpu.memref_slice %arg8[%add3A_162, %dma_start3A] : memref<32768x512xf32, #tpu.memory_space<hbm>> -> memref<32x512xf32, #tpu.memory_space<hbm>>
      %dma_start3A_164 = arith.constant 0 : i32
      %dma_start3A_165 = tpu.memref_slice %arg8[%add3A_162, %dma_start3A_164] : memref<32768x512xf32, #tpu.memory_space<hbm>> -> memref<32x512xf32, #tpu.memory_space<hbm>>
      tpu.enqueue_dma source(%arg22 : memref<32x512xf32, #tpu.memory_space<vmem>>) target(%dma_start3A_165 : memref<32x512xf32, #tpu.memory_space<hbm>>) target_semaphore(%arg26 : memref<!tpu.dma_semaphore, #tpu.memory_space<semaphore_mem>>)
    }
    %gt3A = arith.constant 0 : i32
    %gt3A_53 = arith.cmpi sgt, %div3A_30, %gt3A : i32
    %convert_element_type3A_54 = arith.extui %gt3A_53 : i1 to i32
    %cond3A_55 = arith.constant 0 : i32
    %cond3A_56 = arith.cmpi ne, %convert_element_type3A_54, %cond3A_55 : i32
    scf.if %cond3A_56 {
      %add3A_154 = arith.constant 0 : i32
      %add3A_155 = arith.addi %add3A_154, %div3A_7 : i32
      %mul3A_156 = arith.constant 32 : i32
      %mul3A_157 = arith.muli %add3A_155, %mul3A_156 : i32
      %multiple_of3A = tpu.assume_multiple %mul3A_157, 32 : i32
      %dma_start3A = tpu.memref_slice %arg16[%multiple_of3A] : memref<2048xi32, #tpu.memory_space<vmem>> -> memref<32xi32, #tpu.memory_space<vmem>>
      %dma_start3A_158 = arith.constant 0 : i32
      %dma_start3A_159 = arith.constant 0 : i32
      %dma_start3A_160 = tpu.memref_slice %arg4[%dma_start3A_158, %dma_start3A_159] : memref<32768x512xf32, #tpu.memory_space<hbm>> -> memref<32768x512xf32, #tpu.memory_space<hbm>>
      tpu.enqueue_indirect_dma source(%dma_start3A_160 : memref<32768x512xf32, #tpu.memory_space<hbm>>) target(%arg17 : memref<32x512xf32, #tpu.memory_space<vmem>>) offsets(%dma_start3A : memref<32xi32, #tpu.memory_space<vmem>>) semaphore(%arg27 : memref<!tpu.dma_semaphore, #tpu.memory_space<semaphore_mem>>)
    } else {
    }
    %gt3A_57 = arith.constant 1 : i32
    %gt3A_58 = arith.cmpi sgt, %div3A_30, %gt3A_57 : i32
    %convert_element_type3A_59 = arith.extui %gt3A_58 : i1 to i32
    %cond3A_60 = arith.constant 0 : i32
    %cond3A_61 = arith.cmpi ne, %convert_element_type3A_59, %cond3A_60 : i32
    scf.if %cond3A_61 {
      %add3A_154 = arith.constant 2 : i32
      %add3A_155 = arith.addi %add3A_154, %div3A_7 : i32
      %mul3A_156 = arith.constant 32 : i32
      %mul3A_157 = arith.muli %add3A_155, %mul3A_156 : i32
      %multiple_of3A = tpu.assume_multiple %mul3A_157, 32 : i32
      %dma_start3A = tpu.memref_slice %arg16[%multiple_of3A] : memref<2048xi32, #tpu.memory_space<vmem>> -> memref<32xi32, #tpu.memory_space<vmem>>
      %dma_start3A_158 = arith.constant 0 : i32
      %dma_start3A_159 = arith.constant 0 : i32
      %dma_start3A_160 = tpu.memref_slice %arg4[%dma_start3A_158, %dma_start3A_159] : memref<32768x512xf32, #tpu.memory_space<hbm>> -> memref<32768x512xf32, #tpu.memory_space<hbm>>
      tpu.enqueue_indirect_dma source(%dma_start3A_160 : memref<32768x512xf32, #tpu.memory_space<hbm>>) target(%arg18 : memref<32x512xf32, #tpu.memory_space<vmem>>) offsets(%dma_start3A : memref<32xi32, #tpu.memory_space<vmem>>) semaphore(%arg28 : memref<!tpu.dma_semaphore, #tpu.memory_space<semaphore_mem>>)
    } else {
    }
    %gt3A_62 = arith.constant 2 : i32
    %gt3A_63 = arith.cmpi sgt, %div3A_30, %gt3A_62 : i32
    %convert_element_type3A_64 = arith.extui %gt3A_63 : i1 to i32
    %cond3A_65 = arith.constant 0 : i32
    %cond3A_66 = arith.cmpi ne, %convert_element_type3A_64, %cond3A_65 : i32
    scf.if %cond3A_66 {
      %add3A_154 = arith.constant 4 : i32
      %add3A_155 = arith.addi %add3A_154, %div3A_7 : i32
      %mul3A_156 = arith.constant 32 : i32
      %mul3A_157 = arith.muli %add3A_155, %mul3A_156 : i32
      %multiple_of3A = tpu.assume_multiple %mul3A_157, 32 : i32
      %dma_start3A = tpu.memref_slice %arg16[%multiple_of3A] : memref<2048xi32, #tpu.memory_space<vmem>> -> memref<32xi32, #tpu.memory_space<vmem>>
      %dma_start3A_158 = arith.constant 0 : i32
      %dma_start3A_159 = arith.constant 0 : i32
      %dma_start3A_160 = tpu.memref_slice %arg4[%dma_start3A_158, %dma_start3A_159] : memref<32768x512xf32, #tpu.memory_space<hbm>> -> memref<32768x512xf32, #tpu.memory_space<hbm>>
      tpu.enqueue_indirect_dma source(%dma_start3A_160 : memref<32768x512xf32, #tpu.memory_space<hbm>>) target(%arg19 : memref<32x512xf32, #tpu.memory_space<vmem>>) offsets(%dma_start3A : memref<32xi32, #tpu.memory_space<vmem>>) semaphore(%arg29 : memref<!tpu.dma_semaphore, #tpu.memory_space<semaphore_mem>>)
    } else {
    }
    %gt3A_67 = arith.constant 3 : i32
    %gt3A_68 = arith.cmpi sgt, %div3A_30, %gt3A_67 : i32
    %convert_element_type3A_69 = arith.extui %gt3A_68 : i1 to i32
    %cond3A_70 = arith.constant 0 : i32
    %cond3A_71 = arith.cmpi ne, %convert_element_type3A_69, %cond3A_70 : i32
    scf.if %cond3A_71 {
      %add3A_154 = arith.constant 6 : i32
      %add3A_155 = arith.addi %add3A_154, %div3A_7 : i32
      %mul3A_156 = arith.constant 32 : i32
      %mul3A_157 = arith.muli %add3A_155, %mul3A_156 : i32
      %multiple_of3A = tpu.assume_multiple %mul3A_157, 32 : i32
      %dma_start3A = tpu.memref_slice %arg16[%multiple_of3A] : memref<2048xi32, #tpu.memory_space<vmem>> -> memref<32xi32, #tpu.memory_space<vmem>>
      %dma_start3A_158 = arith.constant 0 : i32
      %dma_start3A_159 = arith.constant 0 : i32
      %dma_start3A_160 = tpu.memref_slice %arg4[%dma_start3A_158, %dma_start3A_159] : memref<32768x512xf32, #tpu.memory_space<hbm>> -> memref<32768x512xf32, #tpu.memory_space<hbm>>
      tpu.enqueue_indirect_dma source(%dma_start3A_160 : memref<32768x512xf32, #tpu.memory_space<hbm>>) target(%arg20 : memref<32x512xf32, #tpu.memory_space<vmem>>) offsets(%dma_start3A : memref<32xi32, #tpu.memory_space<vmem>>) semaphore(%arg30 : memref<!tpu.dma_semaphore, #tpu.memory_space<semaphore_mem>>)
    } else {
    }
    %gt3A_72 = arith.constant 4 : i32
    %gt3A_73 = arith.cmpi sgt, %div3A_30, %gt3A_72 : i32
    %convert_element_type3A_74 = arith.extui %gt3A_73 : i1 to i32
    %cond3A_75 = arith.constant 0 : i32
    %cond3A_76 = arith.cmpi ne, %convert_element_type3A_74, %cond3A_75 : i32
    scf.if %cond3A_76 {
      %add3A_154 = arith.constant 8 : i32
      %add3A_155 = arith.addi %add3A_154, %div3A_7 : i32
      %mul3A_156 = arith.constant 32 : i32
      %mul3A_157 = arith.muli %add3A_155, %mul3A_156 : i32
      %multiple_of3A = tpu.assume_multiple %mul3A_157, 32 : i32
      %dma_start3A = tpu.memref_slice %arg16[%multiple_of3A] : memref<2048xi32, #tpu.memory_space<vmem>> -> memref<32xi32, #tpu.memory_space<vmem>>
      %dma_start3A_158 = arith.constant 0 : i32
      %dma_start3A_159 = arith.constant 0 : i32
      %dma_start3A_160 = tpu.memref_slice %arg4[%dma_start3A_158, %dma_start3A_159] : memref<32768x512xf32, #tpu.memory_space<hbm>> -> memref<32768x512xf32, #tpu.memory_space<hbm>>
      tpu.enqueue_indirect_dma source(%dma_start3A_160 : memref<32768x512xf32, #tpu.memory_space<hbm>>) target(%arg21 : memref<32x512xf32, #tpu.memory_space<vmem>>) offsets(%dma_start3A : memref<32xi32, #tpu.memory_space<vmem>>) semaphore(%arg31 : memref<!tpu.dma_semaphore, #tpu.memory_space<semaphore_mem>>)
    } else {
    }
    %lt3A_77 = arith.constant 8 : i32
    %lt3A_78 = arith.cmpi slt, %arg1, %lt3A_77 : i32
    %convert_element_type3A_79 = arith.extui %lt3A_78 : i1 to i32
    %cond3A_80 = arith.constant 0 : i32
    %cond3A_81 = arith.cmpi ne, %convert_element_type3A_79, %cond3A_80 : i32
    scf.if %cond3A_81 {
      %mul3A_154 = arith.constant 8 : i32
      %mul3A_155 = arith.muli %arg0, %mul3A_154 : i32
      %add3A_156 = arith.addi %mul3A_155, %arg1 : i32
      %mul3A_157 = arith.constant 2048 : i32
      %mul3A_158 = arith.muli %add3A_156, %mul3A_157 : i32
      "tpu.region"() ({
        %run_scoped3A = tpu.sem_alloc : memref<!tpu.dma_semaphore, #tpu.memory_space<semaphore_mem>>
        %dma_start3A = arith.constant 0 : i32
        %dma_start3A_164 = tpu.memref_slice %arg3[%add3A_156, %dma_start3A] : memref<16x2048xf32, #tpu.memory_space<hbm>> -> memref<1x2048xf32, #tpu.memory_space<hbm>>
        %dma_start3A_165 = tpu.memref_squeeze %dma_start3A_164 : memref<1x2048xf32, #tpu.memory_space<hbm>> -> memref<2048xf32, #tpu.memory_space<hbm>>
        %dma_start3A_166 = arith.constant 0 : i32
        %dma_start3A_167 = tpu.memref_slice %arg3[%add3A_156, %dma_start3A_166] : memref<16x2048xf32, #tpu.memory_space<hbm>> -> memref<1x2048xf32, #tpu.memory_space<hbm>>
        %dma_start3A_168 = tpu.memref_squeeze %dma_start3A_167 : memref<1x2048xf32, #tpu.memory_space<hbm>> -> memref<2048xf32, #tpu.memory_space<hbm>>
        tpu.enqueue_dma source(%dma_start3A_168 : memref<2048xf32, #tpu.memory_space<hbm>>) target(%arg11 : memref<2048xf32, #tpu.memory_space<vmem>>) target_semaphore(%run_scoped3A : memref<!tpu.dma_semaphore, #tpu.memory_space<semaphore_mem>>)
        %dma_wait3A = arith.constant 0 : i32
        %dma_wait3A_169 = tpu.memref_slice %arg3[%add3A_156, %dma_wait3A] : memref<16x2048xf32, #tpu.memory_space<hbm>> -> memref<1x2048xf32, #tpu.memory_space<hbm>>
        %dma_wait3A_170 = tpu.memref_squeeze %dma_wait3A_169 : memref<1x2048xf32, #tpu.memory_space<hbm>> -> memref<2048xf32, #tpu.memory_space<hbm>>
        %dma_wait3A_171 = arith.constant 0 : i32
        %dma_wait3A_172 = tpu.memref_slice %arg3[%add3A_156, %dma_wait3A_171] : memref<16x2048xf32, #tpu.memory_space<hbm>> -> memref<1x2048xf32, #tpu.memory_space<hbm>>
        %dma_wait3A_173 = tpu.memref_squeeze %dma_wait3A_172 : memref<1x2048xf32, #tpu.memory_space<hbm>> -> memref<2048xf32, #tpu.memory_space<hbm>>
        tpu.wait_dma2 semaphore(%run_scoped3A : memref<!tpu.dma_semaphore, #tpu.memory_space<semaphore_mem>>) src(%dma_wait3A_173 : memref<2048xf32, #tpu.memory_space<hbm>>) dst(%arg11 : memref<2048xf32, #tpu.memory_space<vmem>>)
        tpu.yield
      }) : () -> ()
      %scan3A_159 = arith.constant 0 : i32
      %scan3A_160 = arith.constant 128 : i32
      %scan3A_161 = arith.addi %scan3A_159, %scan3A_160 : i32
      %scan3A_162 = arith.constant 4 : i32
      scf.for %scan3A_164 = %scan3A_159 to %scan3A_161 step %scan3A_162  : i32 {
        %mul3A_165 = arith.constant 1 : i32
        %mul3A_166 = arith.muli %scan3A_164, %mul3A_165 : i32
        %add3A_167 = arith.constant 0 : i32
        %add3A_168 = arith.addi %add3A_167, %mul3A_166 : i32
        %mul3A_169 = arith.constant 16 : i32
        %mul3A_170 = arith.muli %add3A_168, %mul3A_169 : i32
        %get3A_171 = arith.index_cast %mul3A_170 : i32 to index
        %get3A_172 = tpu.vector_load %arg12[%get3A_171] {strides = array<i32>} : memref<2048xi32, #tpu.memory_space<vmem>>, vector<16xi32>,
        %sub3A_173 = vector.broadcast %mul3A_158 : i32 to vector<16xi32>
        %sub3A_174 = arith.subi %get3A_172, %sub3A_173 : vector<16xi32>
        %gather3A = tpu.vector_load_idx %arg9[%sub3A_174] : memref<2048xi32, #tpu.memory_space<vmem>>[vector<16xi32>], vector<16xi32>,
        %gather3A_175 = tpu.vector_load_idx %arg11[%sub3A_174] : memref<2048xf32, #tpu.memory_space<vmem>>[vector<16xi32>], vector<16xf32>,
        %iota3A = tpu.iota {dimensions = array<i32: 0>} : vector<16xi32>
        %add3A_176 = vector.broadcast %mul3A_170 : i32 to vector<16xi32>
        %add3A_177 = arith.addi %add3A_176, %iota3A : vector<16xi32>
        %lt3A_178 = vector.broadcast %reduce_max3A_16 : i32 to vector<16xi32>
        %lt3A_179 = arith.cmpi slt, %add3A_177, %lt3A_178 : vector<16xi32>
        %broadcast_in_dim3A = arith.constant 0 : i32
        %broadcast_in_dim3A_180 = vector.broadcast %broadcast_in_dim3A : i32 to vector<16xi32>
        %select_n3A = arith.select %lt3A_179, %gather3A, %broadcast_in_dim3A_180 : vector<16xi1>, vector<16xi32>
        %swap3A = arith.index_cast %mul3A_170 : i32 to index
        %swap3A_181 = tpu.vector_load %arg13[%swap3A] {strides = array<i32>} : memref<2048xi32, #tpu.memory_space<vmem>>, vector<16xi32>,
        tpu.vector_store %arg13[%swap3A], %select_n3A {strides = array<i32>} : memref<2048xi32, #tpu.memory_space<vmem>>, vector<16xi32>,
        %broadcast_in_dim3A_182 = arith.constant 0.000000e+00 : f32
        %broadcast_in_dim3A_183 = vector.broadcast %broadcast_in_dim3A_182 : f32 to vector<16xf32>
        %select_n3A_184 = arith.select %lt3A_179, %gather3A_175, %broadcast_in_dim3A_183 : vector<16xi1>, vector<16xf32>
        %swap3A_185 = arith.index_cast %mul3A_170 : i32 to index
        %swap3A_186 = tpu.vector_load %arg14[%swap3A_185] {strides = array<i32>} : memref<2048xf32, #tpu.memory_space<vmem>>, vector<16xf32>,
        tpu.vector_store %arg14[%swap3A_185], %select_n3A_184 {strides = array<i32>} : memref<2048xf32, #tpu.memory_space<vmem>>, vector<16xf32>,
        %scan3A_187 = arith.constant 1 : i32
        %scan3A_188 = arith.addi %scan3A_164, %scan3A_187 : i32
        %mul3A_189 = arith.constant 1 : i32
        %mul3A_190 = arith.muli %scan3A_188, %mul3A_189 : i32
        %add3A_191 = arith.constant 0 : i32
        %add3A_192 = arith.addi %add3A_191, %mul3A_190 : i32
        %mul3A_193 = arith.constant 16 : i32
        %mul3A_194 = arith.muli %add3A_192, %mul3A_193 : i32
        %get3A_195 = arith.index_cast %mul3A_194 : i32 to index
        %get3A_196 = tpu.vector_load %arg12[%get3A_195] {strides = array<i32>} : memref<2048xi32, #tpu.memory_space<vmem>>, vector<16xi32>,
        %sub3A_197 = vector.broadcast %mul3A_158 : i32 to vector<16xi32>
        %sub3A_198 = arith.subi %get3A_196, %sub3A_197 : vector<16xi32>
        %gather3A_199 = tpu.vector_load_idx %arg9[%sub3A_198] : memref<2048xi32, #tpu.memory_space<vmem>>[vector<16xi32>], vector<16xi32>,
        %gather3A_200 = tpu.vector_load_idx %arg11[%sub3A_198] : memref<2048xf32, #tpu.memory_space<vmem>>[vector<16xi32>], vector<16xf32>,
        %iota3A_201 = tpu.iota {dimensions = array<i32: 0>} : vector<16xi32>
        %add3A_202 = vector.broadcast %mul3A_194 : i32 to vector<16xi32>
        %add3A_203 = arith.addi %add3A_202, %iota3A_201 : vector<16xi32>
        %lt3A_204 = vector.broadcast %reduce_max3A_16 : i32 to vector<16xi32>
        %lt3A_205 = arith.cmpi slt, %add3A_203, %lt3A_204 : vector<16xi32>
        %broadcast_in_dim3A_206 = arith.constant 0 : i32
        %broadcast_in_dim3A_207 = vector.broadcast %broadcast_in_dim3A_206 : i32 to vector<16xi32>
        %select_n3A_208 = arith.select %lt3A_205, %gather3A_199, %broadcast_in_dim3A_207 : vector<16xi1>, vector<16xi32>
        %swap3A_209 = arith.index_cast %mul3A_194 : i32 to index
        %swap3A_210 = tpu.vector_load %arg13[%swap3A_209] {strides = array<i32>} : memref<2048xi32, #tpu.memory_space<vmem>>, vector<16xi32>,
        tpu.vector_store %arg13[%swap3A_209], %select_n3A_208 {strides = array<i32>} : memref<2048xi32, #tpu.memory_space<vmem>>, vector<16xi32>,
        %broadcast_in_dim3A_211 = arith.constant 0.000000e+00 : f32
        %broadcast_in_dim3A_212 = vector.broadcast %broadcast_in_dim3A_211 : f32 to vector<16xf32>
        %select_n3A_213 = arith.select %lt3A_205, %gather3A_200, %broadcast_in_dim3A_212 : vector<16xi1>, vector<16xf32>
        %swap3A_214 = arith.index_cast %mul3A_194 : i32 to index
        %swap3A_215 = tpu.vector_load %arg14[%swap3A_214] {strides = array<i32>} : memref<2048xf32, #tpu.memory_space<vmem>>, vector<16xf32>,
        tpu.vector_store %arg14[%swap3A_214], %select_n3A_213 {strides = array<i32>} : memref<2048xf32, #tpu.memory_space<vmem>>, vector<16xf32>,
        %scan3A_216 = arith.constant 2 : i32
        %scan3A_217 = arith.addi %scan3A_164, %scan3A_216 : i32
        %mul3A_218 = arith.constant 1 : i32
        %mul3A_219 = arith.muli %scan3A_217, %mul3A_218 : i32
        %add3A_220 = arith.constant 0 : i32
        %add3A_221 = arith.addi %add3A_220, %mul3A_219 : i32
        %mul3A_222 = arith.constant 16 : i32
        %mul3A_223 = arith.muli %add3A_221, %mul3A_222 : i32
        %get3A_224 = arith.index_cast %mul3A_223 : i32 to index
        %get3A_225 = tpu.vector_load %arg12[%get3A_224] {strides = array<i32>} : memref<2048xi32, #tpu.memory_space<vmem>>, vector<16xi32>,
        %sub3A_226 = vector.broadcast %mul3A_158 : i32 to vector<16xi32>
        %sub3A_227 = arith.subi %get3A_225, %sub3A_226 : vector<16xi32>
        %gather3A_228 = tpu.vector_load_idx %arg9[%sub3A_227] : memref<2048xi32, #tpu.memory_space<vmem>>[vector<16xi32>], vector<16xi32>,
        %gather3A_229 = tpu.vector_load_idx %arg11[%sub3A_227] : memref<2048xf32, #tpu.memory_space<vmem>>[vector<16xi32>], vector<16xf32>,
        %iota3A_230 = tpu.iota {dimensions = array<i32: 0>} : vector<16xi32>
        %add3A_231 = vector.broadcast %mul3A_223 : i32 to vector<16xi32>
        %add3A_232 = arith.addi %add3A_231, %iota3A_230 : vector<16xi32>
        %lt3A_233 = vector.broadcast %reduce_max3A_16 : i32 to vector<16xi32>
        %lt3A_234 = arith.cmpi slt, %add3A_232, %lt3A_233 : vector<16xi32>
        %broadcast_in_dim3A_235 = arith.constant 0 : i32
        %broadcast_in_dim3A_236 = vector.broadcast %broadcast_in_dim3A_235 : i32 to vector<16xi32>
        %select_n3A_237 = arith.select %lt3A_234, %gather3A_228, %broadcast_in_dim3A_236 : vector<16xi1>, vector<16xi32>
        %swap3A_238 = arith.index_cast %mul3A_223 : i32 to index
        %swap3A_239 = tpu.vector_load %arg13[%swap3A_238] {strides = array<i32>} : memref<2048xi32, #tpu.memory_space<vmem>>, vector<16xi32>,
        tpu.vector_store %arg13[%swap3A_238], %select_n3A_237 {strides = array<i32>} : memref<2048xi32, #tpu.memory_space<vmem>>, vector<16xi32>,
        %broadcast_in_dim3A_240 = arith.constant 0.000000e+00 : f32
        %broadcast_in_dim3A_241 = vector.broadcast %broadcast_in_dim3A_240 : f32 to vector<16xf32>
        %select_n3A_242 = arith.select %lt3A_234, %gather3A_229, %broadcast_in_dim3A_241 : vector<16xi1>, vector<16xf32>
        %swap3A_243 = arith.index_cast %mul3A_223 : i32 to index
        %swap3A_244 = tpu.vector_load %arg14[%swap3A_243] {strides = array<i32>} : memref<2048xf32, #tpu.memory_space<vmem>>, vector<16xf32>,
        tpu.vector_store %arg14[%swap3A_243], %select_n3A_242 {strides = array<i32>} : memref<2048xf32, #tpu.memory_space<vmem>>, vector<16xf32>,
        %scan3A_245 = arith.constant 3 : i32
        %scan3A_246 = arith.addi %scan3A_164, %scan3A_245 : i32
        %mul3A_247 = arith.constant 1 : i32
        %mul3A_248 = arith.muli %scan3A_246, %mul3A_247 : i32
        %add3A_249 = arith.constant 0 : i32
        %add3A_250 = arith.addi %add3A_249, %mul3A_248 : i32
        %mul3A_251 = arith.constant 16 : i32
        %mul3A_252 = arith.muli %add3A_250, %mul3A_251 : i32
        %get3A_253 = arith.index_cast %mul3A_252 : i32 to index
        %get3A_254 = tpu.vector_load %arg12[%get3A_253] {strides = array<i32>} : memref<2048xi32, #tpu.memory_space<vmem>>, vector<16xi32>,
        %sub3A_255 = vector.broadcast %mul3A_158 : i32 to vector<16xi32>
        %sub3A_256 = arith.subi %get3A_254, %sub3A_255 : vector<16xi32>
        %gather3A_257 = tpu.vector_load_idx %arg9[%sub3A_256] : memref<2048xi32, #tpu.memory_space<vmem>>[vector<16xi32>], vector<16xi32>,
        %gather3A_258 = tpu.vector_load_idx %arg11[%sub3A_256] : memref<2048xf32, #tpu.memory_space<vmem>>[vector<16xi32>], vector<16xf32>,
        %iota3A_259 = tpu.iota {dimensions = array<i32: 0>} : vector<16xi32>
        %add3A_260 = vector.broadcast %mul3A_252 : i32 to vector<16xi32>
        %add3A_261 = arith.addi %add3A_260, %iota3A_259 : vector<16xi32>
        %lt3A_262 = vector.broadcast %reduce_max3A_16 : i32 to vector<16xi32>
        %lt3A_263 = arith.cmpi slt, %add3A_261, %lt3A_262 : vector<16xi32>
        %broadcast_in_dim3A_264 = arith.constant 0 : i32
        %broadcast_in_dim3A_265 = vector.broadcast %broadcast_in_dim3A_264 : i32 to vector<16xi32>
        %select_n3A_266 = arith.select %lt3A_263, %gather3A_257, %broadcast_in_dim3A_265 : vector<16xi1>, vector<16xi32>
        %swap3A_267 = arith.index_cast %mul3A_252 : i32 to index
        %swap3A_268 = tpu.vector_load %arg13[%swap3A_267] {strides = array<i32>} : memref<2048xi32, #tpu.memory_space<vmem>>, vector<16xi32>,
        tpu.vector_store %arg13[%swap3A_267], %select_n3A_266 {strides = array<i32>} : memref<2048xi32, #tpu.memory_space<vmem>>, vector<16xi32>,
        %broadcast_in_dim3A_269 = arith.constant 0.000000e+00 : f32
        %broadcast_in_dim3A_270 = vector.broadcast %broadcast_in_dim3A_269 : f32 to vector<16xf32>
        %select_n3A_271 = arith.select %lt3A_263, %gather3A_258, %broadcast_in_dim3A_270 : vector<16xi1>, vector<16xf32>
        %swap3A_272 = arith.index_cast %mul3A_252 : i32 to index
        %swap3A_273 = tpu.vector_load %arg14[%swap3A_272] {strides = array<i32>} : memref<2048xf32, #tpu.memory_space<vmem>>, vector<16xf32>,
        tpu.vector_store %arg14[%swap3A_272], %select_n3A_271 {strides = array<i32>} : memref<2048xf32, #tpu.memory_space<vmem>>, vector<16xf32>,
      }
      %scan3A_163 = arith.constant 128 : i32
      "tpu.region"() ({
        %run_scoped3A = tpu.sem_alloc : memref<!tpu.dma_semaphore, #tpu.memory_space<semaphore_mem>>
        %dma_start3A = arith.constant 0 : i32
        %dma_start3A_164 = tpu.memref_slice %arg6[%add3A_156, %dma_start3A] : memref<16x2048xi32, #tpu.memory_space<hbm>> -> memref<1x2048xi32, #tpu.memory_space<hbm>>
        %dma_start3A_165 = tpu.memref_squeeze %dma_start3A_164 : memref<1x2048xi32, #tpu.memory_space<hbm>> -> memref<2048xi32, #tpu.memory_space<hbm>>
        %dma_start3A_166 = arith.constant 0 : i32
        %dma_start3A_167 = tpu.memref_slice %arg6[%add3A_156, %dma_start3A_166] : memref<16x2048xi32, #tpu.memory_space<hbm>> -> memref<1x2048xi32, #tpu.memory_space<hbm>>
        %dma_start3A_168 = tpu.memref_squeeze %dma_start3A_167 : memref<1x2048xi32, #tpu.memory_space<hbm>> -> memref<2048xi32, #tpu.memory_space<hbm>>
        tpu.enqueue_dma source(%arg13 : memref<2048xi32, #tpu.memory_space<vmem>>) target(%dma_start3A_168 : memref<2048xi32, #tpu.memory_space<hbm>>) target_semaphore(%run_scoped3A : memref<!tpu.dma_semaphore, #tpu.memory_space<semaphore_mem>>)
        %dma_wait3A = arith.constant 0 : i32
        %dma_wait3A_169 = tpu.memref_slice %arg6[%add3A_156, %dma_wait3A] : memref<16x2048xi32, #tpu.memory_space<hbm>> -> memref<1x2048xi32, #tpu.memory_space<hbm>>
        %dma_wait3A_170 = tpu.memref_squeeze %dma_wait3A_169 : memref<1x2048xi32, #tpu.memory_space<hbm>> -> memref<2048xi32, #tpu.memory_space<hbm>>
        %dma_wait3A_171 = arith.constant 0 : i32
        %dma_wait3A_172 = tpu.memref_slice %arg6[%add3A_156, %dma_wait3A_171] : memref<16x2048xi32, #tpu.memory_space<hbm>> -> memref<1x2048xi32, #tpu.memory_space<hbm>>
        %dma_wait3A_173 = tpu.memref_squeeze %dma_wait3A_172 : memref<1x2048xi32, #tpu.memory_space<hbm>> -> memref<2048xi32, #tpu.memory_space<hbm>>
        tpu.wait_dma2 semaphore(%run_scoped3A : memref<!tpu.dma_semaphore, #tpu.memory_space<semaphore_mem>>) src(%arg13 : memref<2048xi32, #tpu.memory_space<vmem>>) dst(%dma_wait3A_173 : memref<2048xi32, #tpu.memory_space<hbm>>)
        tpu.yield
      }) : () -> ()
      "tpu.region"() ({
        %run_scoped3A = tpu.sem_alloc : memref<!tpu.dma_semaphore, #tpu.memory_space<semaphore_mem>>
        %dma_start3A = arith.constant 0 : i32
        %dma_start3A_164 = tpu.memref_slice %arg7[%add3A_156, %dma_start3A] : memref<16x2048xf32, #tpu.memory_space<hbm>> -> memref<1x2048xf32, #tpu.memory_space<hbm>>
        %dma_start3A_165 = tpu.memref_squeeze %dma_start3A_164 : memref<1x2048xf32, #tpu.memory_space<hbm>> -> memref<2048xf32, #tpu.memory_space<hbm>>
        %dma_start3A_166 = arith.constant 0 : i32
        %dma_start3A_167 = tpu.memref_slice %arg7[%add3A_156, %dma_start3A_166] : memref<16x2048xf32, #tpu.memory_space<hbm>> -> memref<1x2048xf32, #tpu.memory_space<hbm>>
        %dma_start3A_168 = tpu.memref_squeeze %dma_start3A_167 : memref<1x2048xf32, #tpu.memory_space<hbm>> -> memref<2048xf32, #tpu.memory_space<hbm>>
        tpu.enqueue_dma source(%arg14 : memref<2048xf32, #tpu.memory_space<vmem>>) target(%dma_start3A_168 : memref<2048xf32, #tpu.memory_space<hbm>>) target_semaphore(%run_scoped3A : memref<!tpu.dma_semaphore, #tpu.memory_space<semaphore_mem>>)
        %dma_wait3A = arith.constant 0 : i32
        %dma_wait3A_169 = tpu.memref_slice %arg7[%add3A_156, %dma_wait3A] : memref<16x2048xf32, #tpu.memory_space<hbm>> -> memref<1x2048xf32, #tpu.memory_space<hbm>>
        %dma_wait3A_170 = tpu.memref_squeeze %dma_wait3A_169 : memref<1x2048xf32, #tpu.memory_space<hbm>> -> memref<2048xf32, #tpu.memory_space<hbm>>
        %dma_wait3A_171 = arith.constant 0 : i32
        %dma_wait3A_172 = tpu.memref_slice %arg7[%add3A_156, %dma_wait3A_171] : memref<16x2048xf32, #tpu.memory_space<hbm>> -> memref<1x2048xf32, #tpu.memory_space<hbm>>
        %dma_wait3A_173 = tpu.memref_squeeze %dma_wait3A_172 : memref<1x2048xf32, #tpu.memory_space<hbm>> -> memref<2048xf32, #tpu.memory_space<hbm>>
        tpu.wait_dma2 semaphore(%run_scoped3A : memref<!tpu.dma_semaphore, #tpu.memory_space<semaphore_mem>>) src(%arg14 : memref<2048xf32, #tpu.memory_space<vmem>>) dst(%dma_wait3A_173 : memref<2048xf32, #tpu.memory_space<hbm>>)
        tpu.yield
      }) : () -> ()
    } else {
    }
    %add3A_82 = arith.constant 4 : i32
    %add3A_83 = arith.addi %div3A_30, %add3A_82 : i32
    %div3A_84 = arith.constant 5 : i32
    %div3A_85 = arith.divsi %add3A_83, %div3A_84 : i32
    %sub3A_86 = arith.constant 0 : i32
    %sub3A_87 = arith.subi %div3A_85, %sub3A_86 : i32
    %sub3A_88 = arith.constant 1 : i32
    %sub3A_89 = arith.constant 1 : i32
    %sub3A_90 = arith.subi %sub3A_88, %sub3A_89 : i32
    %add3A_91 = arith.addi %sub3A_87, %sub3A_90 : i32
    %div3A_92 = arith.constant 1 : i32
    %div3A_93 = arith.divsi %add3A_91, %div3A_92 : i32
    %while3A_94 = arith.constant 1 : i32
    %while3A_95 = arith.constant 0 : i32
    %while3A_96 = arith.constant 0 : i32
    %while3A_97 = arith.subi %div3A_93, %while3A_96 : i32
    %while3A_98 = arith.addi %while3A_96, %while3A_97 : i32
    %while3A_99 = arith.constant 1 : i32
    %while3A_100 = arith.divsi %while3A_97, %while3A_99 : i32
    %while3A_101 = arith.muli %while3A_100, %while3A_99 : i32
    %while3A_102 = arith.addi %while3A_96, %while3A_101 : i32
    %while3A_103 = arith.constant 1 : i32
    scf.for %while3A_154 = %while3A_96 to %while3A_102 step %while3A_103  : i32 {
      %mul3A_155 = arith.muli %while3A_154, %while3A_94 : i32
      %add3A_156 = arith.addi %while3A_95, %mul3A_155 : i32
      %mul3A_157 = arith.constant 5 : i32
      %mul3A_158 = arith.muli %add3A_156, %mul3A_157 : i32
      %add3A_159 = arith.constant 0 : i32
      %add3A_160 = arith.addi %mul3A_158, %add3A_159 : i32
      %lt3A_161 = arith.cmpi slt, %add3A_160, %div3A_30 : i32
      %convert_element_type3A_162 = arith.extui %lt3A_161 : i1 to i32
      %cond3A_163 = arith.constant 0 : i32
      %cond3A_164 = arith.cmpi ne, %convert_element_type3A_162, %cond3A_163 : i32
      scf.if %cond3A_164 {
        %mul3A_197 = arith.constant 2 : i32
        %mul3A_198 = arith.muli %mul3A_197, %add3A_160 : i32
        %add3A_199 = arith.addi %mul3A_198, %div3A_7 : i32
        %mul3A_200 = arith.constant 32 : i32
        %mul3A_201 = arith.muli %add3A_199, %mul3A_200 : i32
        %multiple_of3A = tpu.assume_multiple %mul3A_201, 32 : i32
        %dma_wait3A = arith.constant 0 : i32
        %dma_wait3A_202 = arith.constant 0 : i32
        %dma_wait3A_203 = tpu.memref_slice %arg4[%dma_wait3A, %dma_wait3A_202] : memref<32768x512xf32, #tpu.memory_space<hbm>> -> memref<32x512xf32, #tpu.memory_space<hbm>>
        %dma_wait3A_204 = arith.constant 0 : i32
        %dma_wait3A_205 = arith.constant 0 : i32
        %dma_wait3A_206 = tpu.memref_slice %arg4[%dma_wait3A_204, %dma_wait3A_205] : memref<32768x512xf32, #tpu.memory_space<hbm>> -> memref<32x512xf32, #tpu.memory_space<hbm>>
        tpu.wait_dma2 semaphore(%arg27 : memref<!tpu.dma_semaphore, #tpu.memory_space<semaphore_mem>>) src(%dma_wait3A_206 : memref<32x512xf32, #tpu.memory_space<hbm>>) dst(%arg17 : memref<32x512xf32, #tpu.memory_space<vmem>>)
        %add3A_207 = arith.addi %mul3A_18, %multiple_of3A : i32
        %dma_start3A = arith.constant 0 : i32
        %dma_start3A_208 = tpu.memref_slice %arg8[%add3A_207, %dma_start3A] : memref<32768x512xf32, #tpu.memory_space<hbm>> -> memref<32x512xf32, #tpu.memory_space<hbm>>
        %dma_start3A_209 = arith.constant 0 : i32
        %dma_start3A_210 = tpu.memref_slice %arg8[%add3A_207, %dma_start3A_209] : memref<32768x512xf32, #tpu.memory_space<hbm>> -> memref<32x512xf32, #tpu.memory_space<hbm>>
        tpu.enqueue_dma source(%arg17 : memref<32x512xf32, #tpu.memory_space<vmem>>) target(%dma_start3A_210 : memref<32x512xf32, #tpu.memory_space<hbm>>) target_semaphore(%arg32 : memref<!tpu.dma_semaphore, #tpu.memory_space<semaphore_mem>>)
        %add3A_211 = arith.constant 5 : i32
        %add3A_212 = arith.addi %add3A_160, %add3A_211 : i32
        %lt3A_213 = arith.cmpi slt, %add3A_212, %div3A_30 : i32
        %convert_element_type3A_214 = arith.extui %lt3A_213 : i1 to i32
        %cond3A_215 = arith.constant 0 : i32
        %cond3A_216 = arith.cmpi ne, %convert_element_type3A_214, %cond3A_215 : i32
        scf.if %cond3A_216 {
          %dma_wait3A_217 = arith.constant 0 : i32
          %dma_wait3A_218 = tpu.memref_slice %arg8[%mul3A_18, %dma_wait3A_217] : memref<32768x512xf32, #tpu.memory_space<hbm>> -> memref<32x512xf32, #tpu.memory_space<hbm>>
          %dma_wait3A_219 = arith.constant 0 : i32
          %dma_wait3A_220 = tpu.memref_slice %arg8[%mul3A_18, %dma_wait3A_219] : memref<32768x512xf32, #tpu.memory_space<hbm>> -> memref<32x512xf32, #tpu.memory_space<hbm>>
          tpu.wait_dma2 semaphore(%arg32 : memref<!tpu.dma_semaphore, #tpu.memory_space<semaphore_mem>>) src(%arg17 : memref<32x512xf32, #tpu.memory_space<vmem>>) dst(%dma_wait3A_220 : memref<32x512xf32, #tpu.memory_space<hbm>>)
          %mul3A_221 = arith.constant 2 : i32
          %mul3A_222 = arith.muli %mul3A_221, %add3A_212 : i32
          %add3A_223 = arith.addi %mul3A_222, %div3A_7 : i32
          %mul3A_224 = arith.constant 32 : i32
          %mul3A_225 = arith.muli %add3A_223, %mul3A_224 : i32
          %multiple_of3A_226 = tpu.assume_multiple %mul3A_225, 32 : i32
          %dma_start3A_227 = tpu.memref_slice %arg16[%multiple_of3A_226] : memref<2048xi32, #tpu.memory_space<vmem>> -> memref<32xi32, #tpu.memory_space<vmem>>
          %dma_start3A_228 = arith.constant 0 : i32
          %dma_start3A_229 = arith.constant 0 : i32
          %dma_start3A_230 = tpu.memref_slice %arg4[%dma_start3A_228, %dma_start3A_229] : memref<32768x512xf32, #tpu.memory_space<hbm>> -> memref<32768x512xf32, #tpu.memory_space<hbm>>
          tpu.enqueue_indirect_dma source(%dma_start3A_230 : memref<32768x512xf32, #tpu.memory_space<hbm>>) target(%arg17 : memref<32x512xf32, #tpu.memory_space<vmem>>) offsets(%dma_start3A_227 : memref<32xi32, #tpu.memory_space<vmem>>) semaphore(%arg27 : memref<!tpu.dma_semaphore, #tpu.memory_space<semaphore_mem>>)
        } else {
        }
      } else {
      }
      %mul3A_165 = arith.constant 5 : i32
      %mul3A_166 = arith.muli %add3A_156, %mul3A_165 : i32
      %add3A_167 = arith.constant 1 : i32
      %add3A_168 = arith.addi %mul3A_166, %add3A_167 : i32
      %lt3A_169 = arith.cmpi slt, %add3A_168, %div3A_30 : i32
      %convert_element_type3A_170 = arith.extui %lt3A_169 : i1 to i32
      %cond3A_171 = arith.constant 0 : i32
      %cond3A_172 = arith.cmpi ne, %convert_element_type3A_170, %cond3A_171 : i32
      scf.if %cond3A_172 {
        %mul3A_197 = arith.constant 2 : i32
        %mul3A_198 = arith.muli %mul3A_197, %add3A_168 : i32
        %add3A_199 = arith.addi %mul3A_198, %div3A_7 : i32
        %mul3A_200 = arith.constant 32 : i32
        %mul3A_201 = arith.muli %add3A_199, %mul3A_200 : i32
        %multiple_of3A = tpu.assume_multiple %mul3A_201, 32 : i32
        %dma_wait3A = arith.constant 0 : i32
        %dma_wait3A_202 = arith.constant 0 : i32
        %dma_wait3A_203 = tpu.memref_slice %arg4[%dma_wait3A, %dma_wait3A_202] : memref<32768x512xf32, #tpu.memory_space<hbm>> -> memref<32x512xf32, #tpu.memory_space<hbm>>
        %dma_wait3A_204 = arith.constant 0 : i32
        %dma_wait3A_205 = arith.constant 0 : i32
        %dma_wait3A_206 = tpu.memref_slice %arg4[%dma_wait3A_204, %dma_wait3A_205] : memref<32768x512xf32, #tpu.memory_space<hbm>> -> memref<32x512xf32, #tpu.memory_space<hbm>>
        tpu.wait_dma2 semaphore(%arg28 : memref<!tpu.dma_semaphore, #tpu.memory_space<semaphore_mem>>) src(%dma_wait3A_206 : memref<32x512xf32, #tpu.memory_space<hbm>>) dst(%arg18 : memref<32x512xf32, #tpu.memory_space<vmem>>)
        %add3A_207 = arith.addi %mul3A_18, %multiple_of3A : i32
        %dma_start3A = arith.constant 0 : i32
        %dma_start3A_208 = tpu.memref_slice %arg8[%add3A_207, %dma_start3A] : memref<32768x512xf32, #tpu.memory_space<hbm>> -> memref<32x512xf32, #tpu.memory_space<hbm>>
        %dma_start3A_209 = arith.constant 0 : i32
        %dma_start3A_210 = tpu.memref_slice %arg8[%add3A_207, %dma_start3A_209] : memref<32768x512xf32, #tpu.memory_space<hbm>> -> memref<32x512xf32, #tpu.memory_space<hbm>>
        tpu.enqueue_dma source(%arg18 : memref<32x512xf32, #tpu.memory_space<vmem>>) target(%dma_start3A_210 : memref<32x512xf32, #tpu.memory_space<hbm>>) target_semaphore(%arg33 : memref<!tpu.dma_semaphore, #tpu.memory_space<semaphore_mem>>)
        %add3A_211 = arith.constant 5 : i32
        %add3A_212 = arith.addi %add3A_168, %add3A_211 : i32
        %lt3A_213 = arith.cmpi slt, %add3A_212, %div3A_30 : i32
        %convert_element_type3A_214 = arith.extui %lt3A_213 : i1 to i32
        %cond3A_215 = arith.constant 0 : i32
        %cond3A_216 = arith.cmpi ne, %convert_element_type3A_214, %cond3A_215 : i32
        scf.if %cond3A_216 {
          %dma_wait3A_217 = arith.constant 0 : i32
          %dma_wait3A_218 = tpu.memref_slice %arg8[%mul3A_18, %dma_wait3A_217] : memref<32768x512xf32, #tpu.memory_space<hbm>> -> memref<32x512xf32, #tpu.memory_space<hbm>>
          %dma_wait3A_219 = arith.constant 0 : i32
          %dma_wait3A_220 = tpu.memref_slice %arg8[%mul3A_18, %dma_wait3A_219] : memref<32768x512xf32, #tpu.memory_space<hbm>> -> memref<32x512xf32, #tpu.memory_space<hbm>>
          tpu.wait_dma2 semaphore(%arg33 : memref<!tpu.dma_semaphore, #tpu.memory_space<semaphore_mem>>) src(%arg18 : memref<32x512xf32, #tpu.memory_space<vmem>>) dst(%dma_wait3A_220 : memref<32x512xf32, #tpu.memory_space<hbm>>)
          %mul3A_221 = arith.constant 2 : i32
          %mul3A_222 = arith.muli %mul3A_221, %add3A_212 : i32
          %add3A_223 = arith.addi %mul3A_222, %div3A_7 : i32
          %mul3A_224 = arith.constant 32 : i32
          %mul3A_225 = arith.muli %add3A_223, %mul3A_224 : i32
          %multiple_of3A_226 = tpu.assume_multiple %mul3A_225, 32 : i32
          %dma_start3A_227 = tpu.memref_slice %arg16[%multiple_of3A_226] : memref<2048xi32, #tpu.memory_space<vmem>> -> memref<32xi32, #tpu.memory_space<vmem>>
          %dma_start3A_228 = arith.constant 0 : i32
          %dma_start3A_229 = arith.constant 0 : i32
          %dma_start3A_230 = tpu.memref_slice %arg4[%dma_start3A_228, %dma_start3A_229] : memref<32768x512xf32, #tpu.memory_space<hbm>> -> memref<32768x512xf32, #tpu.memory_space<hbm>>
          tpu.enqueue_indirect_dma source(%dma_start3A_230 : memref<32768x512xf32, #tpu.memory_space<hbm>>) target(%arg18 : memref<32x512xf32, #tpu.memory_space<vmem>>) offsets(%dma_start3A_227 : memref<32xi32, #tpu.memory_space<vmem>>) semaphore(%arg28 : memref<!tpu.dma_semaphore, #tpu.memory_space<semaphore_mem>>)
        } else {
        }
      } else {
      }
      %mul3A_173 = arith.constant 5 : i32
      %mul3A_174 = arith.muli %add3A_156, %mul3A_173 : i32
      %add3A_175 = arith.constant 2 : i32
      %add3A_176 = arith.addi %mul3A_174, %add3A_175 : i32
      %lt3A_177 = arith.cmpi slt, %add3A_176, %div3A_30 : i32
      %convert_element_type3A_178 = arith.extui %lt3A_177 : i1 to i32
      %cond3A_179 = arith.constant 0 : i32
      %cond3A_180 = arith.cmpi ne, %convert_element_type3A_178, %cond3A_179 : i32
      scf.if %cond3A_180 {
        %mul3A_197 = arith.constant 2 : i32
        %mul3A_198 = arith.muli %mul3A_197, %add3A_176 : i32
        %add3A_199 = arith.addi %mul3A_198, %div3A_7 : i32
        %mul3A_200 = arith.constant 32 : i32
        %mul3A_201 = arith.muli %add3A_199, %mul3A_200 : i32
        %multiple_of3A = tpu.assume_multiple %mul3A_201, 32 : i32
        %dma_wait3A = arith.constant 0 : i32
        %dma_wait3A_202 = arith.constant 0 : i32
        %dma_wait3A_203 = tpu.memref_slice %arg4[%dma_wait3A, %dma_wait3A_202] : memref<32768x512xf32, #tpu.memory_space<hbm>> -> memref<32x512xf32, #tpu.memory_space<hbm>>
        %dma_wait3A_204 = arith.constant 0 : i32
        %dma_wait3A_205 = arith.constant 0 : i32
        %dma_wait3A_206 = tpu.memref_slice %arg4[%dma_wait3A_204, %dma_wait3A_205] : memref<32768x512xf32, #tpu.memory_space<hbm>> -> memref<32x512xf32, #tpu.memory_space<hbm>>
        tpu.wait_dma2 semaphore(%arg29 : memref<!tpu.dma_semaphore, #tpu.memory_space<semaphore_mem>>) src(%dma_wait3A_206 : memref<32x512xf32, #tpu.memory_space<hbm>>) dst(%arg19 : memref<32x512xf32, #tpu.memory_space<vmem>>)
        %add3A_207 = arith.addi %mul3A_18, %multiple_of3A : i32
        %dma_start3A = arith.constant 0 : i32
        %dma_start3A_208 = tpu.memref_slice %arg8[%add3A_207, %dma_start3A] : memref<32768x512xf32, #tpu.memory_space<hbm>> -> memref<32x512xf32, #tpu.memory_space<hbm>>
        %dma_start3A_209 = arith.constant 0 : i32
        %dma_start3A_210 = tpu.memref_slice %arg8[%add3A_207, %dma_start3A_209] : memref<32768x512xf32, #tpu.memory_space<hbm>> -> memref<32x512xf32, #tpu.memory_space<hbm>>
        tpu.enqueue_dma source(%arg19 : memref<32x512xf32, #tpu.memory_space<vmem>>) target(%dma_start3A_210 : memref<32x512xf32, #tpu.memory_space<hbm>>) target_semaphore(%arg34 : memref<!tpu.dma_semaphore, #tpu.memory_space<semaphore_mem>>)
        %add3A_211 = arith.constant 5 : i32
        %add3A_212 = arith.addi %add3A_176, %add3A_211 : i32
        %lt3A_213 = arith.cmpi slt, %add3A_212, %div3A_30 : i32
        %convert_element_type3A_214 = arith.extui %lt3A_213 : i1 to i32
        %cond3A_215 = arith.constant 0 : i32
        %cond3A_216 = arith.cmpi ne, %convert_element_type3A_214, %cond3A_215 : i32
        scf.if %cond3A_216 {
          %dma_wait3A_217 = arith.constant 0 : i32
          %dma_wait3A_218 = tpu.memref_slice %arg8[%mul3A_18, %dma_wait3A_217] : memref<32768x512xf32, #tpu.memory_space<hbm>> -> memref<32x512xf32, #tpu.memory_space<hbm>>
          %dma_wait3A_219 = arith.constant 0 : i32
          %dma_wait3A_220 = tpu.memref_slice %arg8[%mul3A_18, %dma_wait3A_219] : memref<32768x512xf32, #tpu.memory_space<hbm>> -> memref<32x512xf32, #tpu.memory_space<hbm>>
          tpu.wait_dma2 semaphore(%arg34 : memref<!tpu.dma_semaphore, #tpu.memory_space<semaphore_mem>>) src(%arg19 : memref<32x512xf32, #tpu.memory_space<vmem>>) dst(%dma_wait3A_220 : memref<32x512xf32, #tpu.memory_space<hbm>>)
          %mul3A_221 = arith.constant 2 : i32
          %mul3A_222 = arith.muli %mul3A_221, %add3A_212 : i32
          %add3A_223 = arith.addi %mul3A_222, %div3A_7 : i32
          %mul3A_224 = arith.constant 32 : i32
          %mul3A_225 = arith.muli %add3A_223, %mul3A_224 : i32
          %multiple_of3A_226 = tpu.assume_multiple %mul3A_225, 32 : i32
          %dma_start3A_227 = tpu.memref_slice %arg16[%multiple_of3A_226] : memref<2048xi32, #tpu.memory_space<vmem>> -> memref<32xi32, #tpu.memory_space<vmem>>
          %dma_start3A_228 = arith.constant 0 : i32
          %dma_start3A_229 = arith.constant 0 : i32
          %dma_start3A_230 = tpu.memref_slice %arg4[%dma_start3A_228, %dma_start3A_229] : memref<32768x512xf32, #tpu.memory_space<hbm>> -> memref<32768x512xf32, #tpu.memory_space<hbm>>
          tpu.enqueue_indirect_dma source(%dma_start3A_230 : memref<32768x512xf32, #tpu.memory_space<hbm>>) target(%arg19 : memref<32x512xf32, #tpu.memory_space<vmem>>) offsets(%dma_start3A_227 : memref<32xi32, #tpu.memory_space<vmem>>) semaphore(%arg29 : memref<!tpu.dma_semaphore, #tpu.memory_space<semaphore_mem>>)
        } else {
        }
      } else {
      }
      %mul3A_181 = arith.constant 5 : i32
      %mul3A_182 = arith.muli %add3A_156, %mul3A_181 : i32
      %add3A_183 = arith.constant 3 : i32
      %add3A_184 = arith.addi %mul3A_182, %add3A_183 : i32
      %lt3A_185 = arith.cmpi slt, %add3A_184, %div3A_30 : i32
      %convert_element_type3A_186 = arith.extui %lt3A_185 : i1 to i32
      %cond3A_187 = arith.constant 0 : i32
      %cond3A_188 = arith.cmpi ne, %convert_element_type3A_186, %cond3A_187 : i32
      scf.if %cond3A_188 {
        %mul3A_197 = arith.constant 2 : i32
        %mul3A_198 = arith.muli %mul3A_197, %add3A_184 : i32
        %add3A_199 = arith.addi %mul3A_198, %div3A_7 : i32
        %mul3A_200 = arith.constant 32 : i32
        %mul3A_201 = arith.muli %add3A_199, %mul3A_200 : i32
        %multiple_of3A = tpu.assume_multiple %mul3A_201, 32 : i32
        %dma_wait3A = arith.constant 0 : i32
        %dma_wait3A_202 = arith.constant 0 : i32
        %dma_wait3A_203 = tpu.memref_slice %arg4[%dma_wait3A, %dma_wait3A_202] : memref<32768x512xf32, #tpu.memory_space<hbm>> -> memref<32x512xf32, #tpu.memory_space<hbm>>
        %dma_wait3A_204 = arith.constant 0 : i32
        %dma_wait3A_205 = arith.constant 0 : i32
        %dma_wait3A_206 = tpu.memref_slice %arg4[%dma_wait3A_204, %dma_wait3A_205] : memref<32768x512xf32, #tpu.memory_space<hbm>> -> memref<32x512xf32, #tpu.memory_space<hbm>>
        tpu.wait_dma2 semaphore(%arg30 : memref<!tpu.dma_semaphore, #tpu.memory_space<semaphore_mem>>) src(%dma_wait3A_206 : memref<32x512xf32, #tpu.memory_space<hbm>>) dst(%arg20 : memref<32x512xf32, #tpu.memory_space<vmem>>)
        %add3A_207 = arith.addi %mul3A_18, %multiple_of3A : i32
        %dma_start3A = arith.constant 0 : i32
        %dma_start3A_208 = tpu.memref_slice %arg8[%add3A_207, %dma_start3A] : memref<32768x512xf32, #tpu.memory_space<hbm>> -> memref<32x512xf32, #tpu.memory_space<hbm>>
        %dma_start3A_209 = arith.constant 0 : i32
        %dma_start3A_210 = tpu.memref_slice %arg8[%add3A_207, %dma_start3A_209] : memref<32768x512xf32, #tpu.memory_space<hbm>> -> memref<32x512xf32, #tpu.memory_space<hbm>>
        tpu.enqueue_dma source(%arg20 : memref<32x512xf32, #tpu.memory_space<vmem>>) target(%dma_start3A_210 : memref<32x512xf32, #tpu.memory_space<hbm>>) target_semaphore(%arg35 : memref<!tpu.dma_semaphore, #tpu.memory_space<semaphore_mem>>)
        %add3A_211 = arith.constant 5 : i32
        %add3A_212 = arith.addi %add3A_184, %add3A_211 : i32
        %lt3A_213 = arith.cmpi slt, %add3A_212, %div3A_30 : i32
        %convert_element_type3A_214 = arith.extui %lt3A_213 : i1 to i32
        %cond3A_215 = arith.constant 0 : i32
        %cond3A_216 = arith.cmpi ne, %convert_element_type3A_214, %cond3A_215 : i32
        scf.if %cond3A_216 {
          %dma_wait3A_217 = arith.constant 0 : i32
          %dma_wait3A_218 = tpu.memref_slice %arg8[%mul3A_18, %dma_wait3A_217] : memref<32768x512xf32, #tpu.memory_space<hbm>> -> memref<32x512xf32, #tpu.memory_space<hbm>>
          %dma_wait3A_219 = arith.constant 0 : i32
          %dma_wait3A_220 = tpu.memref_slice %arg8[%mul3A_18, %dma_wait3A_219] : memref<32768x512xf32, #tpu.memory_space<hbm>> -> memref<32x512xf32, #tpu.memory_space<hbm>>
          tpu.wait_dma2 semaphore(%arg35 : memref<!tpu.dma_semaphore, #tpu.memory_space<semaphore_mem>>) src(%arg20 : memref<32x512xf32, #tpu.memory_space<vmem>>) dst(%dma_wait3A_220 : memref<32x512xf32, #tpu.memory_space<hbm>>)
          %mul3A_221 = arith.constant 2 : i32
          %mul3A_222 = arith.muli %mul3A_221, %add3A_212 : i32
          %add3A_223 = arith.addi %mul3A_222, %div3A_7 : i32
          %mul3A_224 = arith.constant 32 : i32
          %mul3A_225 = arith.muli %add3A_223, %mul3A_224 : i32
          %multiple_of3A_226 = tpu.assume_multiple %mul3A_225, 32 : i32
          %dma_start3A_227 = tpu.memref_slice %arg16[%multiple_of3A_226] : memref<2048xi32, #tpu.memory_space<vmem>> -> memref<32xi32, #tpu.memory_space<vmem>>
          %dma_start3A_228 = arith.constant 0 : i32
          %dma_start3A_229 = arith.constant 0 : i32
          %dma_start3A_230 = tpu.memref_slice %arg4[%dma_start3A_228, %dma_start3A_229] : memref<32768x512xf32, #tpu.memory_space<hbm>> -> memref<32768x512xf32, #tpu.memory_space<hbm>>
          tpu.enqueue_indirect_dma source(%dma_start3A_230 : memref<32768x512xf32, #tpu.memory_space<hbm>>) target(%arg20 : memref<32x512xf32, #tpu.memory_space<vmem>>) offsets(%dma_start3A_227 : memref<32xi32, #tpu.memory_space<vmem>>) semaphore(%arg30 : memref<!tpu.dma_semaphore, #tpu.memory_space<semaphore_mem>>)
        } else {
        }
      } else {
      }
      %mul3A_189 = arith.constant 5 : i32
      %mul3A_190 = arith.muli %add3A_156, %mul3A_189 : i32
      %add3A_191 = arith.constant 4 : i32
      %add3A_192 = arith.addi %mul3A_190, %add3A_191 : i32
      %lt3A_193 = arith.cmpi slt, %add3A_192, %div3A_30 : i32
      %convert_element_type3A_194 = arith.extui %lt3A_193 : i1 to i32
      %cond3A_195 = arith.constant 0 : i32
      %cond3A_196 = arith.cmpi ne, %convert_element_type3A_194, %cond3A_195 : i32
      scf.if %cond3A_196 {
        %mul3A_197 = arith.constant 2 : i32
        %mul3A_198 = arith.muli %mul3A_197, %add3A_192 : i32
        %add3A_199 = arith.addi %mul3A_198, %div3A_7 : i32
        %mul3A_200 = arith.constant 32 : i32
        %mul3A_201 = arith.muli %add3A_199, %mul3A_200 : i32
        %multiple_of3A = tpu.assume_multiple %mul3A_201, 32 : i32
        %dma_wait3A = arith.constant 0 : i32
        %dma_wait3A_202 = arith.constant 0 : i32
        %dma_wait3A_203 = tpu.memref_slice %arg4[%dma_wait3A, %dma_wait3A_202] : memref<32768x512xf32, #tpu.memory_space<hbm>> -> memref<32x512xf32, #tpu.memory_space<hbm>>
        %dma_wait3A_204 = arith.constant 0 : i32
        %dma_wait3A_205 = arith.constant 0 : i32
        %dma_wait3A_206 = tpu.memref_slice %arg4[%dma_wait3A_204, %dma_wait3A_205] : memref<32768x512xf32, #tpu.memory_space<hbm>> -> memref<32x512xf32, #tpu.memory_space<hbm>>
        tpu.wait_dma2 semaphore(%arg31 : memref<!tpu.dma_semaphore, #tpu.memory_space<semaphore_mem>>) src(%dma_wait3A_206 : memref<32x512xf32, #tpu.memory_space<hbm>>) dst(%arg21 : memref<32x512xf32, #tpu.memory_space<vmem>>)
        %add3A_207 = arith.addi %mul3A_18, %multiple_of3A : i32
        %dma_start3A = arith.constant 0 : i32
        %dma_start3A_208 = tpu.memref_slice %arg8[%add3A_207, %dma_start3A] : memref<32768x512xf32, #tpu.memory_space<hbm>> -> memref<32x512xf32, #tpu.memory_space<hbm>>
        %dma_start3A_209 = arith.constant 0 : i32
        %dma_start3A_210 = tpu.memref_slice %arg8[%add3A_207, %dma_start3A_209] : memref<32768x512xf32, #tpu.memory_space<hbm>> -> memref<32x512xf32, #tpu.memory_space<hbm>>
        tpu.enqueue_dma source(%arg21 : memref<32x512xf32, #tpu.memory_space<vmem>>) target(%dma_start3A_210 : memref<32x512xf32, #tpu.memory_space<hbm>>) target_semaphore(%arg36 : memref<!tpu.dma_semaphore, #tpu.memory_space<semaphore_mem>>)
        %add3A_211 = arith.constant 5 : i32
        %add3A_212 = arith.addi %add3A_192, %add3A_211 : i32
        %lt3A_213 = arith.cmpi slt, %add3A_212, %div3A_30 : i32
        %convert_element_type3A_214 = arith.extui %lt3A_213 : i1 to i32
        %cond3A_215 = arith.constant 0 : i32
        %cond3A_216 = arith.cmpi ne, %convert_element_type3A_214, %cond3A_215 : i32
        scf.if %cond3A_216 {
          %dma_wait3A_217 = arith.constant 0 : i32
          %dma_wait3A_218 = tpu.memref_slice %arg8[%mul3A_18, %dma_wait3A_217] : memref<32768x512xf32, #tpu.memory_space<hbm>> -> memref<32x512xf32, #tpu.memory_space<hbm>>
          %dma_wait3A_219 = arith.constant 0 : i32
          %dma_wait3A_220 = tpu.memref_slice %arg8[%mul3A_18, %dma_wait3A_219] : memref<32768x512xf32, #tpu.memory_space<hbm>> -> memref<32x512xf32, #tpu.memory_space<hbm>>
          tpu.wait_dma2 semaphore(%arg36 : memref<!tpu.dma_semaphore, #tpu.memory_space<semaphore_mem>>) src(%arg21 : memref<32x512xf32, #tpu.memory_space<vmem>>) dst(%dma_wait3A_220 : memref<32x512xf32, #tpu.memory_space<hbm>>)
          %mul3A_221 = arith.constant 2 : i32
          %mul3A_222 = arith.muli %mul3A_221, %add3A_212 : i32
          %add3A_223 = arith.addi %mul3A_222, %div3A_7 : i32
          %mul3A_224 = arith.constant 32 : i32
          %mul3A_225 = arith.muli %add3A_223, %mul3A_224 : i32
          %multiple_of3A_226 = tpu.assume_multiple %mul3A_225, 32 : i32
          %dma_start3A_227 = tpu.memref_slice %arg16[%multiple_of3A_226] : memref<2048xi32, #tpu.memory_space<vmem>> -> memref<32xi32, #tpu.memory_space<vmem>>
          %dma_start3A_228 = arith.constant 0 : i32
          %dma_start3A_229 = arith.constant 0 : i32
          %dma_start3A_230 = tpu.memref_slice %arg4[%dma_start3A_228, %dma_start3A_229] : memref<32768x512xf32, #tpu.memory_space<hbm>> -> memref<32768x512xf32, #tpu.memory_space<hbm>>
          tpu.enqueue_indirect_dma source(%dma_start3A_230 : memref<32768x512xf32, #tpu.memory_space<hbm>>) target(%arg21 : memref<32x512xf32, #tpu.memory_space<vmem>>) offsets(%dma_start3A_227 : memref<32xi32, #tpu.memory_space<vmem>>) semaphore(%arg31 : memref<!tpu.dma_semaphore, #tpu.memory_space<semaphore_mem>>)
        } else {
        }
      } else {
      }
    }
    %while3A_104 = arith.constant 1 : i32
    scf.for %while3A_154 = %while3A_102 to %while3A_98 step %while3A_104  : i32 {
      %mul3A_155 = arith.muli %while3A_154, %while3A_94 : i32
      %add3A_156 = arith.addi %while3A_95, %mul3A_155 : i32
      %mul3A_157 = arith.constant 5 : i32
      %mul3A_158 = arith.muli %add3A_156, %mul3A_157 : i32
      %add3A_159 = arith.constant 0 : i32
      %add3A_160 = arith.addi %mul3A_158, %add3A_159 : i32
      %lt3A_161 = arith.cmpi slt, %add3A_160, %div3A_30 : i32
      %convert_element_type3A_162 = arith.extui %lt3A_161 : i1 to i32
      %cond3A_163 = arith.constant 0 : i32
      %cond3A_164 = arith.cmpi ne, %convert_element_type3A_162, %cond3A_163 : i32
      scf.if %cond3A_164 {
        %mul3A_197 = arith.constant 2 : i32
        %mul3A_198 = arith.muli %mul3A_197, %add3A_160 : i32
        %add3A_199 = arith.addi %mul3A_198, %div3A_7 : i32
        %mul3A_200 = arith.constant 32 : i32
        %mul3A_201 = arith.muli %add3A_199, %mul3A_200 : i32
        %multiple_of3A = tpu.assume_multiple %mul3A_201, 32 : i32
        %dma_wait3A = arith.constant 0 : i32
        %dma_wait3A_202 = arith.constant 0 : i32
        %dma_wait3A_203 = tpu.memref_slice %arg4[%dma_wait3A, %dma_wait3A_202] : memref<32768x512xf32, #tpu.memory_space<hbm>> -> memref<32x512xf32, #tpu.memory_space<hbm>>
        %dma_wait3A_204 = arith.constant 0 : i32
        %dma_wait3A_205 = arith.constant 0 : i32
        %dma_wait3A_206 = tpu.memref_slice %arg4[%dma_wait3A_204, %dma_wait3A_205] : memref<32768x512xf32, #tpu.memory_space<hbm>> -> memref<32x512xf32, #tpu.memory_space<hbm>>
        tpu.wait_dma2 semaphore(%arg27 : memref<!tpu.dma_semaphore, #tpu.memory_space<semaphore_mem>>) src(%dma_wait3A_206 : memref<32x512xf32, #tpu.memory_space<hbm>>) dst(%arg17 : memref<32x512xf32, #tpu.memory_space<vmem>>)
        %add3A_207 = arith.addi %mul3A_18, %multiple_of3A : i32
        %dma_start3A = arith.constant 0 : i32
        %dma_start3A_208 = tpu.memref_slice %arg8[%add3A_207, %dma_start3A] : memref<32768x512xf32, #tpu.memory_space<hbm>> -> memref<32x512xf32, #tpu.memory_space<hbm>>
        %dma_start3A_209 = arith.constant 0 : i32
        %dma_start3A_210 = tpu.memref_slice %arg8[%add3A_207, %dma_start3A_209] : memref<32768x512xf32, #tpu.memory_space<hbm>> -> memref<32x512xf32, #tpu.memory_space<hbm>>
        tpu.enqueue_dma source(%arg17 : memref<32x512xf32, #tpu.memory_space<vmem>>) target(%dma_start3A_210 : memref<32x512xf32, #tpu.memory_space<hbm>>) target_semaphore(%arg32 : memref<!tpu.dma_semaphore, #tpu.memory_space<semaphore_mem>>)
        %add3A_211 = arith.constant 5 : i32
        %add3A_212 = arith.addi %add3A_160, %add3A_211 : i32
        %lt3A_213 = arith.cmpi slt, %add3A_212, %div3A_30 : i32
        %convert_element_type3A_214 = arith.extui %lt3A_213 : i1 to i32
        %cond3A_215 = arith.constant 0 : i32
        %cond3A_216 = arith.cmpi ne, %convert_element_type3A_214, %cond3A_215 : i32
        scf.if %cond3A_216 {
          %dma_wait3A_217 = arith.constant 0 : i32
          %dma_wait3A_218 = tpu.memref_slice %arg8[%mul3A_18, %dma_wait3A_217] : memref<32768x512xf32, #tpu.memory_space<hbm>> -> memref<32x512xf32, #tpu.memory_space<hbm>>
          %dma_wait3A_219 = arith.constant 0 : i32
          %dma_wait3A_220 = tpu.memref_slice %arg8[%mul3A_18, %dma_wait3A_219] : memref<32768x512xf32, #tpu.memory_space<hbm>> -> memref<32x512xf32, #tpu.memory_space<hbm>>
          tpu.wait_dma2 semaphore(%arg32 : memref<!tpu.dma_semaphore, #tpu.memory_space<semaphore_mem>>) src(%arg17 : memref<32x512xf32, #tpu.memory_space<vmem>>) dst(%dma_wait3A_220 : memref<32x512xf32, #tpu.memory_space<hbm>>)
          %mul3A_221 = arith.constant 2 : i32
          %mul3A_222 = arith.muli %mul3A_221, %add3A_212 : i32
          %add3A_223 = arith.addi %mul3A_222, %div3A_7 : i32
          %mul3A_224 = arith.constant 32 : i32
          %mul3A_225 = arith.muli %add3A_223, %mul3A_224 : i32
          %multiple_of3A_226 = tpu.assume_multiple %mul3A_225, 32 : i32
          %dma_start3A_227 = tpu.memref_slice %arg16[%multiple_of3A_226] : memref<2048xi32, #tpu.memory_space<vmem>> -> memref<32xi32, #tpu.memory_space<vmem>>
          %dma_start3A_228 = arith.constant 0 : i32
          %dma_start3A_229 = arith.constant 0 : i32
          %dma_start3A_230 = tpu.memref_slice %arg4[%dma_start3A_228, %dma_start3A_229] : memref<32768x512xf32, #tpu.memory_space<hbm>> -> memref<32768x512xf32, #tpu.memory_space<hbm>>
          tpu.enqueue_indirect_dma source(%dma_start3A_230 : memref<32768x512xf32, #tpu.memory_space<hbm>>) target(%arg17 : memref<32x512xf32, #tpu.memory_space<vmem>>) offsets(%dma_start3A_227 : memref<32xi32, #tpu.memory_space<vmem>>) semaphore(%arg27 : memref<!tpu.dma_semaphore, #tpu.memory_space<semaphore_mem>>)
        } else {
        }
      } else {
      }
      %mul3A_165 = arith.constant 5 : i32
      %mul3A_166 = arith.muli %add3A_156, %mul3A_165 : i32
      %add3A_167 = arith.constant 1 : i32
      %add3A_168 = arith.addi %mul3A_166, %add3A_167 : i32
      %lt3A_169 = arith.cmpi slt, %add3A_168, %div3A_30 : i32
      %convert_element_type3A_170 = arith.extui %lt3A_169 : i1 to i32
      %cond3A_171 = arith.constant 0 : i32
      %cond3A_172 = arith.cmpi ne, %convert_element_type3A_170, %cond3A_171 : i32
      scf.if %cond3A_172 {
        %mul3A_197 = arith.constant 2 : i32
        %mul3A_198 = arith.muli %mul3A_197, %add3A_168 : i32
        %add3A_199 = arith.addi %mul3A_198, %div3A_7 : i32
        %mul3A_200 = arith.constant 32 : i32
        %mul3A_201 = arith.muli %add3A_199, %mul3A_200 : i32
        %multiple_of3A = tpu.assume_multiple %mul3A_201, 32 : i32
        %dma_wait3A = arith.constant 0 : i32
        %dma_wait3A_202 = arith.constant 0 : i32
        %dma_wait3A_203 = tpu.memref_slice %arg4[%dma_wait3A, %dma_wait3A_202] : memref<32768x512xf32, #tpu.memory_space<hbm>> -> memref<32x512xf32, #tpu.memory_space<hbm>>
        %dma_wait3A_204 = arith.constant 0 : i32
        %dma_wait3A_205 = arith.constant 0 : i32
        %dma_wait3A_206 = tpu.memref_slice %arg4[%dma_wait3A_204, %dma_wait3A_205] : memref<32768x512xf32, #tpu.memory_space<hbm>> -> memref<32x512xf32, #tpu.memory_space<hbm>>
        tpu.wait_dma2 semaphore(%arg28 : memref<!tpu.dma_semaphore, #tpu.memory_space<semaphore_mem>>) src(%dma_wait3A_206 : memref<32x512xf32, #tpu.memory_space<hbm>>) dst(%arg18 : memref<32x512xf32, #tpu.memory_space<vmem>>)
        %add3A_207 = arith.addi %mul3A_18, %multiple_of3A : i32
        %dma_start3A = arith.constant 0 : i32
        %dma_start3A_208 = tpu.memref_slice %arg8[%add3A_207, %dma_start3A] : memref<32768x512xf32, #tpu.memory_space<hbm>> -> memref<32x512xf32, #tpu.memory_space<hbm>>
        %dma_start3A_209 = arith.constant 0 : i32
        %dma_start3A_210 = tpu.memref_slice %arg8[%add3A_207, %dma_start3A_209] : memref<32768x512xf32, #tpu.memory_space<hbm>> -> memref<32x512xf32, #tpu.memory_space<hbm>>
        tpu.enqueue_dma source(%arg18 : memref<32x512xf32, #tpu.memory_space<vmem>>) target(%dma_start3A_210 : memref<32x512xf32, #tpu.memory_space<hbm>>) target_semaphore(%arg33 : memref<!tpu.dma_semaphore, #tpu.memory_space<semaphore_mem>>)
        %add3A_211 = arith.constant 5 : i32
        %add3A_212 = arith.addi %add3A_168, %add3A_211 : i32
        %lt3A_213 = arith.cmpi slt, %add3A_212, %div3A_30 : i32
        %convert_element_type3A_214 = arith.extui %lt3A_213 : i1 to i32
        %cond3A_215 = arith.constant 0 : i32
        %cond3A_216 = arith.cmpi ne, %convert_element_type3A_214, %cond3A_215 : i32
        scf.if %cond3A_216 {
          %dma_wait3A_217 = arith.constant 0 : i32
          %dma_wait3A_218 = tpu.memref_slice %arg8[%mul3A_18, %dma_wait3A_217] : memref<32768x512xf32, #tpu.memory_space<hbm>> -> memref<32x512xf32, #tpu.memory_space<hbm>>
          %dma_wait3A_219 = arith.constant 0 : i32
          %dma_wait3A_220 = tpu.memref_slice %arg8[%mul3A_18, %dma_wait3A_219] : memref<32768x512xf32, #tpu.memory_space<hbm>> -> memref<32x512xf32, #tpu.memory_space<hbm>>
          tpu.wait_dma2 semaphore(%arg33 : memref<!tpu.dma_semaphore, #tpu.memory_space<semaphore_mem>>) src(%arg18 : memref<32x512xf32, #tpu.memory_space<vmem>>) dst(%dma_wait3A_220 : memref<32x512xf32, #tpu.memory_space<hbm>>)
          %mul3A_221 = arith.constant 2 : i32
          %mul3A_222 = arith.muli %mul3A_221, %add3A_212 : i32
          %add3A_223 = arith.addi %mul3A_222, %div3A_7 : i32
          %mul3A_224 = arith.constant 32 : i32
          %mul3A_225 = arith.muli %add3A_223, %mul3A_224 : i32
          %multiple_of3A_226 = tpu.assume_multiple %mul3A_225, 32 : i32
          %dma_start3A_227 = tpu.memref_slice %arg16[%multiple_of3A_226] : memref<2048xi32, #tpu.memory_space<vmem>> -> memref<32xi32, #tpu.memory_space<vmem>>
          %dma_start3A_228 = arith.constant 0 : i32
          %dma_start3A_229 = arith.constant 0 : i32
          %dma_start3A_230 = tpu.memref_slice %arg4[%dma_start3A_228, %dma_start3A_229] : memref<32768x512xf32, #tpu.memory_space<hbm>> -> memref<32768x512xf32, #tpu.memory_space<hbm>>
          tpu.enqueue_indirect_dma source(%dma_start3A_230 : memref<32768x512xf32, #tpu.memory_space<hbm>>) target(%arg18 : memref<32x512xf32, #tpu.memory_space<vmem>>) offsets(%dma_start3A_227 : memref<32xi32, #tpu.memory_space<vmem>>) semaphore(%arg28 : memref<!tpu.dma_semaphore, #tpu.memory_space<semaphore_mem>>)
        } else {
        }
      } else {
      }
      %mul3A_173 = arith.constant 5 : i32
      %mul3A_174 = arith.muli %add3A_156, %mul3A_173 : i32
      %add3A_175 = arith.constant 2 : i32
      %add3A_176 = arith.addi %mul3A_174, %add3A_175 : i32
      %lt3A_177 = arith.cmpi slt, %add3A_176, %div3A_30 : i32
      %convert_element_type3A_178 = arith.extui %lt3A_177 : i1 to i32
      %cond3A_179 = arith.constant 0 : i32
      %cond3A_180 = arith.cmpi ne, %convert_element_type3A_178, %cond3A_179 : i32
      scf.if %cond3A_180 {
        %mul3A_197 = arith.constant 2 : i32
        %mul3A_198 = arith.muli %mul3A_197, %add3A_176 : i32
        %add3A_199 = arith.addi %mul3A_198, %div3A_7 : i32
        %mul3A_200 = arith.constant 32 : i32
        %mul3A_201 = arith.muli %add3A_199, %mul3A_200 : i32
        %multiple_of3A = tpu.assume_multiple %mul3A_201, 32 : i32
        %dma_wait3A = arith.constant 0 : i32
        %dma_wait3A_202 = arith.constant 0 : i32
        %dma_wait3A_203 = tpu.memref_slice %arg4[%dma_wait3A, %dma_wait3A_202] : memref<32768x512xf32, #tpu.memory_space<hbm>> -> memref<32x512xf32, #tpu.memory_space<hbm>>
        %dma_wait3A_204 = arith.constant 0 : i32
        %dma_wait3A_205 = arith.constant 0 : i32
        %dma_wait3A_206 = tpu.memref_slice %arg4[%dma_wait3A_204, %dma_wait3A_205] : memref<32768x512xf32, #tpu.memory_space<hbm>> -> memref<32x512xf32, #tpu.memory_space<hbm>>
        tpu.wait_dma2 semaphore(%arg29 : memref<!tpu.dma_semaphore, #tpu.memory_space<semaphore_mem>>) src(%dma_wait3A_206 : memref<32x512xf32, #tpu.memory_space<hbm>>) dst(%arg19 : memref<32x512xf32, #tpu.memory_space<vmem>>)
        %add3A_207 = arith.addi %mul3A_18, %multiple_of3A : i32
        %dma_start3A = arith.constant 0 : i32
        %dma_start3A_208 = tpu.memref_slice %arg8[%add3A_207, %dma_start3A] : memref<32768x512xf32, #tpu.memory_space<hbm>> -> memref<32x512xf32, #tpu.memory_space<hbm>>
        %dma_start3A_209 = arith.constant 0 : i32
        %dma_start3A_210 = tpu.memref_slice %arg8[%add3A_207, %dma_start3A_209] : memref<32768x512xf32, #tpu.memory_space<hbm>> -> memref<32x512xf32, #tpu.memory_space<hbm>>
        tpu.enqueue_dma source(%arg19 : memref<32x512xf32, #tpu.memory_space<vmem>>) target(%dma_start3A_210 : memref<32x512xf32, #tpu.memory_space<hbm>>) target_semaphore(%arg34 : memref<!tpu.dma_semaphore, #tpu.memory_space<semaphore_mem>>)
        %add3A_211 = arith.constant 5 : i32
        %add3A_212 = arith.addi %add3A_176, %add3A_211 : i32
        %lt3A_213 = arith.cmpi slt, %add3A_212, %div3A_30 : i32
        %convert_element_type3A_214 = arith.extui %lt3A_213 : i1 to i32
        %cond3A_215 = arith.constant 0 : i32
        %cond3A_216 = arith.cmpi ne, %convert_element_type3A_214, %cond3A_215 : i32
        scf.if %cond3A_216 {
          %dma_wait3A_217 = arith.constant 0 : i32
          %dma_wait3A_218 = tpu.memref_slice %arg8[%mul3A_18, %dma_wait3A_217] : memref<32768x512xf32, #tpu.memory_space<hbm>> -> memref<32x512xf32, #tpu.memory_space<hbm>>
          %dma_wait3A_219 = arith.constant 0 : i32
          %dma_wait3A_220 = tpu.memref_slice %arg8[%mul3A_18, %dma_wait3A_219] : memref<32768x512xf32, #tpu.memory_space<hbm>> -> memref<32x512xf32, #tpu.memory_space<hbm>>
          tpu.wait_dma2 semaphore(%arg34 : memref<!tpu.dma_semaphore, #tpu.memory_space<semaphore_mem>>) src(%arg19 : memref<32x512xf32, #tpu.memory_space<vmem>>) dst(%dma_wait3A_220 : memref<32x512xf32, #tpu.memory_space<hbm>>)
          %mul3A_221 = arith.constant 2 : i32
          %mul3A_222 = arith.muli %mul3A_221, %add3A_212 : i32
          %add3A_223 = arith.addi %mul3A_222, %div3A_7 : i32
          %mul3A_224 = arith.constant 32 : i32
          %mul3A_225 = arith.muli %add3A_223, %mul3A_224 : i32
          %multiple_of3A_226 = tpu.assume_multiple %mul3A_225, 32 : i32
          %dma_start3A_227 = tpu.memref_slice %arg16[%multiple_of3A_226] : memref<2048xi32, #tpu.memory_space<vmem>> -> memref<32xi32, #tpu.memory_space<vmem>>
          %dma_start3A_228 = arith.constant 0 : i32
          %dma_start3A_229 = arith.constant 0 : i32
          %dma_start3A_230 = tpu.memref_slice %arg4[%dma_start3A_228, %dma_start3A_229] : memref<32768x512xf32, #tpu.memory_space<hbm>> -> memref<32768x512xf32, #tpu.memory_space<hbm>>
          tpu.enqueue_indirect_dma source(%dma_start3A_230 : memref<32768x512xf32, #tpu.memory_space<hbm>>) target(%arg19 : memref<32x512xf32, #tpu.memory_space<vmem>>) offsets(%dma_start3A_227 : memref<32xi32, #tpu.memory_space<vmem>>) semaphore(%arg29 : memref<!tpu.dma_semaphore, #tpu.memory_space<semaphore_mem>>)
        } else {
        }
      } else {
      }
      %mul3A_181 = arith.constant 5 : i32
      %mul3A_182 = arith.muli %add3A_156, %mul3A_181 : i32
      %add3A_183 = arith.constant 3 : i32
      %add3A_184 = arith.addi %mul3A_182, %add3A_183 : i32
      %lt3A_185 = arith.cmpi slt, %add3A_184, %div3A_30 : i32
      %convert_element_type3A_186 = arith.extui %lt3A_185 : i1 to i32
      %cond3A_187 = arith.constant 0 : i32
      %cond3A_188 = arith.cmpi ne, %convert_element_type3A_186, %cond3A_187 : i32
      scf.if %cond3A_188 {
        %mul3A_197 = arith.constant 2 : i32
        %mul3A_198 = arith.muli %mul3A_197, %add3A_184 : i32
        %add3A_199 = arith.addi %mul3A_198, %div3A_7 : i32
        %mul3A_200 = arith.constant 32 : i32
        %mul3A_201 = arith.muli %add3A_199, %mul3A_200 : i32
        %multiple_of3A = tpu.assume_multiple %mul3A_201, 32 : i32
        %dma_wait3A = arith.constant 0 : i32
        %dma_wait3A_202 = arith.constant 0 : i32
        %dma_wait3A_203 = tpu.memref_slice %arg4[%dma_wait3A, %dma_wait3A_202] : memref<32768x512xf32, #tpu.memory_space<hbm>> -> memref<32x512xf32, #tpu.memory_space<hbm>>
        %dma_wait3A_204 = arith.constant 0 : i32
        %dma_wait3A_205 = arith.constant 0 : i32
        %dma_wait3A_206 = tpu.memref_slice %arg4[%dma_wait3A_204, %dma_wait3A_205] : memref<32768x512xf32, #tpu.memory_space<hbm>> -> memref<32x512xf32, #tpu.memory_space<hbm>>
        tpu.wait_dma2 semaphore(%arg30 : memref<!tpu.dma_semaphore, #tpu.memory_space<semaphore_mem>>) src(%dma_wait3A_206 : memref<32x512xf32, #tpu.memory_space<hbm>>) dst(%arg20 : memref<32x512xf32, #tpu.memory_space<vmem>>)
        %add3A_207 = arith.addi %mul3A_18, %multiple_of3A : i32
        %dma_start3A = arith.constant 0 : i32
        %dma_start3A_208 = tpu.memref_slice %arg8[%add3A_207, %dma_start3A] : memref<32768x512xf32, #tpu.memory_space<hbm>> -> memref<32x512xf32, #tpu.memory_space<hbm>>
        %dma_start3A_209 = arith.constant 0 : i32
        %dma_start3A_210 = tpu.memref_slice %arg8[%add3A_207, %dma_start3A_209] : memref<32768x512xf32, #tpu.memory_space<hbm>> -> memref<32x512xf32, #tpu.memory_space<hbm>>
        tpu.enqueue_dma source(%arg20 : memref<32x512xf32, #tpu.memory_space<vmem>>) target(%dma_start3A_210 : memref<32x512xf32, #tpu.memory_space<hbm>>) target_semaphore(%arg35 : memref<!tpu.dma_semaphore, #tpu.memory_space<semaphore_mem>>)
        %add3A_211 = arith.constant 5 : i32
        %add3A_212 = arith.addi %add3A_184, %add3A_211 : i32
        %lt3A_213 = arith.cmpi slt, %add3A_212, %div3A_30 : i32
        %convert_element_type3A_214 = arith.extui %lt3A_213 : i1 to i32
        %cond3A_215 = arith.constant 0 : i32
        %cond3A_216 = arith.cmpi ne, %convert_element_type3A_214, %cond3A_215 : i32
        scf.if %cond3A_216 {
          %dma_wait3A_217 = arith.constant 0 : i32
          %dma_wait3A_218 = tpu.memref_slice %arg8[%mul3A_18, %dma_wait3A_217] : memref<32768x512xf32, #tpu.memory_space<hbm>> -> memref<32x512xf32, #tpu.memory_space<hbm>>
          %dma_wait3A_219 = arith.constant 0 : i32
          %dma_wait3A_220 = tpu.memref_slice %arg8[%mul3A_18, %dma_wait3A_219] : memref<32768x512xf32, #tpu.memory_space<hbm>> -> memref<32x512xf32, #tpu.memory_space<hbm>>
          tpu.wait_dma2 semaphore(%arg35 : memref<!tpu.dma_semaphore, #tpu.memory_space<semaphore_mem>>) src(%arg20 : memref<32x512xf32, #tpu.memory_space<vmem>>) dst(%dma_wait3A_220 : memref<32x512xf32, #tpu.memory_space<hbm>>)
          %mul3A_221 = arith.constant 2 : i32
          %mul3A_222 = arith.muli %mul3A_221, %add3A_212 : i32
          %add3A_223 = arith.addi %mul3A_222, %div3A_7 : i32
          %mul3A_224 = arith.constant 32 : i32
          %mul3A_225 = arith.muli %add3A_223, %mul3A_224 : i32
          %multiple_of3A_226 = tpu.assume_multiple %mul3A_225, 32 : i32
          %dma_start3A_227 = tpu.memref_slice %arg16[%multiple_of3A_226] : memref<2048xi32, #tpu.memory_space<vmem>> -> memref<32xi32, #tpu.memory_space<vmem>>
          %dma_start3A_228 = arith.constant 0 : i32
          %dma_start3A_229 = arith.constant 0 : i32
          %dma_start3A_230 = tpu.memref_slice %arg4[%dma_start3A_228, %dma_start3A_229] : memref<32768x512xf32, #tpu.memory_space<hbm>> -> memref<32768x512xf32, #tpu.memory_space<hbm>>
          tpu.enqueue_indirect_dma source(%dma_start3A_230 : memref<32768x512xf32, #tpu.memory_space<hbm>>) target(%arg20 : memref<32x512xf32, #tpu.memory_space<vmem>>) offsets(%dma_start3A_227 : memref<32xi32, #tpu.memory_space<vmem>>) semaphore(%arg30 : memref<!tpu.dma_semaphore, #tpu.memory_space<semaphore_mem>>)
        } else {
        }
      } else {
      }
      %mul3A_189 = arith.constant 5 : i32
      %mul3A_190 = arith.muli %add3A_156, %mul3A_189 : i32
      %add3A_191 = arith.constant 4 : i32
      %add3A_192 = arith.addi %mul3A_190, %add3A_191 : i32
      %lt3A_193 = arith.cmpi slt, %add3A_192, %div3A_30 : i32
      %convert_element_type3A_194 = arith.extui %lt3A_193 : i1 to i32
      %cond3A_195 = arith.constant 0 : i32
      %cond3A_196 = arith.cmpi ne, %convert_element_type3A_194, %cond3A_195 : i32
      scf.if %cond3A_196 {
        %mul3A_197 = arith.constant 2 : i32
        %mul3A_198 = arith.muli %mul3A_197, %add3A_192 : i32
        %add3A_199 = arith.addi %mul3A_198, %div3A_7 : i32
        %mul3A_200 = arith.constant 32 : i32
        %mul3A_201 = arith.muli %add3A_199, %mul3A_200 : i32
        %multiple_of3A = tpu.assume_multiple %mul3A_201, 32 : i32
        %dma_wait3A = arith.constant 0 : i32
        %dma_wait3A_202 = arith.constant 0 : i32
        %dma_wait3A_203 = tpu.memref_slice %arg4[%dma_wait3A, %dma_wait3A_202] : memref<32768x512xf32, #tpu.memory_space<hbm>> -> memref<32x512xf32, #tpu.memory_space<hbm>>
        %dma_wait3A_204 = arith.constant 0 : i32
        %dma_wait3A_205 = arith.constant 0 : i32
        %dma_wait3A_206 = tpu.memref_slice %arg4[%dma_wait3A_204, %dma_wait3A_205] : memref<32768x512xf32, #tpu.memory_space<hbm>> -> memref<32x512xf32, #tpu.memory_space<hbm>>
        tpu.wait_dma2 semaphore(%arg31 : memref<!tpu.dma_semaphore, #tpu.memory_space<semaphore_mem>>) src(%dma_wait3A_206 : memref<32x512xf32, #tpu.memory_space<hbm>>) dst(%arg21 : memref<32x512xf32, #tpu.memory_space<vmem>>)
        %add3A_207 = arith.addi %mul3A_18, %multiple_of3A : i32
        %dma_start3A = arith.constant 0 : i32
        %dma_start3A_208 = tpu.memref_slice %arg8[%add3A_207, %dma_start3A] : memref<32768x512xf32, #tpu.memory_space<hbm>> -> memref<32x512xf32, #tpu.memory_space<hbm>>
        %dma_start3A_209 = arith.constant 0 : i32
        %dma_start3A_210 = tpu.memref_slice %arg8[%add3A_207, %dma_start3A_209] : memref<32768x512xf32, #tpu.memory_space<hbm>> -> memref<32x512xf32, #tpu.memory_space<hbm>>
        tpu.enqueue_dma source(%arg21 : memref<32x512xf32, #tpu.memory_space<vmem>>) target(%dma_start3A_210 : memref<32x512xf32, #tpu.memory_space<hbm>>) target_semaphore(%arg36 : memref<!tpu.dma_semaphore, #tpu.memory_space<semaphore_mem>>)
        %add3A_211 = arith.constant 5 : i32
        %add3A_212 = arith.addi %add3A_192, %add3A_211 : i32
        %lt3A_213 = arith.cmpi slt, %add3A_212, %div3A_30 : i32
        %convert_element_type3A_214 = arith.extui %lt3A_213 : i1 to i32
        %cond3A_215 = arith.constant 0 : i32
        %cond3A_216 = arith.cmpi ne, %convert_element_type3A_214, %cond3A_215 : i32
        scf.if %cond3A_216 {
          %dma_wait3A_217 = arith.constant 0 : i32
          %dma_wait3A_218 = tpu.memref_slice %arg8[%mul3A_18, %dma_wait3A_217] : memref<32768x512xf32, #tpu.memory_space<hbm>> -> memref<32x512xf32, #tpu.memory_space<hbm>>
          %dma_wait3A_219 = arith.constant 0 : i32
          %dma_wait3A_220 = tpu.memref_slice %arg8[%mul3A_18, %dma_wait3A_219] : memref<32768x512xf32, #tpu.memory_space<hbm>> -> memref<32x512xf32, #tpu.memory_space<hbm>>
          tpu.wait_dma2 semaphore(%arg36 : memref<!tpu.dma_semaphore, #tpu.memory_space<semaphore_mem>>) src(%arg21 : memref<32x512xf32, #tpu.memory_space<vmem>>) dst(%dma_wait3A_220 : memref<32x512xf32, #tpu.memory_space<hbm>>)
          %mul3A_221 = arith.constant 2 : i32
          %mul3A_222 = arith.muli %mul3A_221, %add3A_212 : i32
          %add3A_223 = arith.addi %mul3A_222, %div3A_7 : i32
          %mul3A_224 = arith.constant 32 : i32
          %mul3A_225 = arith.muli %add3A_223, %mul3A_224 : i32
          %multiple_of3A_226 = tpu.assume_multiple %mul3A_225, 32 : i32
          %dma_start3A_227 = tpu.memref_slice %arg16[%multiple_of3A_226] : memref<2048xi32, #tpu.memory_space<vmem>> -> memref<32xi32, #tpu.memory_space<vmem>>
          %dma_start3A_228 = arith.constant 0 : i32
          %dma_start3A_229 = arith.constant 0 : i32
          %dma_start3A_230 = tpu.memref_slice %arg4[%dma_start3A_228, %dma_start3A_229] : memref<32768x512xf32, #tpu.memory_space<hbm>> -> memref<32768x512xf32, #tpu.memory_space<hbm>>
          tpu.enqueue_indirect_dma source(%dma_start3A_230 : memref<32768x512xf32, #tpu.memory_space<hbm>>) target(%arg21 : memref<32x512xf32, #tpu.memory_space<vmem>>) offsets(%dma_start3A_227 : memref<32xi32, #tpu.memory_space<vmem>>) semaphore(%arg31 : memref<!tpu.dma_semaphore, #tpu.memory_space<semaphore_mem>>)
        } else {
        }
      } else {
      }
    }
    %gt3A_105 = arith.constant 0 : i32
    %gt3A_106 = arith.cmpi sgt, %div3A_30, %gt3A_105 : i32
    %convert_element_type3A_107 = arith.extui %gt3A_106 : i1 to i32
    %cond3A_108 = arith.constant 0 : i32
    %cond3A_109 = arith.cmpi ne, %convert_element_type3A_107, %cond3A_108 : i32
    scf.if %cond3A_109 {
      %dma_wait3A = arith.constant 0 : i32
      %dma_wait3A_154 = tpu.memref_slice %arg8[%mul3A_18, %dma_wait3A] : memref<32768x512xf32, #tpu.memory_space<hbm>> -> memref<32x512xf32, #tpu.memory_space<hbm>>
      %dma_wait3A_155 = arith.constant 0 : i32
      %dma_wait3A_156 = tpu.memref_slice %arg8[%mul3A_18, %dma_wait3A_155] : memref<32768x512xf32, #tpu.memory_space<hbm>> -> memref<32x512xf32, #tpu.memory_space<hbm>>
      tpu.wait_dma2 semaphore(%arg32 : memref<!tpu.dma_semaphore, #tpu.memory_space<semaphore_mem>>) src(%arg17 : memref<32x512xf32, #tpu.memory_space<vmem>>) dst(%dma_wait3A_156 : memref<32x512xf32, #tpu.memory_space<hbm>>)
    } else {
    }
    %gt3A_110 = arith.constant 1 : i32
    %gt3A_111 = arith.cmpi sgt, %div3A_30, %gt3A_110 : i32
    %convert_element_type3A_112 = arith.extui %gt3A_111 : i1 to i32
    %cond3A_113 = arith.constant 0 : i32
    %cond3A_114 = arith.cmpi ne, %convert_element_type3A_112, %cond3A_113 : i32
    scf.if %cond3A_114 {
      %dma_wait3A = arith.constant 0 : i32
      %dma_wait3A_154 = tpu.memref_slice %arg8[%mul3A_18, %dma_wait3A] : memref<32768x512xf32, #tpu.memory_space<hbm>> -> memref<32x512xf32, #tpu.memory_space<hbm>>
      %dma_wait3A_155 = arith.constant 0 : i32
      %dma_wait3A_156 = tpu.memref_slice %arg8[%mul3A_18, %dma_wait3A_155] : memref<32768x512xf32, #tpu.memory_space<hbm>> -> memref<32x512xf32, #tpu.memory_space<hbm>>
      tpu.wait_dma2 semaphore(%arg33 : memref<!tpu.dma_semaphore, #tpu.memory_space<semaphore_mem>>) src(%arg18 : memref<32x512xf32, #tpu.memory_space<vmem>>) dst(%dma_wait3A_156 : memref<32x512xf32, #tpu.memory_space<hbm>>)
    } else {
    }
    %gt3A_115 = arith.constant 2 : i32
    %gt3A_116 = arith.cmpi sgt, %div3A_30, %gt3A_115 : i32
    %convert_element_type3A_117 = arith.extui %gt3A_116 : i1 to i32
    %cond3A_118 = arith.constant 0 : i32
    %cond3A_119 = arith.cmpi ne, %convert_element_type3A_117, %cond3A_118 : i32
    scf.if %cond3A_119 {
      %dma_wait3A = arith.constant 0 : i32
      %dma_wait3A_154 = tpu.memref_slice %arg8[%mul3A_18, %dma_wait3A] : memref<32768x512xf32, #tpu.memory_space<hbm>> -> memref<32x512xf32, #tpu.memory_space<hbm>>
      %dma_wait3A_155 = arith.constant 0 : i32
      %dma_wait3A_156 = tpu.memref_slice %arg8[%mul3A_18, %dma_wait3A_155] : memref<32768x512xf32, #tpu.memory_space<hbm>> -> memref<32x512xf32, #tpu.memory_space<hbm>>
      tpu.wait_dma2 semaphore(%arg34 : memref<!tpu.dma_semaphore, #tpu.memory_space<semaphore_mem>>) src(%arg19 : memref<32x512xf32, #tpu.memory_space<vmem>>) dst(%dma_wait3A_156 : memref<32x512xf32, #tpu.memory_space<hbm>>)
    } else {
    }
    %gt3A_120 = arith.constant 3 : i32
    %gt3A_121 = arith.cmpi sgt, %div3A_30, %gt3A_120 : i32
    %convert_element_type3A_122 = arith.extui %gt3A_121 : i1 to i32
    %cond3A_123 = arith.constant 0 : i32
    %cond3A_124 = arith.cmpi ne, %convert_element_type3A_122, %cond3A_123 : i32
    scf.if %cond3A_124 {
      %dma_wait3A = arith.constant 0 : i32
      %dma_wait3A_154 = tpu.memref_slice %arg8[%mul3A_18, %dma_wait3A] : memref<32768x512xf32, #tpu.memory_space<hbm>> -> memref<32x512xf32, #tpu.memory_space<hbm>>
      %dma_wait3A_155 = arith.constant 0 : i32
      %dma_wait3A_156 = tpu.memref_slice %arg8[%mul3A_18, %dma_wait3A_155] : memref<32768x512xf32, #tpu.memory_space<hbm>> -> memref<32x512xf32, #tpu.memory_space<hbm>>
      tpu.wait_dma2 semaphore(%arg35 : memref<!tpu.dma_semaphore, #tpu.memory_space<semaphore_mem>>) src(%arg20 : memref<32x512xf32, #tpu.memory_space<vmem>>) dst(%dma_wait3A_156 : memref<32x512xf32, #tpu.memory_space<hbm>>)
    } else {
    }
    %gt3A_125 = arith.constant 4 : i32
    %gt3A_126 = arith.cmpi sgt, %div3A_30, %gt3A_125 : i32
    %convert_element_type3A_127 = arith.extui %gt3A_126 : i1 to i32
    %cond3A_128 = arith.constant 0 : i32
    %cond3A_129 = arith.cmpi ne, %convert_element_type3A_127, %cond3A_128 : i32
    scf.if %cond3A_129 {
      %dma_wait3A = arith.constant 0 : i32
      %dma_wait3A_154 = tpu.memref_slice %arg8[%mul3A_18, %dma_wait3A] : memref<32768x512xf32, #tpu.memory_space<hbm>> -> memref<32x512xf32, #tpu.memory_space<hbm>>
      %dma_wait3A_155 = arith.constant 0 : i32
      %dma_wait3A_156 = tpu.memref_slice %arg8[%mul3A_18, %dma_wait3A_155] : memref<32768x512xf32, #tpu.memory_space<hbm>> -> memref<32x512xf32, #tpu.memory_space<hbm>>
      tpu.wait_dma2 semaphore(%arg36 : memref<!tpu.dma_semaphore, #tpu.memory_space<semaphore_mem>>) src(%arg21 : memref<32x512xf32, #tpu.memory_space<vmem>>) dst(%dma_wait3A_156 : memref<32x512xf32, #tpu.memory_space<hbm>>)
    } else {
    }
    %ne3A = arith.constant 0 : i32
    %ne3A_130 = arith.cmpi ne, %rem3A_22, %ne3A : i32
    %rem3A_131 = arith.constant 2 : i32
    %rem3A_132 = arith.remsi %div3A_20, %rem3A_131 : i32
    %eq3A = arith.cmpi eq, %rem3A_132, %div3A_7 : i32
    %and3A = arith.andi %ne3A_130, %eq3A : i1
    %convert_element_type3A_133 = arith.extui %and3A : i1 to i32
    %cond3A_134 = arith.constant 0 : i32
    %cond3A_135 = arith.cmpi ne, %convert_element_type3A_133, %cond3A_134 : i32
    scf.if %cond3A_135 {
      %mul3A_154 = arith.constant 32 : i32
      %mul3A_155 = arith.muli %div3A_20, %mul3A_154 : i32
      %multiple_of3A = tpu.assume_multiple %mul3A_155, 32 : i32
      %dma_start3A = tpu.memref_slice %arg16[%multiple_of3A] : memref<2048xi32, #tpu.memory_space<vmem>> -> memref<32xi32, #tpu.memory_space<vmem>>
      %dma_start3A_156 = arith.constant 0 : i32
      %dma_start3A_157 = arith.constant 0 : i32
      %dma_start3A_158 = tpu.memref_slice %arg4[%dma_start3A_156, %dma_start3A_157] : memref<32768x512xf32, #tpu.memory_space<hbm>> -> memref<32768x512xf32, #tpu.memory_space<hbm>>
      tpu.enqueue_indirect_dma source(%dma_start3A_158 : memref<32768x512xf32, #tpu.memory_space<hbm>>) target(%arg17 : memref<32x512xf32, #tpu.memory_space<vmem>>) offsets(%dma_start3A : memref<32xi32, #tpu.memory_space<vmem>>) semaphore(%arg25 : memref<!tpu.dma_semaphore, #tpu.memory_space<semaphore_mem>>)
      %dma_wait3A = tpu.memref_slice %arg16[%multiple_of3A] : memref<2048xi32, #tpu.memory_space<vmem>> -> memref<32xi32, #tpu.memory_space<vmem>>
      %dma_wait3A_159 = arith.constant 0 : i32
      %dma_wait3A_160 = arith.constant 0 : i32
      %dma_wait3A_161 = tpu.memref_slice %arg4[%dma_wait3A_159, %dma_wait3A_160] : memref<32768x512xf32, #tpu.memory_space<hbm>> -> memref<32768x512xf32, #tpu.memory_space<hbm>>
      tpu.wait_indirect_dma semaphore(%arg25 : memref<!tpu.dma_semaphore, #tpu.memory_space<semaphore_mem>>) src(%dma_wait3A_161 : memref<32768x512xf32, #tpu.memory_space<hbm>>) dst(%arg17 : memref<32x512xf32, #tpu.memory_space<vmem>>)
      %sub3A_162 = arith.constant 32 : i32
      %sub3A_163 = arith.subi %sub3A_162, %rem3A_22 : i32
      %sub3A_164 = arith.constant 1 : i32
      %sub3A_165 = arith.constant 1 : i32
      %sub3A_166 = arith.subi %sub3A_164, %sub3A_165 : i32
      %add3A_167 = arith.addi %sub3A_163, %sub3A_166 : i32
      %div3A_168 = arith.constant 1 : i32
      %div3A_169 = arith.divsi %add3A_167, %div3A_168 : i32
      %while3A_170 = arith.constant 1 : i32
      %while3A_171 = arith.constant 0 : i32
      %while3A_172 = arith.subi %div3A_169, %while3A_171 : i32
      %while3A_173 = arith.addi %while3A_171, %while3A_172 : i32
      %while3A_174 = arith.constant 1 : i32
      %while3A_175 = arith.divsi %while3A_172, %while3A_174 : i32
      %while3A_176 = arith.muli %while3A_175, %while3A_174 : i32
      %while3A_177 = arith.addi %while3A_171, %while3A_176 : i32
      %while3A_178 = arith.constant 1 : i32
      scf.for %while3A_181 = %while3A_171 to %while3A_177 step %while3A_178  : i32 {
        %mul3A_182 = arith.muli %while3A_181, %while3A_170 : i32
        %add3A_183 = arith.addi %rem3A_22, %mul3A_182 : i32
        %scan3A_184 = arith.constant 0 : i32
        %scan3A_185 = arith.constant 32 : i32
        %scan3A_186 = arith.addi %scan3A_184, %scan3A_185 : i32
        %scan3A_187 = arith.constant 1 : i32
        scf.for %scan3A_189 = %scan3A_184 to %scan3A_186 step %scan3A_187  : i32 {
          %mul3A_190 = arith.constant 1 : i32
          %mul3A_191 = arith.muli %scan3A_189, %mul3A_190 : i32
          %add3A_192 = arith.constant 0 : i32
          %add3A_193 = arith.addi %add3A_192, %mul3A_191 : i32
          %broadcast_in_dim3A = arith.constant 0.000000e+00 : f32
          %broadcast_in_dim3A_194 = vector.broadcast %broadcast_in_dim3A : f32 to vector<16xf32>
          %mul3A_195 = arith.constant 16 : i32
          %mul3A_196 = arith.muli %add3A_193, %mul3A_195 : i32
          %swap3A = arith.index_cast %add3A_183 : i32 to index
          %swap3A_197 = arith.index_cast %mul3A_196 : i32 to index
          %swap3A_198 = tpu.vector_load %arg17[%swap3A, %swap3A_197] {strides = array<i32>} : memref<32x512xf32, #tpu.memory_space<vmem>>, vector<16xf32>,
          tpu.vector_store %arg17[%swap3A, %swap3A_197], %broadcast_in_dim3A_194 {strides = array<i32>} : memref<32x512xf32, #tpu.memory_space<vmem>>, vector<16xf32>,
        }
        %scan3A_188 = arith.constant 32 : i32
      }
      %while3A_179 = arith.constant 1 : i32
      scf.for %while3A_181 = %while3A_177 to %while3A_173 step %while3A_179  : i32 {
        %mul3A_182 = arith.muli %while3A_181, %while3A_170 : i32
        %add3A_183 = arith.addi %rem3A_22, %mul3A_182 : i32
        %scan3A_184 = arith.constant 0 : i32
        %scan3A_185 = arith.constant 32 : i32
        %scan3A_186 = arith.addi %scan3A_184, %scan3A_185 : i32
        %scan3A_187 = arith.constant 1 : i32
        scf.for %scan3A_189 = %scan3A_184 to %scan3A_186 step %scan3A_187  : i32 {
          %mul3A_190 = arith.constant 1 : i32
          %mul3A_191 = arith.muli %scan3A_189, %mul3A_190 : i32
          %add3A_192 = arith.constant 0 : i32
          %add3A_193 = arith.addi %add3A_192, %mul3A_191 : i32
          %broadcast_in_dim3A = arith.constant 0.000000e+00 : f32
          %broadcast_in_dim3A_194 = vector.broadcast %broadcast_in_dim3A : f32 to vector<16xf32>
          %mul3A_195 = arith.constant 16 : i32
          %mul3A_196 = arith.muli %add3A_193, %mul3A_195 : i32
          %swap3A = arith.index_cast %add3A_183 : i32 to index
          %swap3A_197 = arith.index_cast %mul3A_196 : i32 to index
          %swap3A_198 = tpu.vector_load %arg17[%swap3A, %swap3A_197] {strides = array<i32>} : memref<32x512xf32, #tpu.memory_space<vmem>>, vector<16xf32>,
          tpu.vector_store %arg17[%swap3A, %swap3A_197], %broadcast_in_dim3A_194 {strides = array<i32>} : memref<32x512xf32, #tpu.memory_space<vmem>>, vector<16xf32>,
        }
        %scan3A_188 = arith.constant 32 : i32
      }
      %add3A_180 = arith.addi %mul3A_18, %multiple_of3A : i32
      "tpu.region"() ({
        %run_scoped3A = tpu.sem_alloc : memref<!tpu.dma_semaphore, #tpu.memory_space<semaphore_mem>>
        %dma_start3A_181 = arith.constant 0 : i32
        %dma_start3A_182 = tpu.memref_slice %arg8[%add3A_180, %dma_start3A_181] : memref<32768x512xf32, #tpu.memory_space<hbm>> -> memref<32x512xf32, #tpu.memory_space<hbm>>
        %dma_start3A_183 = arith.constant 0 : i32
        %dma_start3A_184 = tpu.memref_slice %arg8[%add3A_180, %dma_start3A_183] : memref<32768x512xf32, #tpu.memory_space<hbm>> -> memref<32x512xf32, #tpu.memory_space<hbm>>
        tpu.enqueue_dma source(%arg17 : memref<32x512xf32, #tpu.memory_space<vmem>>) target(%dma_start3A_184 : memref<32x512xf32, #tpu.memory_space<hbm>>) target_semaphore(%run_scoped3A : memref<!tpu.dma_semaphore, #tpu.memory_space<semaphore_mem>>)
        %dma_wait3A_185 = arith.constant 0 : i32
        %dma_wait3A_186 = tpu.memref_slice %arg8[%add3A_180, %dma_wait3A_185] : memref<32768x512xf32, #tpu.memory_space<hbm>> -> memref<32x512xf32, #tpu.memory_space<hbm>>
        %dma_wait3A_187 = arith.constant 0 : i32
        %dma_wait3A_188 = tpu.memref_slice %arg8[%add3A_180, %dma_wait3A_187] : memref<32768x512xf32, #tpu.memory_space<hbm>> -> memref<32x512xf32, #tpu.memory_space<hbm>>
        tpu.wait_dma2 semaphore(%run_scoped3A : memref<!tpu.dma_semaphore, #tpu.memory_space<semaphore_mem>>) src(%arg17 : memref<32x512xf32, #tpu.memory_space<vmem>>) dst(%dma_wait3A_188 : memref<32x512xf32, #tpu.memory_space<hbm>>)
        tpu.yield
      }) : () -> ()
    } else {
    }
    %sub3A_136 = arith.constant 32 : i32
    %sub3A_137 = arith.subi %sub3A_136, %div3A_35 : i32
    %sub3A_138 = arith.constant 1 : i32
    %sub3A_139 = arith.constant 1 : i32
    %sub3A_140 = arith.subi %sub3A_138, %sub3A_139 : i32
    %add3A_141 = arith.addi %sub3A_137, %sub3A_140 : i32
    %div3A_142 = arith.constant 1 : i32
    %div3A_143 = arith.divsi %add3A_141, %div3A_142 : i32
    %while3A_144 = arith.constant 1 : i32
    %while3A_145 = arith.constant 0 : i32
    %while3A_146 = arith.subi %div3A_143, %while3A_145 : i32
    %while3A_147 = arith.addi %while3A_145, %while3A_146 : i32
    %while3A_148 = arith.constant 1 : i32
    %while3A_149 = arith.divsi %while3A_146, %while3A_148 : i32
    %while3A_150 = arith.muli %while3A_149, %while3A_148 : i32
    %while3A_151 = arith.addi %while3A_145, %while3A_150 : i32
    %while3A_152 = arith.constant 1 : i32
    scf.for %while3A_154 = %while3A_145 to %while3A_151 step %while3A_152  : i32 {
      %mul3A_155 = arith.muli %while3A_154, %while3A_144 : i32
      %add3A_156 = arith.addi %div3A_35, %mul3A_155 : i32
      %dma_wait3A = arith.constant 0 : i32
      %dma_wait3A_157 = tpu.memref_slice %arg8[%mul3A_18, %dma_wait3A] : memref<32768x512xf32, #tpu.memory_space<hbm>> -> memref<32x512xf32, #tpu.memory_space<hbm>>
      %dma_wait3A_158 = arith.constant 0 : i32
      %dma_wait3A_159 = tpu.memref_slice %arg8[%mul3A_18, %dma_wait3A_158] : memref<32768x512xf32, #tpu.memory_space<hbm>> -> memref<32x512xf32, #tpu.memory_space<hbm>>
      tpu.wait_dma2 semaphore(%arg26 : memref<!tpu.dma_semaphore, #tpu.memory_space<semaphore_mem>>) src(%arg22 : memref<32x512xf32, #tpu.memory_space<vmem>>) dst(%dma_wait3A_159 : memref<32x512xf32, #tpu.memory_space<hbm>>)
    }
    %while3A_153 = arith.constant 1 : i32
    scf.for %while3A_154 = %while3A_151 to %while3A_147 step %while3A_153  : i32 {
      %mul3A_155 = arith.muli %while3A_154, %while3A_144 : i32
      %add3A_156 = arith.addi %div3A_35, %mul3A_155 : i32
      %dma_wait3A = arith.constant 0 : i32
      %dma_wait3A_157 = tpu.memref_slice %arg8[%mul3A_18, %dma_wait3A] : memref<32768x512xf32, #tpu.memory_space<hbm>> -> memref<32x512xf32, #tpu.memory_space<hbm>>
      %dma_wait3A_158 = arith.constant 0 : i32
      %dma_wait3A_159 = tpu.memref_slice %arg8[%mul3A_18, %dma_wait3A_158] : memref<32768x512xf32, #tpu.memory_space<hbm>> -> memref<32x512xf32, #tpu.memory_space<hbm>>
      tpu.wait_dma2 semaphore(%arg26 : memref<!tpu.dma_semaphore, #tpu.memory_space<semaphore_mem>>) src(%arg22 : memref<32x512xf32, #tpu.memory_space<vmem>>) dst(%dma_wait3A_159 : memref<32x512xf32, #tpu.memory_space<hbm>>)
    }
    return
  }
}

</mosaic_0001>

<sc_bundles>
// kernel: kernel.3.cloned.1.call-start
scs
__scs_entry_jumppad:
0x0: {  	(pc) =	sbr.rel $0x88, $3  }
0x1: {  	(tag) =	ssettag $0x0;
	lr =	simm.s32 $0x1  }
0x2: {  	[smem:$0x3F9D] =	sst lr;
	_ =	strace $0xD0000000  }
0x3: {  	_ = 	snop  }
0x4: {  	_ = 	snop  }
0x5: {  	_ = 	snop  }
0x6: {  	_ = 	snop  }
0x7: {  	_ = 	snop  }
__scs_overlays_trampoline_lowered:
0x8: {  	[smem:$0x3FAC] =	sst s0  }
0x9: {  	[smem:$0x3FAD] =	sst s1  }
0xa: {  	[smem:$0x3FAE] =	sst s2  }
0xb: {  	[smem:$0x3FAF] =	sst s3  }
0xc: {  	[smem:$0x3FB0] =	sst s4  }
0xd: {  	[smem:$0x3FB1] =	sst s5  }
0xe: {  	[smem:$0x3FB2] =	sst s6  }
0xf: {  	[smem:$0x3FB3] =	sst s7  }
0x10: {  	[smem:$0x3FB4] =	sst s8  }
0x11: {  	[smem:$0x3FB5] =	sst s9;
	s0 =	simm.s32 @!p0 $0x0  }
0x12: {  	s1 =	sld [smem:$0x3F9B];
	s0 =	simm.s32 @p0 $0x1  }
0x13: {  	[smem:$0x3FB6] =	sst s0;
	s0 =	simm.s32 @!p1 $0x0  }
0x14: {  	s2 =	sld [smem:$0x3F9A];
	s0 =	simm.s32 @p1 $0x1  }
0x15: {  	[smem:$0x3FB7] =	sst s0;
	s0 =	simm.s32 @!p2 $0x0  }
0x16: {  	s3 =	sld [smem:$0x3FDB];
	s0 =	simm.s32 @p2 $0x1  }
0x17: {  	s4 =	simm.s32 $0x1BF5;
	[smem:$0x3FB9] =	sst s0  }
0x18: {  	s0 =	sld [smem:$0x3F9C];
	_ =	swait.ge [sflag:s4], $0x0  }
0x19: {  	s7 =	sld [smem:$0x3F9D]  }
0x1a: {  	s8 =	sadd.s32 $0xFFFFE003, lr  }
0x1b: {  	s9 =	sadd.s32 $0xFFFFFEF7, lr;
	s5 =	simm.s32 $0xFFFFFFFF;
	p2 =	slt.u32 s8, $0xFFFFF086  }
0x1c: {  	p1 =	slt.u32 s9, $0xF7A;
	s5 =	simm.s32 @!p2 $0x0  }
0x1d: {  	s5 =	simm.s32 @p1 $0x1;
	p0 =	seq.s32 s7, s2  }
0x1e: {  	s7 =	smul.u32 @!p0 $0xF7A, s2;
	p2 =	seq.s32 @!p0 s5, $0x0  }
0x1f: {  	s9 =	smul.u32 $0xF7A, s1;
	s8 =	simm.s32 @!p0 $0x1BF5;
	p2 =	por !p2, p0  }
0x20: {  	[sflag:s8] =	ssyncset.s32 @!p0 $0xFFFFF086;
	s6 =	sadd.s32 @!p0 s3, s7;
	s7 =	simm.s32 @!p0 $0x108  }
0x21: {  	s3 =	sadd.s32 s3, s9;
	s6 =	sadd.s32 @!p0 $0x88, s6;
	s7 =	simm.s32 @p2 $0x1082  }
0x22: {  	[simem:s7], [sflag:s8] =	dma.local @!p0 [hbm:s6], $0xF7A  }
0x23: {  	s9 =	sor.u32 $0xD0000000, s2;
	s6 =	simm.s32 $0x108;
	_ =	swait.ge @!p0 [sflag:s8], $0x0  }
0x24: {  	s3 =	sadd.s32 $0x88, s3;
	s6 =	simm.s32 @!p1 $0x1082;
	[sflag:s4] =	ssyncset.s32 $0xFFFFF086  }
0x25: {  	[simem:s6], [sflag:s4] =	dma.local [hbm:s3], $0xF7A  }
0x26: {  	[smem:$0x3F9D] =	sst s1;
	(tag) =	ssettag s2;
	_ =	strace s9  }
0x27: {  	s1 =	sld [smem:$0x3FAD]  }
0x28: {  	s2 =	sld [smem:$0x3FAE]  }
0x29: {  	s4 =	sld [smem:$0x3FB0]  }
0x2a: {  	p0 =	seq.s32 s5, $0x0;
	s5 =	sld [smem:$0x3FB1]  }
0x2b: {  	s6 =	sld [smem:$0x3FB2]  }
0x2c: {  	s7 =	sld [smem:$0x3FB3]  }
0x2d: {  	s3 =	simm.s32 $0x108;
	s8 =	sld [smem:$0x3FB4]  }
0x2e: {  	s3 =	simm.s32 @!p0 $0x1082;
	s9 =	sld [smem:$0x3FB5]  }
0x2f: {  	lr =	sadd.s32 s0, s3;
	s0 =	sld [smem:$0x3FAC]  }
0x30: {  	s3 =	sld [smem:$0x3FAF]  }
0x31: {  	[smem:$0x3FB8] =	sst s10  }
0x32: {  	s10 =	sld [smem:$0x3FB6];
	_ =	sdelay $0x3  }
0x33: {  	p0 =	seq.s32 s10, $0x1;
	s10 =	sld [smem:$0x3FB8];
	_ =	sdelay $0x3  }
0x34: {  	[smem:$0x3FB8] =	sst s10  }
0x35: {  	s10 =	sld [smem:$0x3FB7];
	_ =	sdelay $0x3  }
0x36: {  	p1 =	seq.s32 s10, $0x1;
	s10 =	sld [smem:$0x3FB8];
	_ =	sdelay $0x3  }
0x37: {  	[smem:$0x3FB8] =	sst s10  }
0x38: {  	s10 =	sld [smem:$0x3FB9]  }
0x39: {  	_ = 	snop;
	(pc) =	sbr.ind lr, $3  }
0x3a: {  	_ = 	snop  }
0x3b: {  	_ = 	snop  }
0x3c: {  	p2 =	seq.s32 s10, $0x1;
	s10 =	sld [smem:$0x3FB8]  }
0x3d: {  	_ =	shalt  }
0x3e: {  	_ =	shalt  }
0x3f: {  	_ =	shalt  }
0x40: {  	_ =	shalt  }
0x41: {  	_ =	shalt  }
0x42: {  	_ =	shalt  }
0x43: {  	_ =	shalt  }
0x44: {  	_ =	shalt  }
0x45: {  	_ =	shalt  }
0x46: {  	_ =	shalt  }
0x47: {  	_ =	shalt  }
0x48: {  	_ =	shalt  }
0x49: {  	_ =	shalt  }
0x4a: {  	_ =	shalt  }
0x4b: {  	_ =	shalt  }
0x4c: {  	_ =	shalt  }
0x4d: {  	_ =	shalt  }
0x4e: {  	_ =	shalt  }
0x4f: {  	_ =	shalt  }
0x50: {  	_ =	shalt  }
0x51: {  	_ =	shalt  }
0x52: {  	_ =	shalt  }
0x53: {  	_ =	shalt  }
0x54: {  	_ =	shalt  }
0x55: {  	_ =	shalt  }
0x56: {  	_ =	shalt  }
0x57: {  	_ =	shalt  }
0x58: {  	_ =	shalt  }
0x59: {  	_ =	shalt  }
0x5a: {  	_ =	shalt  }
0x5b: {  	_ =	shalt  }
0x5c: {  	_ =	shalt  }
0x5d: {  	_ =	shalt  }
0x5e: {  	_ =	shalt  }
0x5f: {  	_ =	shalt  }
0x60: {  	_ =	shalt  }
0x61: {  	_ =	shalt  }
0x62: {  	_ =	shalt  }
0x63: {  	_ =	shalt  }
0x64: {  	_ =	shalt  }
0x65: {  	_ =	shalt  }
0x66: {  	_ =	shalt  }
0x67: {  	_ =	shalt  }
0x68: {  	_ =	shalt  }
0x69: {  	_ =	shalt  }
0x6a: {  	_ =	shalt  }
0x6b: {  	_ =	shalt  }
0x6c: {  	_ =	shalt  }
0x6d: {  	_ =	shalt  }
0x6e: {  	_ =	shalt  }
0x6f: {  	_ =	shalt  }
0x70: {  	_ =	shalt  }
0x71: {  	_ =	shalt  }
0x72: {  	_ =	shalt  }
0x73: {  	_ =	shalt  }
0x74: {  	_ =	shalt  }
0x75: {  	_ =	shalt  }
0x76: {  	_ =	shalt  }
0x77: {  	_ =	shalt  }
0x78: {  	_ =	shalt  }
0x79: {  	_ =	shalt  }
0x7a: {  	_ =	shalt  }
0x7b: {  	_ =	shalt  }
0x7c: {  	_ =	shalt  }
0x7d: {  	_ =	shalt  }
0x7e: {  	_ =	shalt  }
0x7f: {  	_ =	shalt  }
0x80: {  	_ =	shalt  }
0x81: {  	_ =	shalt  }
0x82: {  	_ =	shalt  }
0x83: {  	_ =	shalt  }
0x84: {  	_ =	shalt  }
0x85: {  	_ =	shalt  }
0x86: {  	_ =	shalt  }
0x87: {  	_ =	shalt  }
.Lfunc_end0:
.L_simem_size_0:
called_computation_lowered:
.L_overlay_start_0:
0x88: {  	s2 =	sld [smem:$0x3FD9]  }
0x89: {  	s3 =	sld [smem:$0x3FFE];
	_ =	sdelay $0x1  }
0x8a: {  	s1 =	srdreg.scid  }
0x8b: {  	s0 =	sand.u32 $0x1, s1  }
0x8c: {  	s14 =	sshll.u32 s0, $0xA;
	s2 =	sadd.s32 s3, s2  }
0x8d: {  	s2 =	sadd.s32 s2, s14  }
0x8e: {  	[smem:$0x3FC4] =	sst s2  }
0x8f: {  	_ = 	snop  }
0x90: {  	s2 =	sld [smem:$0x3FD0]  }
0x91: {  	s15 =	sld [smem:$0x3FC9]  }
0x92: {  	s4 =	sld [smem:$0x3FC8]  }
0x93: {  	s6 =	simm.s32 $0xA;
	s7 =	simm.s32 $0x10;
	s5 =	sld [smem:$0x3FC7]  }
0x94: {  	[smem:s7], [sflag:s6] =	dma.local [hbm:s2], $0x1  }
0x95: {  	_ =	swait.eq [sflag:s6], $0x1  }
0x96: {  	s16 =	sld [smem:$0x10];
	[sflag:s6] =	ssyncset.done $0x0  }
0x97: {  	s17 =	sld [smem:$0x11];
	[sflag:s6] =	ssyncadd.s32 $0xFFFFFFFF  }
0x98: {  	s18 =	sld [smem:$0x12];
	(tm) =	ssettm $0x1  }
0x99: {  	s8 =	sld [smem:$0x3FFB];
	_ =	sdelay $0x3  }
0x9a: {  	_ =	strace s8  }
0x9b: {  	s8 =	sld [smem:$0x3FFC];
	_ =	sdelay $0x3  }
0x9c: {  	_ =	strace s8  }
0x9d: {  	s8 =	sld [smem:$0x3FFD];
	_ =	sdelay $0x3  }
0x9e: {  	_ =	strace s8  }
0x9f: {  	_ =	strace $0x8FFFFFFF  }
0xa0: {  	s19 =	sld [smem:$0x3FDB];
	_ =	sdelay $0x1  }
0xa1: {  	s9 =	simm.s32 $_scs_section_size  }
0xa2: {  	s10 =	simm.s32 $_size__tile_overlayer_lowered;
	s11 =	simm.s32 $_tile_overlayer_lowered  }
0xa3: {  	s22 =	simm.s32 $0x1BFF;
	s21 =	sshll.u32 s11, $0x1;
	s8 =	sadd.s32 s9, s19  }
0xa4: {  	s12 =	simm.s32 $0x0;
	s20 =	sshll.u32 s10, $0x1;
	s10 =	sadd.s32 s21, s8  }
0xa5: {  	[timem:s12], [sflag:s22] =	dma.local [hbm:s10], s20  }
0xa6: {  	_ =	swait.ge [sflag:s22], s20  }
0xa7: {  	s9 =	ssub.s32 $0x0, s20;
	[sflag:s22] =	ssyncset.done $0x0  }
0xa8: {  	[sflag:s22] =	ssyncadd.s32 s9;
	_ =	sdelay $0x1  }
0xa9: {  	s23 =	simm.s32 $0x1B8B  }
0xaa: {  	_ =	swait.ge [sflag:s23], $0x1  }
0xab: {  	[sflag:s23] =	ssyncset.done $0x0  }
0xac: {  	s25 =	simm.s32 $0x1B8E;
	s24 =	sld [smem:$0x3FFE];
	[sflag:s23] =	ssyncadd.s32 $0xFFFFFFFF  }
0xad: {  	s26 =	simm.s32 $execute0_lowered;
	[smem:$0x3FD2] =	sst s25  }
0xae: {  	s10 =	sshll.u32 s26, $0x1;
	_ =	strace $0x80000046;
	[dreg:$0x1] =	wrdreg $0xFFFFFFFF  }
0xaf: {  	s28 =	simm.s32 $_size_execute0_lowered;
	s8 =	sadd.s32 s8, s10;
	[dreg:$0x0] =	wrdreg $0x0  }
0xb0: {  	s10 =	sshll.u32 s28, $0x1;
	[dreg:$0x2] =	wrdreg s8  }
0xb1: {  	[dreg:$0x3] =	wrdreg s10  }
0xb2: {  	[dreg:$0x4] =	wrdreg $0xC0  }
0xb3: {  	_ =	task [dreg:s12], $0x5FFFF  }
0xb4: {  	[dreg:$0x1] =	wrdreg $0xFFFFFFFF  }
0xb5: {  	[dreg:$0x0] =	wrdreg $0x60  }
0xb6: {  	[dreg:$0x2] =	wrdreg s15  }
0xb7: {  	[dreg:$0x3] =	wrdreg s4  }
0xb8: {  	[dreg:$0x4] =	wrdreg s5  }
0xb9: {  	[dreg:$0x5] =	wrdreg s24  }
0xba: {  	[dreg:$0x6] =	wrdreg s16  }
0xbb: {  	[dreg:$0x7] =	wrdreg s17  }
0xbc: {  	[dreg:$0x8] =	wrdreg s18  }
0xbd: {  	[dreg:$0x9] =	wrdreg $0x1B8800  }
0xbe: {  	[dreg:$0xa] =	wrdreg $0x1BC800  }
0xbf: {  	[dreg:$0xb] =	wrdreg $0x9  }
0xc0: {  	_ =	task.clear_ibuf [dreg:s12], $0xCFFFF;
	_ =	strace $0x90000046  }
0xc1: {  	s29 =	simm.s32 $0x9;
	_ =	strace $0x80000048  }
0xc2: {  	_ =	swait.ge [sflag:s29], $0x1  }
0xc3: {  	[sflag:s29] =	ssyncadd.s32 $0xFFFFFFFF  }
0xc4: {  	_ =	strace $0x90000048  }
0xc5: {  	_ =	sfence  }
0xc6: {  	s30 =	sld [smem:$0x0];
	_ =	sdelay $0x2  }
0xc7: {  	s31 =	sshll.u32 s1, $0xD;
	s1 =	sshrl.u32 s1, $0x2  }
0xc8: {  	s3 =	sand.u32 $0x4000, s31;
	s1 =	sadd.s32 s1, s30  }
0xc9: {  	s0 =	sor.u32 s3, s0;
	s1 =	sshll.u32 s1, $0x11  }
0xca: {  	s0 =	sor.u32 s1, s0  }
0xcb: {  	s0 =	sadd.s32 $0x8F2B, s0  }
0xcc: {  	[sflag:s0] =	ssyncadd.remote.s32 $0x1  }
0xcd: {  	_ =	sfence.sel $0xFFFF  }
0xce: {  	[dreg:$0x0] =	wrdreg $0xFFFFFFFF;
	(pc) =	sbr.abs _section_cstart, $3  }
0xcf: {  	[dreg:$0x1] =	wrdreg $0xFFFFFFFF  }
0xd0: {  	_ =	task.clear_ibuf [dreg:s12], $0x2FFFF;
	_ =	strace $0x9FFFFFFF  }
0xd1: {  	(tm) =	ssettm $0x7FFFFFFF  }
tec
execute0_lowered:
.L_overlay_start_1:
0x0: {  	(tag) =	ssettag $0x1  }
0x1: {  	s1 =	rddreg [dreg:$0x0]  }
0x2: {  	s3 =	rddreg [dreg:$0x1]  }
0x3: {  	s0 =	rddreg [dreg:$0x2]  }
0x4: {  	s5 =	rddreg [dreg:$0x3]  }
0x5: {  	s6 =	rddreg [dreg:$0x4]  }
0x6: {  	s7 =	rddreg [dreg:$0x5]  }
0x7: {  	s2 =	rddreg [dreg:$0x6]  }
0x8: {  	s8 =	rddreg [dreg:$0x7]  }
0x9: {  	s11 =	rddreg [dreg:$0x8]  }
0xa: {  	s4 =	srdreg.scid;
	s21 =	stileid.u32;
	s29 =	simm.s32 $0x1  }
0xb: {  	s30 =	simm.s32 $0x2;
	s31 =	simm.s32 $0x1800;
	s28 =	simm.s32 $0x0  }
0xc: {  	s15 =	sand.u32 $0x1, s4;
	s4 =	simm.s32 $0x0;
	s12 =	sshll.u32 s21, $0x7  }
0xd: {  	s26 =	sshll.u32 s21, $0xB;
	s19 =	sand.u32 $0x7, s21;
	p0 =	sgt.u32 s21, $0x7  }
0xe: {  	s9 =	sshll.u32 s15, $0xE;
	[smem:$0x7FF] =	sst s4;
	s13 =	ssub.s32 $0x2, s15  }
0xf: {  	s20 =	sadd.s32 s12, s11;
	s22 =	sshll.u32 s19, $0x7;
	s10 =	sor.u32 s12, s9  }
0x10: {  	_ =	strace $0x80000047;
	s14 =	sshrl.u32 s13, $0x1;
	s17 =	sadd.s32 s26, s9  }
0x11: {  	[dreg:$0xd] =	wrdreg s20;
	s9 =	sshrl.u32 s21, $0x3;
	s11 =	sadd.s32 s22, s11  }
0x12: {  	s10 =	sshrl.u32 s10, $0x3;
	s16 =	ssub.s32 s13, s14;
	s13 =	sshll.u32 s15, $0x3  }
0x13: {  	s14 =	sadd.s32 s12, s8;
	s8 =	sadd.s32 s22, s8;
	s22 =	sshll.u32 s19, $0x14  }
0x14: {  	s5 =	sadd.s32 s10, s5;
	s1 =	sadd.s32 s1, s10;
	[dreg:$0xc] =	wrdreg s14  }
0x15: {  	s18 =	sor.u32 s21, s13;
	[dreg:$0xe] =	wrdreg s8;
	s14 =	sadd.s32 $0x100, s0  }
0x16: {  	s8 =	sshll.u32 s19, $0x11;
	s10 =	sshll.u32 s9, $0xB;
	[dreg:$0xa] =	wrdreg s1  }
0x17: {  	s5 =	sadd.s32 $0x800, s5;
	s20 =	sshll.u32 s18, $0xB;
	s1 =	sor.u32 s19, s13  }
0x18: {  	s13 =	sshll.u32 s9, $0x5;
	s18 =	smax.u32 s16, $0x1;
	s16 =	sshll.u32 s15, $0x17  }
0x19: {  	[dreg:$0xb] =	wrdreg s5;
	s23 =	sand.u32 $0x4000, s20;
	s1 =	sshll.u32 s1, $0x11  }
0x1a: {  	s24 =	sor.u32 s12, s23;
	s12 =	sxor.u32 $0x1, s9;
	s1 =	sadd.s32 s2, s1  }
0x1b: {  	s25 =	sshrl.u32 s24, $0x3;
	[dreg:$0x12] =	wrdreg s1;
	s24 =	sor.u32 $0x30, s17  }
0x1c: {  	s23 =	sshll.u32 s9, $0xE;
	s3 =	sadd.s32 s3, s25;
	[dreg:$0x14] =	wrdreg s24  }
0x1d: {  	s1 =	sor.u32 s22, s16;
	s26 =	sadd.s32 s6, s25;
	[dreg:$0xf] =	wrdreg s3  }
0x1e: {  	s6 =	sadd.s32 s7, s25;
	s7 =	sshll.u32 s15, $0x14;
	[dreg:$0x10] =	wrdreg s26  }
0x1f: {  	s1 =	sor.u32 s23, s1;
	[dreg:$0x11] =	wrdreg s6;
	s3 =	sadd.s32 s7, s2  }
0x20: {  	[dreg:$0x15] =	wrdreg s1;
	s1 =	simm.s32 @!p0 $0x0;
	s26 =	sor.u32 $0x32D0, s13  }
.Ltmp0:
0x21: {  	s6 =	simm.s32 $0x1000;
	s3 =	sadd.s32 s8, s3;
	(pc) =	sbr.rel .LBB2_1-.Ltmp0, $4  }
0x22: {  	v2 =	vimm.f32 $0.0e+00;
	s1 =	simm.s32 @p0 $0x1;
	[dreg:$0x17] =	wrdreg s26;
	s26 =	simm.s32 $0x400  }
0x23: {  	v3 =	vlaneseq.u32;
	v4 =	vimm.s32 $0x0;
	vm0 =	vmmov $0xffff;
	s5 =	sadd.s32 s10, s3;
	[smem:$0x7FD] =	sst s1;
	s1 =	simm.s32 $0xD  }
0x24: {  	v5 =	vand.u32 $0x7, v3;
	v6 =	vshrl.u32 v3, $0x3;
	v7 =	vor.u32 $0x8, v3;
	s10 =	simm.s32 $0x3000;
	[dreg:$0x13] =	wrdreg s5;
	s25 =	sadd.s32 $0x4000, s5  }
0x25: {  	v6 =	vmul.u32 $0x8, v6;
	v0 =	vmov s17;
	v1 =	vmov s20;
	s5 =	simm.s32 $0x17880;
	[dreg:$0x16] =	wrdreg s25;
	s25 =	simm.s32 $0x80  }
.LBB2_34:
0x26: {  	[sflag:s30] =	ssyncadd.s32 $0xFFFFC000  }
.LBB2_35:
0x27: {  	s28 =	sadd.s32 $0x1, s28  }
0x28: {  	p0 =	sne.s32 s28, s18  }
.Ltmp1:
0x29: {  	_ = 	snop;
	(pc) =	sbr.rel @!p0 .LBB2_36-.Ltmp1, $1  }
0x2a: {  	_ =	sdelay $0x3  }
.LBB2_1:
0x2b: {  	s8 =	simm.s32 $0x0  }
.LBB2_2:
0x2c: {  	s15 =	sshll.u32 s8, $0x9;
	s16 =	sshll.u32 s8, $0x7  }
0x2d: {  	s15 =	sand.u32 $0x3000, s15;
	s16 =	sand.u32 $0x380, s16  }
0x2e: {  	s16 =	sor.u32 s16, s15;
	s15 =	simm.s32 $0x0  }
0x2f: {  	s16 =	sadd.s32 $0x17880, s16;
	s17 =	sand.u32 $0xC00, s15  }
0x30: {  	s19 =	sand.u32 $0x70, s15;
	s20 =	sadd.s32 s17, s16  }
0x31: {  	s17 =	simm.s32 $0x10;
	s19 =	sadd.s32 s19, s20  }
.LBB2_3:
0x32: {  	p0 =	sne.s32 s17, $0x1F0  }
0x33: {  	[tilespmem:s19+$0x0] =	vst v2;
	s15 =	sadd.s32 $0x80, s15;
	s19 =	smov.u32 s17;
	s17 =	sadd.s32 $0x10, s17  }
.Ltmp2:
0x34: {  	(pc) =	sbr.rel @p0 .LBB2_3-.Ltmp2, $4  }
0x35: {  	_ = 	snop  }
0x36: {  	s20 =	sand.u32 $0xC00, s15  }
0x37: {  	s19 =	sand.u32 $0x70, s19;
	s20 =	sadd.s32 s20, s16  }
0x38: {  	s19 =	sadd.s32 s19, s20  }
0x39: {  	s8 =	sadd.s32 $0x1, s8  }
0x3a: {  	p0 =	sne.s32 s8, $0x20  }
.Ltmp3:
0x3b: {  	_ = 	snop;
	(pc) =	sbr.rel @p0 .LBB2_2-.Ltmp3, $2  }
0x3c: {  	_ =	sdelay $0x2  }
0x3d: {  	[tilespmem:s19+$0x0] =	vst v2  }
0x3e: {  	s3 =	sld [smem:$0x7FD];
	_ =	sdelay $0x2  }
0x3f: {  	p0 =	seq.s32 s3, $0x1  }
.Ltmp4:
0x40: {  	_ = 	snop;
	(pc) =	sbr.rel @p0 .LBB2_11-.Ltmp4, $1  }
0x41: {  	_ =	sdelay $0x3  }
0x42: {  	s3 =	rddreg [dreg:$0xa]  }
0x43: {  	[tilespmem:s4], [sflag:$0x1] =	stream.strided.gather [hbm4b:s3+s25], $0x800, s26, s25, $0x38;
	[tilespmem:$0x1BCC0] =	vst v63  }
0x44: {  	s24 =	rddreg [dreg:$0xb];
	s7 =	simm.s32 $0x800  }
0x45: {  	[tilespmem:s7], [sflag:$0x2] =	stream.strided.gather [hbm4b:s24+s25], $0x800, s26, s25, $0x38;
	[tilespmem:$0x1BCC0] =	vst v63  }
0x46: {  	_ =	swait.ge [sflag:s29], $0x800  }
0x47: {  	[sflag:s29] =	ssyncset.done $0x0  }
0x48: {  	[sflag:s29] =	ssyncadd.s32 $0xFFFFF800  }
0x49: {  	_ =	swait.ge [sflag:s30], $0x800  }
0x4a: {  	[sflag:s30] =	ssyncset.done $0x0  }
0x4b: {  	s17 =	simm.s32 $0x1820;
	[sflag:s30] =	ssyncadd.s32 $0xFFFFF800  }
0x4c: {  	[tilespmem:s17+$0xFFFFFFE0] =	vst v0  }
0x4d: {  	[tilespmem:s17+$0x10] =	vst v0  }
0x4e: {  	s8 =	simm.s32 $0xFFFFFFFC;
	s19 =	simm.s32 $0x0;
	s15 =	simm.s32 $0x820;
	[tilespmem:s17+$0x0] =	vst v0  }
.LBB2_7:
0x4f: {  	s19 =	sadd.s32 $0x4, s19  }
0x50: {  	[tilespmem:s17+$0xFFFFFFF0] =	vst v0;
	s17 =	sadd.s32 $0x40, s17;
	s16 =	simm.s32 $0x20;
	p0 =	slt.u32 s19, $0x7C  }
.Ltmp5:
0x51: {  	[tilespmem:s17+$0xFFFFFFE0] =	vst v0;
	(pc) =	sbr.rel @p0 .LBB2_7-.Ltmp5, $3  }
0x52: {  	_ =	sdelay $0x1  }
0x53: {  	[tilespmem:s17+$0x10] =	vst v0  }
0x54: {  	[tilespmem:s17+$0x0] =	vst v0  }
0x55: {  	[tilespmem:s17+$0xFFFFFFF0] =	vst v0;
	v8 =	vimm.s32 $0x0;
	s17 =	rddreg [dreg:$0x14]  }
.LBB2_9:
0x56: {  	v9 =	vld [tilespmem:s16+$0xFFFFFFE0]  }
0x57: {  	v10 =	vld [tilespmem:s15+$0xFFFFFFE0];
	_ =	sdelay $0x4  }
0x58: {  	vm1 =	veq.s32 v10, $0x0;
	vm2 =	vne.s32 v9, $0x0;
	v9 =	vadd.s32 $0xFFFFFFFF, v9  }
0x59: {  	vm3 =	vlt.u32 v9, $0x2;
	vm1 =	vmand vm2, vm1  }
0x5a: {  	vm1 =	vmor vm3, vm1  }
0x5b: {  	v9 =	vsel vm1, $0x1, v4  }
0x5c: {  	(xrf0) =	vadd.scan.msk.s32 $0xffff, v9;
	_ =	sdelay $0x4  }
0x5d: {  	v9 =	vsel vm1, $0xFFFFFFFF, v4  }
0x5e: {  	v9 =	vadd.s32 v9, v8;
	v10, _, _ =	vpop (xrf0)  }
0x5f: {  	v9 =	vadd.s32 v10, v9;
	_ =	sdelay $0x2  }
0x60: {  	s19 =	sadd.s32 $0xFFFFFFD0, s17  }
0x61: {  	v10 =	vor.u32 s19, v3  }
0x62: {  	[tilespmem:v9+s31+$0x0] =	vst.idx.msk vm1, v10  }
0x63: {  	v9 =	vld [tilespmem:s16+$0xFFFFFFF0]  }
0x64: {  	v10 =	vld [tilespmem:s15+$0xFFFFFFF0];
	_ =	sdelay $0x4  }
0x65: {  	vm2 =	veq.s32 v10, $0x0;
	vm3 =	vne.s32 v9, $0x0;
	v9 =	vadd.s32 $0xFFFFFFFF, v9  }
0x66: {  	vm2 =	vmand vm3, vm2;
	vm3 =	vlt.u32 v9, $0x2  }
0x67: {  	vm2 =	vmor vm3, vm2  }
0x68: {  	v9 =	vsel vm2, $0x1, v4  }
0x69: {  	(xrf0) =	vadd.scan.msk.s32 $0xffff, v9;
	_ =	sdelay $0x2  }
0x6a: {  	v9 =	vmpcnt.ones.xlane vm1;
	_ =	sdelay $0x1  }
0x6b: {  	v8 =	vadd.s32 v8, v9;
	v9 =	vsel vm2, $0xFFFFFFFF, v4  }
0x6c: {  	v9 =	vadd.s32 v9, v8;
	v10, _, _ =	vpop (xrf0)  }
0x6d: {  	v9 =	vadd.s32 v10, v9;
	_ =	sdelay $0x2  }
0x6e: {  	s23 =	sadd.s32 $0xFFFFFFE0, s17  }
0x6f: {  	v10 =	vor.u32 s23, v3  }
0x70: {  	[tilespmem:v9+s31+$0x0] =	vst.idx.msk vm2, v10  }
0x71: {  	v9 =	vld [tilespmem:s16+$0x0]  }
0x72: {  	v10 =	vld [tilespmem:s15+$0x0];
	_ =	sdelay $0x4  }
0x73: {  	vm1 =	veq.s32 v10, $0x0;
	vm3 =	vne.s32 v9, $0x0;
	v9 =	vadd.s32 $0xFFFFFFFF, v9  }
0x74: {  	vm1 =	vmand vm3, vm1;
	vm3 =	vlt.u32 v9, $0x2  }
0x75: {  	vm1 =	vmor vm3, vm1  }
0x76: {  	v9 =	vsel vm1, $0x1, v4  }
0x77: {  	(xrf0) =	vadd.scan.msk.s32 $0xffff, v9;
	_ =	sdelay $0x2  }
0x78: {  	v9 =	vmpcnt.ones.xlane vm2;
	_ =	sdelay $0x1  }
0x79: {  	v8 =	vadd.s32 v8, v9;
	v9 =	vsel vm1, $0xFFFFFFFF, v4  }
0x7a: {  	v9 =	vadd.s32 v9, v8;
	v10, _, _ =	vpop (xrf0)  }
0x7b: {  	v9 =	vadd.s32 v10, v9;
	_ =	sdelay $0x2  }
0x7c: {  	s24 =	sadd.s32 $0xFFFFFFF0, s17  }
0x7d: {  	v10 =	vor.u32 s24, v3  }
0x7e: {  	[tilespmem:v9+s31+$0x0] =	vst.idx.msk vm1, v10  }
0x7f: {  	v9 =	vld [tilespmem:s16+$0x10]  }
0x80: {  	v10 =	vld [tilespmem:s15+$0x10];
	_ =	sdelay $0x4  }
0x81: {  	vm2 =	veq.s32 v10, $0x0;
	vm3 =	vne.s32 v9, $0x0;
	v9 =	vadd.s32 $0xFFFFFFFF, v9  }
0x82: {  	vm2 =	vmand vm3, vm2;
	vm3 =	vlt.u32 v9, $0x2  }
0x83: {  	vm2 =	vmor vm3, vm2  }
0x84: {  	v9 =	vsel vm2, $0x1, v4  }
0x85: {  	(xrf0) =	vadd.scan.msk.s32 $0xffff, v9;
	_ =	sdelay $0x2  }
0x86: {  	v9 =	vmpcnt.ones.xlane vm1;
	_ =	sdelay $0x1  }
0x87: {  	v8 =	vadd.s32 v8, v9;
	v9 =	vsel vm2, $0xFFFFFFFF, v4  }
0x88: {  	s8 =	sadd.s32 $0x4, s8;
	v9 =	vadd.s32 v9, v8;
	v10, _, _ =	vpop (xrf0)  }
0x89: {  	p0 =	slt.u32 s8, $0x7C;
	v9 =	vadd.s32 v10, v9  }
.Ltmp6:
0x8a: {  	_ = 	snop;
	(pc) =	sbr.rel @p0 .LBB2_9-.Ltmp6, $4  }
0x8b: {  	_ = 	snop  }
0x8c: {  	v10 =	vmpcnt.ones.xlane vm2  }
0x8d: {  	v11 =	vor.u32 s17, v3  }
0x8e: {  	s17 =	sadd.s32 $0x40, s17;
	s16 =	sadd.s32 $0x40, s16;
	s15 =	sadd.s32 $0x40, s15;
	v8 =	vadd.s32 v8, v10;
	[tilespmem:v9+s31+$0x0] =	vst.idx.msk vm2, v11  }
0x8f: {  	[tilespmem:$0x3000] =	vst v8;
	s3 =	rddreg [dreg:$0xc]  }
0x90: {  	[spmem:s3] =	stream.strided.scatter [tilespmem:s31], [sflag:$0xD], $0x800, s26, s25, $0x38;
	[tilespmem:$0x1BCC0] =	vst v63  }
0x91: {  	_ =	swait.ge [sflag:s1], $0x800  }
0x92: {  	[sflag:s1] =	ssyncset.done $0x0  }
0x93: {  	s24 =	rddreg [dreg:$0xd];
	[sflag:s1] =	ssyncadd.s32 $0xFFFFF800  }
0x94: {  	[spmem:s24] =	stream.linear.scatter [tilespmem:s10], [sflag:$0xD], $0x10, $0x38;
	[tilespmem:$0x1BCC0] =	vst v63  }
0x95: {  	_ =	swait.ge [sflag:s1], $0x10  }
0x96: {  	[sflag:s1] =	ssyncset.done $0x0  }
0x97: {  	[sflag:s1] =	ssyncadd.s32 $0xFFFFFFF0  }
.LBB2_11:
0x98: {  	[bflag:$0x0] =	sbarrier.arrive $0xFFFF  }
0x99: {  	s7 =	simm.s32 $0x3080;
	s3 =	rddreg [dreg:$0xe]  }
0x9a: {  	[tilespmem:s7], [sflag:$0xD] =	stream.strided.gather [spmem:s3], $0x800, s26, s25, $0x38;
	[tilespmem:$0x1BCC0] =	vst v63  }
0x9b: {  	_ =	swait.ge [sflag:s1], $0x800  }
0x9c: {  	[sflag:s1] =	ssyncset.done $0x0  }
0x9d: {  	[sflag:s1] =	ssyncadd.s32 $0xFFFFF800  }
0x9e: {  	[tilespmem:s10], [sflag:$0xD] =	stream.linear.gather [spmem:s11], $0x10, $0x38;
	[tilespmem:$0x1BCC0] =	vst v63  }
0x9f: {  	_ =	swait.ge [sflag:s1], $0x10  }
0xa0: {  	[sflag:s1] =	ssyncset.done $0x0  }
0xa1: {  	[sflag:s1] =	ssyncadd.s32 $0xFFFFFFF0  }
0xa2: {  	v8 =	vld [tilespmem:$0x3000];
	_ =	sdelay $0x4  }
0xa3: {  	v8 =	vxor.u32 $0x80000000, v8  }
0xa4: {  	(xrf0) =	vmax.scan.msk.u32 $0xffff, v8;
	_ =	sdelay $0x5  }
0xa5: {  	v8, _, _ =	vpop (xrf0)  }
0xa6: {  	(v2sf) =	vpush v8, $0xF;
	_ =	sdelay $0xe  }
0xa7: {  	s8 =	spop (v2sf)  }
0xa8: {  	s15 =	sadd.s32 $0x8000001F, s8  }
0xa9: {  	s16 =	sshra.s32 s15, $0x1F  }
0xaa: {  	s16 =	sshrl.u32 s16, $0x1B  }
0xab: {  	s15 =	sadd.s32 s16, s15  }
0xac: {  	s15 =	sshra.s32 s15, $0x5  }
0xad: {  	s17 =	sadd.s32 s15, s12  }
0xae: {  	s15 =	sshrl.u32 s17, $0x1F;
	p1 =	sgt.s32 s17, $0x3F  }
.Ltmp7:
0xaf: {  	s15 =	sadd.s32 s15, s17;
	(pc) =	sbr.rel @p1 .LBB2_14-.Ltmp7, $4  }
0xb0: {  	s16 =	sshra.s32 s15, $0x1  }
0xb1: {  	s3 =	simm.s32 @!p1 $0x0;
	s15 =	ssub.s32 $0x20, s16  }
0xb2: {  	s3 =	simm.s32 @p1 $0x1;
	p0 =	sgt.s32 s15, $0x1  }
0xb3: {  	[smem:$0x7FC] =	sst s3;
	s15 =	simm.s32 @!p0 $0x1  }
0xb4: {  	p0 =	sne.s32 s15, $0x1  }
.Ltmp8:
0xb5: {  	_ = 	snop;
	(pc) =	sbr.rel @!p0 .LBB2_14-.Ltmp8, $4  }
0xb6: {  	_ = 	snop  }
0xb7: {  	s16 =	sshll.u32 s16, $0xC;
	s3 =	rddreg [dreg:$0x13]  }
0xb8: {  	s17 =	sadd.s32 $0xFFFFFFFF, s15;
	s16 =	sadd.s32 s16, s3  }
0xb9: {  	[hbm4b:s16+s4] =	stream.linear.scatter [tilespmem:s5], [sflag:$0x2], $0x4000, $0x38;
	[tilespmem:$0x1BCC0] =	vst v63  }
.LBB2_13:
0xba: {  	p0 =	sne.s32 s17, $0x1  }
.Ltmp9:
0xbb: {  	_ = 	snop;
	(pc) =	sbr.rel @p0 .LBB2_13-.Ltmp9, $3  }
0xbc: {  	_ = 	snop  }
0xbd: {  	s17 =	sadd.s32 $0xFFFFFFFF, s17;
	s16 =	sadd.s32 $0x1000, s16;
	_ =	sdelay $0x1  }
0xbe: {  	[hbm4b:s16+s4] =	stream.linear.scatter [tilespmem:s5], [sflag:$0x2], $0x4000, $0x38;
	[tilespmem:$0x1BCC0] =	vst v63  }
.LBB2_14:
0xbf: {  	s17 =	sxor.u32 $0x80000000, s8  }
0xc0: {  	s8 =	sshra.s32 s17, $0x1F  }
0xc1: {  	s8 =	sshrl.u32 s8, $0x1B  }
0xc2: {  	s21 =	sadd.s32 s8, s17  }
0xc3: {  	s16 =	sshra.s32 s21, $0x5  }
0xc4: {  	s20 =	ssub.s32 s16, s9  }
0xc5: {  	p6 =	slt.s32 s20, $0x1  }
0xc6: {  	v8 =	vld @!p6 [tilespmem:s13+$0x3080];
	_ =	sdelay $0x4  }
0xc7: {  	v9 =	vshll.u32 @!p6 v8, $0x2  }
0xc8: {  	v10 =	vlaneseq.u32 @!p6;
	v8 =	vand.u32 @!p6 $0x7, v8;
	v9 =	vand.u32 @!p6 $0xFFFFFFE0, v9  }
0xc9: {  	v11 =	vshrl.u32 @!p6 v10, $0x3;
	v8 =	vor.u32 @!p6 v8, v9;
	v9 =	vand.u32 @!p6 $0x7, v10  }
0xca: {  	v11 =	vmul.u32 @!p6 $0x8, v11;
	v12 =	vperm.xlane @!p6 v8, v9;
	_ =	sdelay $0x1  }
0xcb: {  	v12 =	vadd.s32 @!p6 v11, v12  }
0xcc: {  	v10 =	vor.u32 @!p6 $0x8, v10  }
0xcd: {  	v8 =	vperm.xlane @!p6 v8, v10;
	_ =	sdelay $0x1  }
0xce: {  	vm1 =	vmmov @!p6 $0xffff;
	s8 =	simm.s32 @!p6 $0x0;
	s19 =	simm.s32 @!p6 $0x3880;
	v8 =	vadd.s32 @!p6 v11, v8  }
0xcf: {  	[tilespmem:s19], [sflag:$0x3] =	stream.indirect_vreg.gather @!p6 [hbm4b:s0+s8], $0x80, v12, vm1, $0xb8;
	[tilespmem:$0x1BCC0] =	vst v63  }
0xd0: {  	s19 =	simm.s32 @!p6 $0x4080  }
0xd1: {  	[tilespmem:s19], [sflag:$0x3] =	stream.indirect_vreg.gather @!p6 [hbm4b:s14+s8], $0x80, v12, vm1, $0xb8;
	[tilespmem:$0x1BCC0] =	vst v63  }
0xd2: {  	s19 =	simm.s32 @!p6 $0x4880  }
0xd3: {  	[tilespmem:s19], [sflag:$0x3] =	stream.indirect_vreg.gather @!p6 [hbm4b:s0+s8], $0x80, v8, vm1, $0xb8;
	[tilespmem:$0x1BCC0] =	vst v63  }
0xd4: {  	s19 =	simm.s32 @!p6 $0x5080  }
0xd5: {  	[tilespmem:s19], [sflag:$0x3] =	stream.indirect_vreg.gather @!p6 [hbm4b:s14+s8], $0x80, v8, vm1, $0xb8;
	[tilespmem:$0x1BCC0] =	vst v63  }
0xd6: {  	v8 =	vld @!p6 [tilespmem:s13+$0x3090];
	_ =	sdelay $0x4  }
0xd7: {  	v12 =	vshll.u32 @!p6 v8, $0x2  }
0xd8: {  	v8 =	vand.u32 @!p6 $0x7, v8;
	v12 =	vand.u32 @!p6 $0xFFFFFFE0, v12  }
0xd9: {  	v8 =	vor.u32 @!p6 v8, v12  }
0xda: {  	v9 =	vperm.xlane @!p6 v8, v9;
	_ =	sdelay $0x1  }
0xdb: {  	v9 =	vadd.s32 @!p6 v11, v9;
	_ =	sdelay $0x1  }
0xdc: {  	v8 =	vperm.xlane @!p6 v8, v10;
	_ =	sdelay $0x1  }
0xdd: {  	s19 =	simm.s32 @!p6 $0x5880;
	v8 =	vadd.s32 @!p6 v11, v8  }
0xde: {  	[tilespmem:s19], [sflag:$0x3] =	stream.indirect_vreg.gather @!p6 [hbm4b:s0+s8], $0x80, v9, vm1, $0xb8;
	[tilespmem:$0x1BCC0] =	vst v63  }
0xdf: {  	s19 =	simm.s32 @!p6 $0x6080  }
0xe0: {  	[tilespmem:s19], [sflag:$0x3] =	stream.indirect_vreg.gather @!p6 [hbm4b:s14+s8], $0x80, v9, vm1, $0xb8;
	[tilespmem:$0x1BCC0] =	vst v63  }
0xe1: {  	p0 =	slt.u32 @!p6 s20, $0x3;
	s19 =	simm.s32 @!p6 $0x6880  }
0xe2: {  	[tilespmem:s19], [sflag:$0x3] =	stream.indirect_vreg.gather @!p6 [hbm4b:s0+s8], $0x80, v8, vm1, $0xb8;
	[tilespmem:$0x1BCC0] =	vst v63  }
0xe3: {  	p2 =	por p6, p0;
	s19 =	simm.s32 @!p6 $0x7080  }
0xe4: {  	[tilespmem:s19], [sflag:$0x3] =	stream.indirect_vreg.gather @!p6 [hbm4b:s14+s8], $0x80, v8, vm1, $0xb8;
	[tilespmem:$0x1BCC0] =	vst v63  }
0xe5: {  	v8 =	vld @!p2 [tilespmem:s13+$0x30C0];
	_ =	sdelay $0x4  }
0xe6: {  	v9 =	vshll.u32 @!p2 v8, $0x2  }
0xe7: {  	v10 =	vlaneseq.u32 @!p2;
	v8 =	vand.u32 @!p2 $0x7, v8;
	v9 =	vand.u32 @!p2 $0xFFFFFFE0, v9  }
0xe8: {  	v11 =	vshrl.u32 @!p2 v10, $0x3;
	v8 =	vor.u32 @!p2 v8, v9;
	v9 =	vand.u32 @!p2 $0x7, v10  }
0xe9: {  	v11 =	vmul.u32 @!p2 $0x8, v11;
	v12 =	vperm.xlane @!p2 v8, v9;
	_ =	sdelay $0x1  }
0xea: {  	v12 =	vadd.s32 @!p2 v11, v12  }
0xeb: {  	v10 =	vor.u32 @!p2 $0x8, v10  }
0xec: {  	v8 =	vperm.xlane @!p2 v8, v10;
	_ =	sdelay $0x1  }
0xed: {  	vm1 =	vmmov @!p2 $0xffff;
	s8 =	simm.s32 @!p2 $0x0;
	s19 =	simm.s32 @!p2 $0x7880;
	v8 =	vadd.s32 @!p2 v11, v8  }
0xee: {  	[tilespmem:s19], [sflag:$0x4] =	stream.indirect_vreg.gather @!p2 [hbm4b:s0+s8], $0x80, v12, vm1, $0xb8;
	[tilespmem:$0x1BCC0] =	vst v63  }
0xef: {  	s19 =	simm.s32 @!p2 $0x8080  }
0xf0: {  	[tilespmem:s19], [sflag:$0x4] =	stream.indirect_vreg.gather @!p2 [hbm4b:s14+s8], $0x80, v12, vm1, $0xb8;
	[tilespmem:$0x1BCC0] =	vst v63  }
0xf1: {  	s19 =	simm.s32 @!p2 $0x8880  }
0xf2: {  	[tilespmem:s19], [sflag:$0x4] =	stream.indirect_vreg.gather @!p2 [hbm4b:s0+s8], $0x80, v8, vm1, $0xb8;
	[tilespmem:$0x1BCC0] =	vst v63  }
0xf3: {  	s19 =	simm.s32 @!p2 $0x9080  }
0xf4: {  	[tilespmem:s19], [sflag:$0x4] =	stream.indirect_vreg.gather @!p2 [hbm4b:s14+s8], $0x80, v8, vm1, $0xb8;
	[tilespmem:$0x1BCC0] =	vst v63  }
0xf5: {  	v8 =	vld @!p2 [tilespmem:s13+$0x30D0];
	_ =	sdelay $0x4  }
0xf6: {  	v12 =	vshll.u32 @!p2 v8, $0x2  }
0xf7: {  	v8 =	vand.u32 @!p2 $0x7, v8;
	v12 =	vand.u32 @!p2 $0xFFFFFFE0, v12  }
0xf8: {  	v8 =	vor.u32 @!p2 v8, v12  }
0xf9: {  	v9 =	vperm.xlane @!p2 v8, v9;
	_ =	sdelay $0x1  }
0xfa: {  	v9 =	vadd.s32 @!p2 v11, v9;
	_ =	sdelay $0x1  }
0xfb: {  	v8 =	vperm.xlane @!p2 v8, v10;
	_ =	sdelay $0x1  }
0xfc: {  	s19 =	simm.s32 @!p2 $0x9880;
	v8 =	vadd.s32 @!p2 v11, v8  }
0xfd: {  	[tilespmem:s19], [sflag:$0x4] =	stream.indirect_vreg.gather @!p2 [hbm4b:s0+s8], $0x80, v9, vm1, $0xb8;
	[tilespmem:$0x1BCC0] =	vst v63  }
0xfe: {  	s19 =	simm.s32 @!p2 $0xA080  }
0xff: {  	[tilespmem:s19], [sflag:$0x4] =	stream.indirect_vreg.gather @!p2 [hbm4b:s14+s8], $0x80, v9, vm1, $0xb8;
	[tilespmem:$0x1BCC0] =	vst v63  }
0x100: {  	p0 =	slt.u32 @!p2 s20, $0x5;
	s19 =	simm.s32 @!p2 $0xA880  }
0x101: {  	[tilespmem:s19], [sflag:$0x4] =	stream.indirect_vreg.gather @!p2 [hbm4b:s0+s8], $0x80, v8, vm1, $0xb8;
	[tilespmem:$0x1BCC0] =	vst v63  }
0x102: {  	p0 =	por p2, p0;
	s19 =	simm.s32 @!p2 $0xB080  }
0x103: {  	[tilespmem:s19], [sflag:$0x4] =	stream.indirect_vreg.gather @!p2 [hbm4b:s14+s8], $0x80, v8, vm1, $0xb8;
	[tilespmem:$0x1BCC0] =	vst v63  }
0x104: {  	v8 =	vld @!p0 [tilespmem:s13+$0x3100];
	_ =	sdelay $0x4  }
0x105: {  	v9 =	vshll.u32 @!p0 v8, $0x2  }
0x106: {  	v10 =	vlaneseq.u32 @!p0;
	v8 =	vand.u32 @!p0 $0x7, v8;
	v9 =	vand.u32 @!p0 $0xFFFFFFE0, v9  }
0x107: {  	v11 =	vshrl.u32 @!p0 v10, $0x3;
	v8 =	vor.u32 @!p0 v8, v9;
	v9 =	vand.u32 @!p0 $0x7, v10  }
0x108: {  	v11 =	vmul.u32 @!p0 $0x8, v11;
	v12 =	vperm.xlane @!p0 v8, v9;
	_ =	sdelay $0x1  }
0x109: {  	v12 =	vadd.s32 @!p0 v11, v12  }
0x10a: {  	v10 =	vor.u32 @!p0 $0x8, v10  }
0x10b: {  	v8 =	vperm.xlane @!p0 v8, v10;
	_ =	sdelay $0x1  }
0x10c: {  	vm1 =	vmmov @!p0 $0xffff;
	s8 =	simm.s32 @!p0 $0x0;
	s19 =	simm.s32 @!p0 $0xB880;
	v8 =	vadd.s32 @!p0 v11, v8  }
0x10d: {  	[tilespmem:s19], [sflag:$0x5] =	stream.indirect_vreg.gather @!p0 [hbm4b:s0+s8], $0x80, v12, vm1, $0xb8;
	[tilespmem:$0x1BCC0] =	vst v63  }
0x10e: {  	s19 =	simm.s32 @!p0 $0xC080  }
0x10f: {  	[tilespmem:s19], [sflag:$0x5] =	stream.indirect_vreg.gather @!p0 [hbm4b:s14+s8], $0x80, v12, vm1, $0xb8;
	[tilespmem:$0x1BCC0] =	vst v63  }
0x110: {  	s19 =	simm.s32 @!p0 $0xC880  }
0x111: {  	[tilespmem:s19], [sflag:$0x5] =	stream.indirect_vreg.gather @!p0 [hbm4b:s0+s8], $0x80, v8, vm1, $0xb8;
	[tilespmem:$0x1BCC0] =	vst v63  }
0x112: {  	s19 =	simm.s32 @!p0 $0xD080  }
0x113: {  	[tilespmem:s19], [sflag:$0x5] =	stream.indirect_vreg.gather @!p0 [hbm4b:s14+s8], $0x80, v8, vm1, $0xb8;
	[tilespmem:$0x1BCC0] =	vst v63  }
0x114: {  	v8 =	vld @!p0 [tilespmem:s13+$0x3110];
	_ =	sdelay $0x4  }
0x115: {  	v12 =	vshll.u32 @!p0 v8, $0x2  }
0x116: {  	v8 =	vand.u32 @!p0 $0x7, v8;
	v12 =	vand.u32 @!p0 $0xFFFFFFE0, v12  }
0x117: {  	v8 =	vor.u32 @!p0 v8, v12  }
0x118: {  	v9 =	vperm.xlane @!p0 v8, v9;
	_ =	sdelay $0x1  }
0x119: {  	v9 =	vadd.s32 @!p0 v11, v9;
	_ =	sdelay $0x2  }
0x11a: {  	v8 =	vperm.xlane @!p0 v8, v10  }
0x11b: {  	p3 =	slt.u32 @!p0 s20, $0x7;
	s19 =	simm.s32 @!p0 $0xD880  }
0x11c: {  	v8 =	vadd.s32 @!p0 v11, v8;
	[tilespmem:s19], [sflag:$0x5] =	stream.indirect_vreg.gather @!p0 [hbm4b:s0+s8], $0x80, v9, vm1, $0xb8;
	[tilespmem:$0x1BCC0] =	vst v63  }
0x11d: {  	p3 =	por p0, p3;
	s19 =	simm.s32 @!p0 $0xE080  }
0x11e: {  	[tilespmem:s19], [sflag:$0x5] =	stream.indirect_vreg.gather @!p0 [hbm4b:s14+s8], $0x80, v9, vm1, $0xb8;
	[tilespmem:$0x1BCC0] =	vst v63  }
.Ltmp10:
0x11f: {  	_ = 	snop;
	(pc) =	sbr.rel @p3 .LBB2_15-.Ltmp10, $4  }
0x120: {  	s19 =	simm.s32 @!p0 $0xE880  }
0x121: {  	[tilespmem:s19], [sflag:$0x5] =	stream.indirect_vreg.gather @!p0 [hbm4b:s0+s8], $0x80, v8, vm1, $0xb8;
	[tilespmem:$0x1BCC0] =	vst v63  }
0x122: {  	s19 =	simm.s32 @!p0 $0xF080  }
0x123: {  	[tilespmem:s19], [sflag:$0x5] =	stream.indirect_vreg.gather @!p0 [hbm4b:s14+s8], $0x80, v8, vm1, $0xb8;
	[tilespmem:$0x1BCC0] =	vst v63  }
0x124: {  	v8 =	vld [tilespmem:s13+$0x3140];
	_ =	sdelay $0x4  }
0x125: {  	v9 =	vshll.u32 v8, $0x2  }
0x126: {  	v8 =	vand.u32 $0x7, v8;
	v9 =	vand.u32 $0xFFFFFFE0, v9  }
0x127: {  	v8 =	vor.u32 v8, v9  }
0x128: {  	v9 =	vperm.xlane v8, v5;
	_ =	sdelay $0x1  }
0x129: {  	v9 =	vadd.s32 v6, v9;
	_ =	sdelay $0x1  }
0x12a: {  	v8 =	vperm.xlane v8, v7;
	_ =	sdelay $0x1  }
0x12b: {  	s3 =	simm.s32 $0xF880;
	v8 =	vadd.s32 v6, v8  }
0x12c: {  	[tilespmem:s3], [sflag:$0x6] =	stream.indirect_vreg.gather [hbm4b:s0+s4], $0x80, v9, vm0, $0xb8;
	[tilespmem:$0x1BCC0] =	vst v63  }
0x12d: {  	s24 =	simm.s32 $0x10080  }
0x12e: {  	[tilespmem:s24], [sflag:$0x6] =	stream.indirect_vreg.gather [hbm4b:s14+s4], $0x80, v9, vm0, $0xb8;
	[tilespmem:$0x1BCC0] =	vst v63  }
0x12f: {  	s7 =	simm.s32 $0x10880  }
0x130: {  	[tilespmem:s7], [sflag:$0x6] =	stream.indirect_vreg.gather [hbm4b:s0+s4], $0x80, v8, vm0, $0xb8;
	[tilespmem:$0x1BCC0] =	vst v63  }
0x131: {  	s8 =	simm.s32 $0x11080  }
0x132: {  	[tilespmem:s8], [sflag:$0x6] =	stream.indirect_vreg.gather [hbm4b:s14+s4], $0x80, v8, vm0, $0xb8;
	[tilespmem:$0x1BCC0] =	vst v63  }
0x133: {  	v8 =	vld [tilespmem:s13+$0x3150];
	_ =	sdelay $0x4  }
0x134: {  	v63 =	vshll.u32 v8, $0x2  }
0x135: {  	v8 =	vand.u32 $0x7, v8;
	v9 =	vand.u32 $0xFFFFFFE0, v63  }
0x136: {  	v8 =	vor.u32 v8, v9  }
0x137: {  	v9 =	vperm.xlane v8, v5;
	_ =	sdelay $0x1  }
0x138: {  	v9 =	vadd.s32 v6, v9;
	_ =	sdelay $0x1  }
0x139: {  	v8 =	vperm.xlane v8, v7;
	_ =	sdelay $0x1  }
0x13a: {  	s19 =	simm.s32 $0x11880;
	v8 =	vadd.s32 v6, v8  }
0x13b: {  	[tilespmem:s19], [sflag:$0x6] =	stream.indirect_vreg.gather [hbm4b:s0+s4], $0x80, v9, vm0, $0xb8;
	[tilespmem:$0x1BCC0] =	vst v63  }
0x13c: {  	s22 =	simm.s32 $0x12080  }
0x13d: {  	[tilespmem:s22], [sflag:$0x6] =	stream.indirect_vreg.gather [hbm4b:s14+s4], $0x80, v9, vm0, $0xb8;
	[tilespmem:$0x1BCC0] =	vst v63  }
0x13e: {  	s23 =	simm.s32 $0x12880  }
0x13f: {  	[tilespmem:s23], [sflag:$0x6] =	stream.indirect_vreg.gather [hbm4b:s0+s4], $0x80, v8, vm0, $0xb8;
	[tilespmem:$0x1BCC0] =	vst v63  }
0x140: {  	p0 =	slt.u32 s20, $0x9;
	s24 =	simm.s32 $0x13080  }
0x141: {  	[tilespmem:s24], [sflag:$0x6] =	stream.indirect_vreg.gather [hbm4b:s14+s4], $0x80, v8, vm0, $0xb8;
	[tilespmem:$0x1BCC0] =	vst v63  }
0x142: {  	v8 =	vld @!p0 [tilespmem:s13+$0x3180];
	_ =	sdelay $0x4  }
0x143: {  	v9 =	vshll.u32 @!p0 v8, $0x2  }
0x144: {  	v10 =	vlaneseq.u32 @!p0;
	v8 =	vand.u32 @!p0 $0x7, v8;
	v9 =	vand.u32 @!p0 $0xFFFFFFE0, v9  }
0x145: {  	v11 =	vshrl.u32 @!p0 v10, $0x3;
	v8 =	vor.u32 @!p0 v8, v9;
	v9 =	vand.u32 @!p0 $0x7, v10  }
0x146: {  	v11 =	vmul.u32 @!p0 $0x8, v11;
	v12 =	vperm.xlane @!p0 v8, v9;
	_ =	sdelay $0x1  }
0x147: {  	v12 =	vadd.s32 @!p0 v11, v12  }
0x148: {  	v10 =	vor.u32 @!p0 $0x8, v10  }
0x149: {  	v8 =	vperm.xlane @!p0 v8, v10;
	_ =	sdelay $0x1  }
0x14a: {  	vm1 =	vmmov @!p0 $0xffff;
	s8 =	simm.s32 @!p0 $0x0;
	s19 =	simm.s32 @!p0 $0x13880;
	v8 =	vadd.s32 @!p0 v11, v8  }
0x14b: {  	[tilespmem:s19], [sflag:$0x7] =	stream.indirect_vreg.gather @!p0 [hbm4b:s0+s8], $0x80, v12, vm1, $0xb8;
	[tilespmem:$0x1BCC0] =	vst v63  }
0x14c: {  	s19 =	simm.s32 @!p0 $0x14080  }
0x14d: {  	[tilespmem:s19], [sflag:$0x7] =	stream.indirect_vreg.gather @!p0 [hbm4b:s14+s8], $0x80, v12, vm1, $0xb8;
	[tilespmem:$0x1BCC0] =	vst v63  }
0x14e: {  	s19 =	simm.s32 @!p0 $0x14880  }
0x14f: {  	[tilespmem:s19], [sflag:$0x7] =	stream.indirect_vreg.gather @!p0 [hbm4b:s0+s8], $0x80, v8, vm1, $0xb8;
	[tilespmem:$0x1BCC0] =	vst v63  }
0x150: {  	s19 =	simm.s32 @!p0 $0x15080  }
0x151: {  	[tilespmem:s19], [sflag:$0x7] =	stream.indirect_vreg.gather @!p0 [hbm4b:s14+s8], $0x80, v8, vm1, $0xb8;
	[tilespmem:$0x1BCC0] =	vst v63  }
0x152: {  	v8 =	vld @!p0 [tilespmem:s13+$0x3190];
	_ =	sdelay $0x4  }
0x153: {  	v12 =	vshll.u32 @!p0 v8, $0x2  }
0x154: {  	v8 =	vand.u32 @!p0 $0x7, v8;
	v12 =	vand.u32 @!p0 $0xFFFFFFE0, v12  }
0x155: {  	v8 =	vor.u32 @!p0 v8, v12  }
0x156: {  	v9 =	vperm.xlane @!p0 v8, v9;
	_ =	sdelay $0x1  }
0x157: {  	v9 =	vadd.s32 @!p0 v11, v9;
	_ =	sdelay $0x2  }
0x158: {  	v8 =	vperm.xlane @!p0 v8, v10  }
0x159: {  	p1 =	por $0x0, $0x0;
	s19 =	simm.s32 @!p0 $0x15880  }
0x15a: {  	v8 =	vadd.s32 @!p0 v11, v8;
	[tilespmem:s19], [sflag:$0x7] =	stream.indirect_vreg.gather @!p0 [hbm4b:s0+s8], $0x80, v9, vm1, $0xb8;
	[tilespmem:$0x1BCC0] =	vst v63  }
0x15b: {  	p5 =	por $0x1, $0x1;
	p4 =	por $0x1, $0x1;
	s19 =	simm.s32 @!p0 $0x16080  }
0x15c: {  	[tilespmem:s19], [sflag:$0x7] =	stream.indirect_vreg.gather @!p0 [hbm4b:s14+s8], $0x80, v9, vm1, $0xb8;
	[tilespmem:$0x1BCC0] =	vst v63  }
.Ltmp11:
0x15d: {  	p3 =	por $0x1, $0x1;
	p2 =	por @!p0 $0x1, $0x1;
	(pc) =	sbr.rel .LBB2_17-.Ltmp11, $4  }
0x15e: {  	p1 =	por @!p0 p2, p2;
	p5 =	por @!p0 p2, p2;
	s19 =	simm.s32 @!p0 $0x16880  }
0x15f: {  	[tilespmem:s19], [sflag:$0x7] =	stream.indirect_vreg.gather @!p0 [hbm4b:s0+s8], $0x80, v8, vm1, $0xb8;
	[tilespmem:$0x1BCC0] =	vst v63  }
0x160: {  	p4 =	por @!p0 p2, p2;
	p3 =	por @!p0 p2, p2;
	s19 =	simm.s32 @!p0 $0x17080  }
0x161: {  	[tilespmem:s19], [sflag:$0x7] =	stream.indirect_vreg.gather @!p0 [hbm4b:s14+s8], $0x80, v8, vm1, $0xb8;
	[tilespmem:$0x1BCC0] =	vst v63  }
.LBB2_15:
0x162: {  	p3 =	por @!p6 $0x0, $0x0;
	p4 =	por $0x0, $0x0  }
0x163: {  	p4 =	por @!p6 p3, p3  }
0x164: {  	p5 =	por @!p2 $0x0, $0x0;
	p1 =	por @!p2 $0x1, $0x1;
	p3 =	por p4, p4  }
0x165: {  	p4 =	por @!p2 p1, p1;
	p3 =	por @!p2 p5, p5  }
0x166: {  	p1 =	por @!p0 $0x1, $0x1;
	p2 =	por @!p0 $0x0, $0x0;
	p5 =	por p3, p3  }
0x167: {  	p4 =	por @!p0 p1, p1;
	p5 =	por @!p0 p1, p1;
	p1 =	por p3, p3  }
0x168: {  	p3 =	por @!p0 p2, p2;
	p1 =	por @!p0 p2, p2  }
.LBB2_17:
0x169: {  	s3 =	sld [smem:$0x7FD];
	_ =	sdelay $0x2  }
0x16a: {  	p0 =	seq.s32 s3, $0x1  }
.Ltmp12:
0x16b: {  	_ = 	snop;
	(pc) =	sbr.rel @p0 .LBB2_21-.Ltmp12, $1  }
0x16c: {  	_ =	sdelay $0x3  }
0x16d: {  	s3 =	rddreg [dreg:$0xf]  }
0x16e: {  	[tilespmem:s6], [sflag:$0xD] =	stream.strided.gather [hbm4b:s3+s25], $0x800, s26, s25, $0x38;
	[tilespmem:$0x1BCC0] =	vst v63  }
0x16f: {  	s8 =	simm.s32 $0xFFFFFFFC;
	_ =	swait.ge [sflag:s1], $0x800  }
0x170: {  	s19 =	simm.s32 $0x0;
	s22 =	simm.s32 $0x1820;
	[sflag:s1] =	ssyncset.done $0x0  }
0x171: {  	v8 =	vmov s17;
	s23 =	simm.s32 $0x2020;
	s24 =	simm.s32 $0x2820;
	[sflag:s1] =	ssyncadd.s32 $0xFFFFF800  }
.LBB2_19:
0x172: {  	v9 =	vld [tilespmem:s22+$0xFFFFFFE0];
	_ =	sdelay $0x4  }
0x173: {  	v10 =	vsub.s32 v9, v1  }
0x174: {  	v9 =	vand.u32 $0x7F, v9;
	v10 =	vand.u32 $0xFFFFFF80, v10  }
0x175: {  	v9 =	vor.u32 v9, v10;
	_ =	sdelay $0x4  }
0x176: {  	v10 =	vld.idx.msk [tilespmem:v9+s4+$0x0], $0xffff  }
0x177: {  	v9 =	vld.idx.msk [tilespmem:v9+s6+$0x0], $0xffff;
	_ =	sdelay $0x1  }
0x178: {  	v11 =	vor.u32 s19, v3  }
0x179: {  	vm1 =	vlt.s32 v11, v8  }
0x17a: {  	v10 =	vnsel vm1, $0x0, v10  }
0x17b: {  	v9 =	vnsel vm1, $0x0, v9;
	[tilespmem:s23+$0xFFFFFFE0] =	vst v10  }
0x17c: {  	[tilespmem:s24+$0xFFFFFFE0] =	vst v9  }
0x17d: {  	v9 =	vld [tilespmem:s22+$0xFFFFFFF0];
	_ =	sdelay $0x4  }
0x17e: {  	v10 =	vsub.s32 v9, v1  }
0x17f: {  	v9 =	vand.u32 $0x7F, v9;
	v10 =	vand.u32 $0xFFFFFF80, v10  }
0x180: {  	v9 =	vor.u32 v9, v10;
	_ =	sdelay $0x4  }
0x181: {  	v10 =	vld.idx.msk [tilespmem:v9+s4+$0x0], $0xffff  }
0x182: {  	v9 =	vld.idx.msk [tilespmem:v9+s6+$0x0], $0xffff  }
0x183: {  	s3 =	sadd.s32 $0x10, s19  }
0x184: {  	v11 =	vor.u32 s3, v3  }
0x185: {  	vm1 =	vlt.s32 v11, v8  }
0x186: {  	v10 =	vnsel vm1, $0x0, v10  }
0x187: {  	v9 =	vnsel vm1, $0x0, v9;
	[tilespmem:s23+$0xFFFFFFF0] =	vst v10  }
0x188: {  	[tilespmem:s24+$0xFFFFFFF0] =	vst v9  }
0x189: {  	v9 =	vld [tilespmem:s22+$0x0];
	_ =	sdelay $0x4  }
0x18a: {  	v10 =	vsub.s32 v9, v1  }
0x18b: {  	v9 =	vand.u32 $0x7F, v9;
	v10 =	vand.u32 $0xFFFFFF80, v10  }
0x18c: {  	v9 =	vor.u32 v9, v10;
	_ =	sdelay $0x4  }
0x18d: {  	v10 =	vld.idx.msk [tilespmem:v9+s4+$0x0], $0xffff  }
0x18e: {  	v9 =	vld.idx.msk [tilespmem:v9+s6+$0x0], $0xffff  }
0x18f: {  	s7 =	sadd.s32 $0x20, s19  }
0x190: {  	v11 =	vor.u32 s7, v3  }
0x191: {  	vm1 =	vlt.s32 v11, v8  }
0x192: {  	v10 =	vnsel vm1, $0x0, v10  }
0x193: {  	v9 =	vnsel vm1, $0x0, v9;
	[tilespmem:s23+$0x0] =	vst v10  }
0x194: {  	[tilespmem:s24+$0x0] =	vst v9  }
0x195: {  	v9 =	vld [tilespmem:s22+$0x10];
	_ =	sdelay $0x4  }
0x196: {  	v10 =	vsub.s32 v9, v1  }
0x197: {  	v9 =	vand.u32 $0x7F, v9;
	v10 =	vand.u32 $0xFFFFFF80, v10  }
0x198: {  	v9 =	vor.u32 v9, v10;
	_ =	sdelay $0x4  }
0x199: {  	v10 =	vld.idx.msk [tilespmem:v9+s4+$0x0], $0xffff  }
0x19a: {  	s8 =	sadd.s32 $0x4, s8;
	v9 =	vld.idx.msk [tilespmem:v9+s6+$0x0], $0xffff  }
0x19b: {  	p0 =	slt.u32 s8, $0x7C;
	s7 =	sadd.s32 $0x30, s19  }
.Ltmp13:
0x19c: {  	v11 =	vor.u32 s7, v3;
	(pc) =	sbr.rel @p0 .LBB2_19-.Ltmp13, $4  }
0x19d: {  	vm1 =	vlt.s32 v11, v8  }
0x19e: {  	v10 =	vnsel vm1, $0x0, v10  }
0x19f: {  	s19 =	sadd.s32 $0x40, s19;
	v9 =	vnsel vm1, $0x0, v9;
	[tilespmem:s23+$0x10] =	vst v10  }
0x1a0: {  	s22 =	sadd.s32 $0x40, s22;
	s23 =	sadd.s32 $0x40, s23;
	[tilespmem:s24+$0x10] =	vst v9;
	s24 =	sadd.s32 $0x40, s24  }
0x1a1: {  	s3 =	rddreg [dreg:$0x10];
	s7 =	simm.s32 $0x2000  }
0x1a2: {  	[hbm4b:s3+s25] =	stream.strided.scatter [tilespmem:s7], [sflag:$0xD], $0x800, s26, s25, $0x38;
	[tilespmem:$0x1BCC0] =	vst v63  }
0x1a3: {  	_ =	swait.ge [sflag:s1], $0x800  }
0x1a4: {  	[sflag:s1] =	ssyncset.done $0x0  }
0x1a5: {  	s24 =	simm.s32 $0x2800;
	s23 =	rddreg [dreg:$0x11];
	[sflag:s1] =	ssyncadd.s32 $0xFFFFF800  }
0x1a6: {  	[hbm4b:s23+s25] =	stream.strided.scatter [tilespmem:s24], [sflag:$0xD], $0x800, s26, s25, $0x38;
	[tilespmem:$0x1BCC0] =	vst v63  }
0x1a7: {  	_ =	swait.ge [sflag:s1], $0x800  }
0x1a8: {  	[sflag:s1] =	ssyncset.done $0x0  }
0x1a9: {  	[sflag:s1] =	ssyncadd.s32 $0xFFFFF800  }
.LBB2_21:
.Ltmp14:
0x1aa: {  	(pc) =	sbr.rel @p6 .LBB2_25-.Ltmp14, $1  }
0x1ab: {  	_ =	sdelay $0x3  }
0x1ac: {  	s3 =	sadd.s32 $0x1, s20  }
0x1ad: {  	s8 =	sshrl.u32 s3, $0x1F  }
0x1ae: {  	s3 =	sadd.s32 s8, s3  }
0x1af: {  	s20 =	sshra.s32 s3, $0x1  }
0x1b0: {  	s3 =	sadd.s32 $0x4, s20  }
0x1b1: {  	s3 =	smulhi.u32 $0xCCCCCCCD, s3  }
0x1b2: {  	s24 =	rddreg [dreg:$0x17]  }
0x1b3: {  	s19 =	rddreg [dreg:$0x16];
	s3 =	sshrl.u32 s3, $0x2  }
0x1b4: {  	s23 =	simm.s32 $0x9;
	s8 =	rddreg [dreg:$0x15];
	s22 =	smax.u32 s3, $0x1  }
.LBB2_23:
0x1b5: {  	s3 =	sadd.s32 $0xFFFFFFF7, s23  }
0x1b6: {  	p0 =	sge.s32 s3, s20  }
0x1b7: {  	s3 =	simm.s32 @!p0 $0x3  }
0x1b8: {  	_ =	swait.ge @!p0 [sflag:s3], $0x4000  }
0x1b9: {  	[sflag:s3] =	ssyncset.done @!p0 $0x0  }
0x1ba: {  	[sflag:s3] =	ssyncadd.s32 @!p0 $0xFFFFC000;
	s3 =	sshrl.u32 @!p0 s8, $0x3  }
0x1bb: {  	s7 =	simm.s32 @!p0 $0x0;
	s10 =	simm.s32 @!p0 $0x3880;
	s3 =	sadd.s32 @!p0 s2, s3  }
0x1bc: {  	[hbm4b:s3+s7] =	stream.linear.scatter @!p0 [tilespmem:s10], [sflag:$0x8], $0x4000, $0x38;
	[tilespmem:$0x1BCC0] =	vst v63  }
0x1bd: {  	s3 =	sadd.s32 @!p0 $0xFFFFFFFC, s23  }
0x1be: {  	p2 =	sge.s32 @!p0 s3, s20  }
0x1bf: {  	p0 =	por p2, p0  }
0x1c0: {  	s3 =	simm.s32 @!p0 $0x8  }
0x1c1: {  	_ =	swait.ge @!p0 [sflag:s3], $0x4000  }
0x1c2: {  	[sflag:s3] =	ssyncset.done @!p0 $0x0  }
0x1c3: {  	[sflag:s3] =	ssyncadd.s32 @!p0 $0xFFFFC000  }
0x1c4: {  	v8 =	vld @!p0 [tilespmem:s24+$0xFFFFFEF0];
	_ =	sdelay $0x4  }
0x1c5: {  	v9 =	vshll.u32 @!p0 v8, $0x2  }
0x1c6: {  	v10 =	vlaneseq.u32 @!p0;
	v8 =	vand.u32 @!p0 $0x7, v8;
	v9 =	vand.u32 @!p0 $0xFFFFFFE0, v9  }
0x1c7: {  	v11 =	vshrl.u32 @!p0 v10, $0x3;
	v8 =	vor.u32 @!p0 v8, v9;
	v9 =	vand.u32 @!p0 $0x7, v10  }
0x1c8: {  	v11 =	vmul.u32 @!p0 $0x8, v11;
	v12 =	vperm.xlane @!p0 v8, v9;
	_ =	sdelay $0x1  }
0x1c9: {  	v12 =	vadd.s32 @!p0 v11, v12  }
0x1ca: {  	v10 =	vor.u32 @!p0 $0x8, v10  }
0x1cb: {  	v8 =	vperm.xlane @!p0 v8, v10;
	_ =	sdelay $0x1  }
0x1cc: {  	vm1 =	vmmov @!p0 $0xffff;
	s7 =	simm.s32 @!p0 $0x3880;
	s3 =	simm.s32 @!p0 $0x0;
	v8 =	vadd.s32 @!p0 v11, v8  }
0x1cd: {  	[tilespmem:s7], [sflag:$0x3] =	stream.indirect_vreg.gather @!p0 [hbm4b:s0+s3], $0x80, v12, vm1, $0xb8;
	[tilespmem:$0x1BCC0] =	vst v63  }
0x1ce: {  	s7 =	simm.s32 @!p0 $0x4080  }
0x1cf: {  	[tilespmem:s7], [sflag:$0x3] =	stream.indirect_vreg.gather @!p0 [hbm4b:s14+s3], $0x80, v12, vm1, $0xb8;
	[tilespmem:$0x1BCC0] =	vst v63  }
0x1d0: {  	s7 =	simm.s32 @!p0 $0x4880  }
0x1d1: {  	[tilespmem:s7], [sflag:$0x3] =	stream.indirect_vreg.gather @!p0 [hbm4b:s0+s3], $0x80, v8, vm1, $0xb8;
	[tilespmem:$0x1BCC0] =	vst v63  }
0x1d2: {  	s7 =	simm.s32 @!p0 $0x5080  }
0x1d3: {  	[tilespmem:s7], [sflag:$0x3] =	stream.indirect_vreg.gather @!p0 [hbm4b:s14+s3], $0x80, v8, vm1, $0xb8;
	[tilespmem:$0x1BCC0] =	vst v63  }
0x1d4: {  	v8 =	vld @!p0 [tilespmem:s24+$0xFFFFFF00];
	_ =	sdelay $0x4  }
0x1d5: {  	v12 =	vshll.u32 @!p0 v8, $0x2  }
0x1d6: {  	v8 =	vand.u32 @!p0 $0x7, v8;
	v12 =	vand.u32 @!p0 $0xFFFFFFE0, v12  }
0x1d7: {  	v8 =	vor.u32 @!p0 v8, v12  }
0x1d8: {  	v9 =	vperm.xlane @!p0 v8, v9;
	_ =	sdelay $0x1  }
0x1d9: {  	v9 =	vadd.s32 @!p0 v11, v9;
	_ =	sdelay $0x1  }
0x1da: {  	v8 =	vperm.xlane @!p0 v8, v10;
	_ =	sdelay $0x1  }
0x1db: {  	s7 =	simm.s32 @!p0 $0x5880;
	v8 =	vadd.s32 @!p0 v11, v8  }
0x1dc: {  	[tilespmem:s7], [sflag:$0x3] =	stream.indirect_vreg.gather @!p0 [hbm4b:s0+s3], $0x80, v9, vm1, $0xb8;
	[tilespmem:$0x1BCC0] =	vst v63  }
0x1dd: {  	s7 =	simm.s32 @!p0 $0x6080  }
0x1de: {  	[tilespmem:s7], [sflag:$0x3] =	stream.indirect_vreg.gather @!p0 [hbm4b:s14+s3], $0x80, v9, vm1, $0xb8;
	[tilespmem:$0x1BCC0] =	vst v63  }
0x1df: {  	s7 =	simm.s32 @!p0 $0x6880  }
0x1e0: {  	[tilespmem:s7], [sflag:$0x3] =	stream.indirect_vreg.gather @!p0 [hbm4b:s0+s3], $0x80, v8, vm1, $0xb8;
	[tilespmem:$0x1BCC0] =	vst v63  }
0x1e1: {  	s7 =	simm.s32 @!p0 $0x7080  }
0x1e2: {  	[tilespmem:s7], [sflag:$0x3] =	stream.indirect_vreg.gather @!p0 [hbm4b:s14+s3], $0x80, v8, vm1, $0xb8;
	[tilespmem:$0x1BCC0] =	vst v63  }
0x1e3: {  	s7 =	sadd.s32 $0xFFFFFFF8, s23  }
0x1e4: {  	p0 =	sge.s32 s7, s20  }
0x1e5: {  	s3 =	simm.s32 @!p0 $0x4  }
0x1e6: {  	_ =	swait.ge @!p0 [sflag:s3], $0x4000  }
0x1e7: {  	s7 =	simm.s32 @!p0 $0x0;
	[sflag:s3] =	ssyncset.done @!p0 $0x0  }
0x1e8: {  	s10 =	simm.s32 @!p0 $0x7880;
	[sflag:s3] =	ssyncadd.s32 @!p0 $0xFFFFC000;
	s3 =	sadd.s32 @!p0 $0xFFFFD000, s19  }
0x1e9: {  	[hbm4b:s3+s7] =	stream.linear.scatter @!p0 [tilespmem:s10], [sflag:$0x9], $0x4000, $0x38;
	[tilespmem:$0x1BCC0] =	vst v63  }
0x1ea: {  	s3 =	sadd.s32 @!p0 $0xFFFFFFFD, s23  }
0x1eb: {  	p2 =	sge.s32 @!p0 s3, s20  }
0x1ec: {  	p0 =	por p2, p0  }
0x1ed: {  	s3 =	simm.s32 @!p0 $0x9  }
0x1ee: {  	_ =	swait.ge @!p0 [sflag:s3], $0x4000  }
0x1ef: {  	[sflag:s3] =	ssyncset.done @!p0 $0x0  }
0x1f0: {  	[sflag:s3] =	ssyncadd.s32 @!p0 $0xFFFFC000  }
0x1f1: {  	v8 =	vld @!p0 [tilespmem:s24+$0xFFFFFF30];
	_ =	sdelay $0x4  }
0x1f2: {  	v9 =	vshll.u32 @!p0 v8, $0x2  }
0x1f3: {  	v10 =	vlaneseq.u32 @!p0;
	v8 =	vand.u32 @!p0 $0x7, v8;
	v9 =	vand.u32 @!p0 $0xFFFFFFE0, v9  }
0x1f4: {  	v11 =	vshrl.u32 @!p0 v10, $0x3;
	v8 =	vor.u32 @!p0 v8, v9;
	v9 =	vand.u32 @!p0 $0x7, v10  }
0x1f5: {  	v11 =	vmul.u32 @!p0 $0x8, v11;
	v12 =	vperm.xlane @!p0 v8, v9;
	_ =	sdelay $0x1  }
0x1f6: {  	v12 =	vadd.s32 @!p0 v11, v12  }
0x1f7: {  	v10 =	vor.u32 @!p0 $0x8, v10  }
0x1f8: {  	v8 =	vperm.xlane @!p0 v8, v10;
	_ =	sdelay $0x1  }
0x1f9: {  	vm1 =	vmmov @!p0 $0xffff;
	s7 =	simm.s32 @!p0 $0x7880;
	s3 =	simm.s32 @!p0 $0x0;
	v8 =	vadd.s32 @!p0 v11, v8  }
0x1fa: {  	[tilespmem:s7], [sflag:$0x4] =	stream.indirect_vreg.gather @!p0 [hbm4b:s0+s3], $0x80, v12, vm1, $0xb8;
	[tilespmem:$0x1BCC0] =	vst v63  }
0x1fb: {  	s7 =	simm.s32 @!p0 $0x8080  }
0x1fc: {  	[tilespmem:s7], [sflag:$0x4] =	stream.indirect_vreg.gather @!p0 [hbm4b:s14+s3], $0x80, v12, vm1, $0xb8;
	[tilespmem:$0x1BCC0] =	vst v63  }
0x1fd: {  	s7 =	simm.s32 @!p0 $0x8880  }
0x1fe: {  	[tilespmem:s7], [sflag:$0x4] =	stream.indirect_vreg.gather @!p0 [hbm4b:s0+s3], $0x80, v8, vm1, $0xb8;
	[tilespmem:$0x1BCC0] =	vst v63  }
0x1ff: {  	s7 =	simm.s32 @!p0 $0x9080  }
0x200: {  	[tilespmem:s7], [sflag:$0x4] =	stream.indirect_vreg.gather @!p0 [hbm4b:s14+s3], $0x80, v8, vm1, $0xb8;
	[tilespmem:$0x1BCC0] =	vst v63  }
0x201: {  	v8 =	vld @!p0 [tilespmem:s24+$0xFFFFFF40];
	_ =	sdelay $0x4  }
0x202: {  	v12 =	vshll.u32 @!p0 v8, $0x2  }
0x203: {  	v8 =	vand.u32 @!p0 $0x7, v8;
	v12 =	vand.u32 @!p0 $0xFFFFFFE0, v12  }
0x204: {  	v8 =	vor.u32 @!p0 v8, v12  }
0x205: {  	v9 =	vperm.xlane @!p0 v8, v9;
	_ =	sdelay $0x1  }
0x206: {  	v9 =	vadd.s32 @!p0 v11, v9;
	_ =	sdelay $0x1  }
0x207: {  	v8 =	vperm.xlane @!p0 v8, v10;
	_ =	sdelay $0x1  }
0x208: {  	s7 =	simm.s32 @!p0 $0x9880;
	v8 =	vadd.s32 @!p0 v11, v8  }
0x209: {  	[tilespmem:s7], [sflag:$0x4] =	stream.indirect_vreg.gather @!p0 [hbm4b:s0+s3], $0x80, v9, vm1, $0xb8;
	[tilespmem:$0x1BCC0] =	vst v63  }
0x20a: {  	s7 =	simm.s32 @!p0 $0xA080  }
0x20b: {  	[tilespmem:s7], [sflag:$0x4] =	stream.indirect_vreg.gather @!p0 [hbm4b:s14+s3], $0x80, v9, vm1, $0xb8;
	[tilespmem:$0x1BCC0] =	vst v63  }
0x20c: {  	s7 =	simm.s32 @!p0 $0xA880  }
0x20d: {  	[tilespmem:s7], [sflag:$0x4] =	stream.indirect_vreg.gather @!p0 [hbm4b:s0+s3], $0x80, v8, vm1, $0xb8;
	[tilespmem:$0x1BCC0] =	vst v63  }
0x20e: {  	s10 =	sadd.s32 $0xFFFFFFF9, s23;
	s7 =	simm.s32 @!p0 $0xB080  }
0x20f: {  	[tilespmem:s7], [sflag:$0x4] =	stream.indirect_vreg.gather @!p0 [hbm4b:s14+s3], $0x80, v8, vm1, $0xb8;
	[tilespmem:$0x1BCC0] =	vst v63  }
0x210: {  	p0 =	sge.s32 s10, s20  }
0x211: {  	s3 =	simm.s32 @!p0 $0x5  }
0x212: {  	_ =	swait.ge @!p0 [sflag:s3], $0x4000  }
0x213: {  	s7 =	simm.s32 @!p0 $0x0;
	[sflag:s3] =	ssyncset.done @!p0 $0x0  }
0x214: {  	s10 =	simm.s32 @!p0 $0xB880;
	[sflag:s3] =	ssyncadd.s32 @!p0 $0xFFFFC000;
	s3 =	sadd.s32 @!p0 $0xFFFFE000, s19  }
0x215: {  	[hbm4b:s3+s7] =	stream.linear.scatter @!p0 [tilespmem:s10], [sflag:$0xA], $0x4000, $0x38;
	[tilespmem:$0x1BCC0] =	vst v63  }
0x216: {  	s3 =	sadd.s32 @!p0 $0xFFFFFFFE, s23  }
0x217: {  	p2 =	sge.s32 @!p0 s3, s20  }
0x218: {  	p0 =	por p2, p0  }
0x219: {  	s3 =	simm.s32 @!p0 $0xA  }
0x21a: {  	_ =	swait.ge @!p0 [sflag:s3], $0x4000  }
0x21b: {  	[sflag:s3] =	ssyncset.done @!p0 $0x0  }
0x21c: {  	[sflag:s3] =	ssyncadd.s32 @!p0 $0xFFFFC000  }
0x21d: {  	v8 =	vld @!p0 [tilespmem:s24+$0xFFFFFF70];
	_ =	sdelay $0x4  }
0x21e: {  	v9 =	vshll.u32 @!p0 v8, $0x2  }
0x21f: {  	v10 =	vlaneseq.u32 @!p0;
	v8 =	vand.u32 @!p0 $0x7, v8;
	v9 =	vand.u32 @!p0 $0xFFFFFFE0, v9  }
0x220: {  	v11 =	vshrl.u32 @!p0 v10, $0x3;
	v8 =	vor.u32 @!p0 v8, v9;
	v9 =	vand.u32 @!p0 $0x7, v10  }
0x221: {  	v11 =	vmul.u32 @!p0 $0x8, v11;
	v12 =	vperm.xlane @!p0 v8, v9;
	_ =	sdelay $0x1  }
0x222: {  	v12 =	vadd.s32 @!p0 v11, v12  }
0x223: {  	v10 =	vor.u32 @!p0 $0x8, v10  }
0x224: {  	v8 =	vperm.xlane @!p0 v8, v10;
	_ =	sdelay $0x1  }
0x225: {  	vm1 =	vmmov @!p0 $0xffff;
	s7 =	simm.s32 @!p0 $0xB880;
	s3 =	simm.s32 @!p0 $0x0;
	v8 =	vadd.s32 @!p0 v11, v8  }
0x226: {  	[tilespmem:s7], [sflag:$0x5] =	stream.indirect_vreg.gather @!p0 [hbm4b:s0+s3], $0x80, v12, vm1, $0xb8;
	[tilespmem:$0x1BCC0] =	vst v63  }
0x227: {  	s7 =	simm.s32 @!p0 $0xC080  }
0x228: {  	[tilespmem:s7], [sflag:$0x5] =	stream.indirect_vreg.gather @!p0 [hbm4b:s14+s3], $0x80, v12, vm1, $0xb8;
	[tilespmem:$0x1BCC0] =	vst v63  }
0x229: {  	s7 =	simm.s32 @!p0 $0xC880  }
0x22a: {  	[tilespmem:s7], [sflag:$0x5] =	stream.indirect_vreg.gather @!p0 [hbm4b:s0+s3], $0x80, v8, vm1, $0xb8;
	[tilespmem:$0x1BCC0] =	vst v63  }
0x22b: {  	s7 =	simm.s32 @!p0 $0xD080  }
0x22c: {  	[tilespmem:s7], [sflag:$0x5] =	stream.indirect_vreg.gather @!p0 [hbm4b:s14+s3], $0x80, v8, vm1, $0xb8;
	[tilespmem:$0x1BCC0] =	vst v63  }
0x22d: {  	v8 =	vld @!p0 [tilespmem:s24+$0xFFFFFF80];
	_ =	sdelay $0x4  }
0x22e: {  	v12 =	vshll.u32 @!p0 v8, $0x2  }
0x22f: {  	v8 =	vand.u32 @!p0 $0x7, v8;
	v12 =	vand.u32 @!p0 $0xFFFFFFE0, v12  }
0x230: {  	v8 =	vor.u32 @!p0 v8, v12  }
0x231: {  	v9 =	vperm.xlane @!p0 v8, v9;
	_ =	sdelay $0x1  }
0x232: {  	v9 =	vadd.s32 @!p0 v11, v9;
	_ =	sdelay $0x1  }
0x233: {  	v8 =	vperm.xlane @!p0 v8, v10;
	_ =	sdelay $0x1  }
0x234: {  	s7 =	simm.s32 @!p0 $0xD880;
	v8 =	vadd.s32 @!p0 v11, v8  }
0x235: {  	[tilespmem:s7], [sflag:$0x5] =	stream.indirect_vreg.gather @!p0 [hbm4b:s0+s3], $0x80, v9, vm1, $0xb8;
	[tilespmem:$0x1BCC0] =	vst v63  }
0x236: {  	s7 =	simm.s32 @!p0 $0xE080  }
0x237: {  	[tilespmem:s7], [sflag:$0x5] =	stream.indirect_vreg.gather @!p0 [hbm4b:s14+s3], $0x80, v9, vm1, $0xb8;
	[tilespmem:$0x1BCC0] =	vst v63  }
0x238: {  	s7 =	simm.s32 @!p0 $0xE880  }
0x239: {  	[tilespmem:s7], [sflag:$0x5] =	stream.indirect_vreg.gather @!p0 [hbm4b:s0+s3], $0x80, v8, vm1, $0xb8;
	[tilespmem:$0x1BCC0] =	vst v63  }
0x23a: {  	s7 =	simm.s32 @!p0 $0xF080  }
0x23b: {  	[tilespmem:s7], [sflag:$0x5] =	stream.indirect_vreg.gather @!p0 [hbm4b:s14+s3], $0x80, v8, vm1, $0xb8;
	[tilespmem:$0x1BCC0] =	vst v63  }
0x23c: {  	s7 =	sadd.s32 $0xFFFFFFFA, s23  }
0x23d: {  	p0 =	sge.s32 s7, s20  }
0x23e: {  	s3 =	simm.s32 @!p0 $0x6  }
0x23f: {  	_ =	swait.ge @!p0 [sflag:s3], $0x4000  }
0x240: {  	s7 =	simm.s32 @!p0 $0x0;
	[sflag:s3] =	ssyncset.done @!p0 $0x0  }
0x241: {  	s10 =	simm.s32 @!p0 $0xF880;
	[sflag:s3] =	ssyncadd.s32 @!p0 $0xFFFFC000;
	s3 =	sadd.s32 @!p0 $0xFFFFF000, s19  }
0x242: {  	[hbm4b:s3+s7] =	stream.linear.scatter @!p0 [tilespmem:s10], [sflag:$0xB], $0x4000, $0x38;
	[tilespmem:$0x1BCC0] =	vst v63  }
0x243: {  	s3 =	sadd.s32 @!p0 $0xFFFFFFFF, s23  }
0x244: {  	p2 =	sge.s32 @!p0 s3, s20  }
0x245: {  	p0 =	por p2, p0  }
0x246: {  	s3 =	simm.s32 @!p0 $0xB  }
0x247: {  	_ =	swait.ge @!p0 [sflag:s3], $0x4000  }
0x248: {  	[sflag:s3] =	ssyncset.done @!p0 $0x0  }
0x249: {  	[sflag:s3] =	ssyncadd.s32 @!p0 $0xFFFFC000  }
0x24a: {  	v8 =	vld @!p0 [tilespmem:s24+$0xFFFFFFB0];
	_ =	sdelay $0x4  }
0x24b: {  	v9 =	vshll.u32 @!p0 v8, $0x2  }
0x24c: {  	v10 =	vlaneseq.u32 @!p0;
	v8 =	vand.u32 @!p0 $0x7, v8;
	v9 =	vand.u32 @!p0 $0xFFFFFFE0, v9  }
0x24d: {  	v11 =	vshrl.u32 @!p0 v10, $0x3;
	v8 =	vor.u32 @!p0 v8, v9;
	v9 =	vand.u32 @!p0 $0x7, v10  }
0x24e: {  	v11 =	vmul.u32 @!p0 $0x8, v11;
	v12 =	vperm.xlane @!p0 v8, v9;
	_ =	sdelay $0x1  }
0x24f: {  	v12 =	vadd.s32 @!p0 v11, v12  }
0x250: {  	v10 =	vor.u32 @!p0 $0x8, v10  }
0x251: {  	v8 =	vperm.xlane @!p0 v8, v10;
	_ =	sdelay $0x1  }
0x252: {  	vm1 =	vmmov @!p0 $0xffff;
	s7 =	simm.s32 @!p0 $0xF880;
	s3 =	simm.s32 @!p0 $0x0;
	v8 =	vadd.s32 @!p0 v11, v8  }
0x253: {  	[tilespmem:s7], [sflag:$0x6] =	stream.indirect_vreg.gather @!p0 [hbm4b:s0+s3], $0x80, v12, vm1, $0xb8;
	[tilespmem:$0x1BCC0] =	vst v63  }
0x254: {  	s7 =	simm.s32 @!p0 $0x10080  }
0x255: {  	[tilespmem:s7], [sflag:$0x6] =	stream.indirect_vreg.gather @!p0 [hbm4b:s14+s3], $0x80, v12, vm1, $0xb8;
	[tilespmem:$0x1BCC0] =	vst v63  }
0x256: {  	s7 =	simm.s32 @!p0 $0x10880  }
0x257: {  	[tilespmem:s7], [sflag:$0x6] =	stream.indirect_vreg.gather @!p0 [hbm4b:s0+s3], $0x80, v8, vm1, $0xb8;
	[tilespmem:$0x1BCC0] =	vst v63  }
0x258: {  	s7 =	simm.s32 @!p0 $0x11080  }
0x259: {  	[tilespmem:s7], [sflag:$0x6] =	stream.indirect_vreg.gather @!p0 [hbm4b:s14+s3], $0x80, v8, vm1, $0xb8;
	[tilespmem:$0x1BCC0] =	vst v63  }
0x25a: {  	v8 =	vld @!p0 [tilespmem:s24+$0xFFFFFFC0];
	_ =	sdelay $0x4  }
0x25b: {  	v12 =	vshll.u32 @!p0 v8, $0x2  }
0x25c: {  	v8 =	vand.u32 @!p0 $0x7, v8;
	v12 =	vand.u32 @!p0 $0xFFFFFFE0, v12  }
0x25d: {  	v8 =	vor.u32 @!p0 v8, v12  }
0x25e: {  	v9 =	vperm.xlane @!p0 v8, v9;
	_ =	sdelay $0x1  }
0x25f: {  	v9 =	vadd.s32 @!p0 v11, v9;
	_ =	sdelay $0x1  }
0x260: {  	v8 =	vperm.xlane @!p0 v8, v10;
	_ =	sdelay $0x1  }
0x261: {  	s7 =	simm.s32 @!p0 $0x11880;
	v8 =	vadd.s32 @!p0 v11, v8  }
0x262: {  	[tilespmem:s7], [sflag:$0x6] =	stream.indirect_vreg.gather @!p0 [hbm4b:s0+s3], $0x80, v9, vm1, $0xb8;
	[tilespmem:$0x1BCC0] =	vst v63  }
0x263: {  	s7 =	simm.s32 @!p0 $0x12080  }
0x264: {  	[tilespmem:s7], [sflag:$0x6] =	stream.indirect_vreg.gather @!p0 [hbm4b:s14+s3], $0x80, v9, vm1, $0xb8;
	[tilespmem:$0x1BCC0] =	vst v63  }
0x265: {  	s7 =	simm.s32 @!p0 $0x12880  }
0x266: {  	[tilespmem:s7], [sflag:$0x6] =	stream.indirect_vreg.gather @!p0 [hbm4b:s0+s3], $0x80, v8, vm1, $0xb8;
	[tilespmem:$0x1BCC0] =	vst v63  }
0x267: {  	s10 =	sadd.s32 $0xFFFFFFFB, s23;
	s7 =	simm.s32 @!p0 $0x13080  }
0x268: {  	[tilespmem:s7], [sflag:$0x6] =	stream.indirect_vreg.gather @!p0 [hbm4b:s14+s3], $0x80, v8, vm1, $0xb8;
	[tilespmem:$0x1BCC0] =	vst v63  }
0x269: {  	p0 =	sge.s32 s10, s20  }
0x26a: {  	s3 =	simm.s32 @!p0 $0x7  }
0x26b: {  	_ =	swait.ge @!p0 [sflag:s3], $0x4000  }
0x26c: {  	s7 =	simm.s32 @!p0 $0x13880;
	[sflag:s3] =	ssyncset.done @!p0 $0x0  }
0x26d: {  	p2 =	sge.s32 @!p0 s23, s20;
	[sflag:s3] =	ssyncadd.s32 @!p0 $0xFFFFC000;
	s3 =	simm.s32 @!p0 $0x0  }
0x26e: {  	[hbm4b:s19+s3] =	stream.linear.scatter @!p0 [tilespmem:s7], [sflag:$0xC], $0x4000, $0x38;
	[tilespmem:$0x1BCC0] =	vst v63  }
0x26f: {  	p0 =	por p2, p0  }
0x270: {  	s3 =	simm.s32 @!p0 $0xC  }
0x271: {  	_ =	swait.ge @!p0 [sflag:s3], $0x4000  }
0x272: {  	[sflag:s3] =	ssyncset.done @!p0 $0x0  }
0x273: {  	[sflag:s3] =	ssyncadd.s32 @!p0 $0xFFFFC000  }
0x274: {  	v8 =	vld @!p0 [tilespmem:s24+$0xFFFFFFF0];
	_ =	sdelay $0x4  }
0x275: {  	v9 =	vshll.u32 @!p0 v8, $0x2  }
0x276: {  	v10 =	vlaneseq.u32 @!p0;
	v8 =	vand.u32 @!p0 $0x7, v8;
	v9 =	vand.u32 @!p0 $0xFFFFFFE0, v9  }
0x277: {  	v11 =	vshrl.u32 @!p0 v10, $0x3;
	v8 =	vor.u32 @!p0 v8, v9;
	v9 =	vand.u32 @!p0 $0x7, v10  }
0x278: {  	v11 =	vmul.u32 @!p0 $0x8, v11;
	v12 =	vperm.xlane @!p0 v8, v9;
	_ =	sdelay $0x1  }
0x279: {  	v12 =	vadd.s32 @!p0 v11, v12  }
0x27a: {  	v10 =	vor.u32 @!p0 $0x8, v10  }
0x27b: {  	v8 =	vperm.xlane @!p0 v8, v10;
	_ =	sdelay $0x1  }
0x27c: {  	vm1 =	vmmov @!p0 $0xffff;
	s7 =	simm.s32 @!p0 $0x13880;
	s3 =	simm.s32 @!p0 $0x0;
	v8 =	vadd.s32 @!p0 v11, v8  }
0x27d: {  	[tilespmem:s7], [sflag:$0x7] =	stream.indirect_vreg.gather @!p0 [hbm4b:s0+s3], $0x80, v12, vm1, $0xb8;
	[tilespmem:$0x1BCC0] =	vst v63  }
0x27e: {  	s7 =	simm.s32 @!p0 $0x14080  }
0x27f: {  	[tilespmem:s7], [sflag:$0x7] =	stream.indirect_vreg.gather @!p0 [hbm4b:s14+s3], $0x80, v12, vm1, $0xb8;
	[tilespmem:$0x1BCC0] =	vst v63  }
0x280: {  	s7 =	simm.s32 @!p0 $0x14880  }
0x281: {  	[tilespmem:s7], [sflag:$0x7] =	stream.indirect_vreg.gather @!p0 [hbm4b:s0+s3], $0x80, v8, vm1, $0xb8;
	[tilespmem:$0x1BCC0] =	vst v63  }
0x282: {  	s7 =	simm.s32 @!p0 $0x15080  }
0x283: {  	[tilespmem:s7], [sflag:$0x7] =	stream.indirect_vreg.gather @!p0 [hbm4b:s14+s3], $0x80, v8, vm1, $0xb8;
	[tilespmem:$0x1BCC0] =	vst v63  }
0x284: {  	v8 =	vld @!p0 [tilespmem:s24+$0x0];
	_ =	sdelay $0x4  }
0x285: {  	v12 =	vshll.u32 @!p0 v8, $0x2  }
0x286: {  	v8 =	vand.u32 @!p0 $0x7, v8;
	v12 =	vand.u32 @!p0 $0xFFFFFFE0, v12  }
0x287: {  	v8 =	vor.u32 @!p0 v8, v12  }
0x288: {  	v9 =	vperm.xlane @!p0 v8, v9;
	_ =	sdelay $0x1  }
0x289: {  	v9 =	vadd.s32 @!p0 v11, v9;
	_ =	sdelay $0x1  }
0x28a: {  	v8 =	vperm.xlane @!p0 v8, v10;
	_ =	sdelay $0x1  }
0x28b: {  	s7 =	simm.s32 @!p0 $0x15880;
	v8 =	vadd.s32 @!p0 v11, v8  }
0x28c: {  	[tilespmem:s7], [sflag:$0x7] =	stream.indirect_vreg.gather @!p0 [hbm4b:s0+s3], $0x80, v9, vm1, $0xb8;
	[tilespmem:$0x1BCC0] =	vst v63  }
0x28d: {  	s7 =	simm.s32 @!p0 $0x16080  }
0x28e: {  	[tilespmem:s7], [sflag:$0x7] =	stream.indirect_vreg.gather @!p0 [hbm4b:s14+s3], $0x80, v9, vm1, $0xb8;
	[tilespmem:$0x1BCC0] =	vst v63  }
0x28f: {  	s7 =	simm.s32 @!p0 $0x16880  }
0x290: {  	[tilespmem:s7], [sflag:$0x7] =	stream.indirect_vreg.gather @!p0 [hbm4b:s0+s3], $0x80, v8, vm1, $0xb8;
	[tilespmem:$0x1BCC0] =	vst v63  }
0x291: {  	s22 =	sadd.s32 $0xFFFFFFFF, s22;
	s7 =	simm.s32 @!p0 $0x17080  }
0x292: {  	[tilespmem:s7], [sflag:$0x7] =	stream.indirect_vreg.gather @!p0 [hbm4b:s14+s3], $0x80, v8, vm1, $0xb8;
	[tilespmem:$0x1BCC0] =	vst v63  }
0x293: {  	p0 =	sne.s32 s22, $0x0  }
.Ltmp15:
0x294: {  	_ = 	snop;
	(pc) =	sbr.rel @p0 .LBB2_23-.Ltmp15, $3  }
0x295: {  	_ =	sdelay $0x1  }
0x296: {  	s8 =	sadd.s32 $0x28000, s8  }
0x297: {  	s23 =	sadd.s32 $0x5, s23;
	s19 =	sadd.s32 $0x5000, s19;
	s24 =	sadd.s32 $0x140, s24  }
0x298: {  	s3 =	simm.s32 $0x8  }
0x299: {  	_ =	swait.ge [sflag:s3], $0x4000  }
0x29a: {  	[sflag:s3] =	ssyncset.done $0x0  }
0x29b: {  	s10 =	simm.s32 $0x3000;
	[sflag:s3] =	ssyncadd.s32 $0xFFFFC000  }
.LBB2_25:
0x29c: {  	s3 =	simm.s32 @p4 $0x9  }
0x29d: {  	_ =	swait.ge @p4 [sflag:s3], $0x4000  }
0x29e: {  	[sflag:s3] =	ssyncset.done @p4 $0x0  }
0x29f: {  	[sflag:s3] =	ssyncadd.s32 @p4 $0xFFFFC000;
	s3 =	simm.s32 @p5 $0xA  }
0x2a0: {  	_ =	swait.ge @p5 [sflag:s3], $0x4000  }
0x2a1: {  	[sflag:s3] =	ssyncset.done @p5 $0x0  }
0x2a2: {  	s7 =	sshrl.u32 s16, $0x1F;
	[sflag:s3] =	ssyncadd.s32 @p5 $0xFFFFC000;
	s3 =	simm.s32 @p3 $0xB  }
0x2a3: {  	s7 =	sadd.s32 s7, s16;
	_ =	swait.ge @p3 [sflag:s3], $0x4000  }
0x2a4: {  	s19 =	sand.u32 $0xFFFFFFE0, s21;
	s24 =	sand.u32 $0xFFFFFFFE, s7;
	[sflag:s3] =	ssyncset.done @p3 $0x0  }
0x2a5: {  	p0 =	seq.s32 s17, s19;
	[sflag:s3] =	ssyncadd.s32 @p3 $0xFFFFC000;
	s3 =	ssub.s32 s16, s24  }
0x2a6: {  	p2 =	sne.s32 @!p0 s3, s9  }
0x2a7: {  	p0 =	por p0, p2  }
.Ltmp16:
0x2a8: {  	_ = 	snop;
	(pc) =	sbr.rel @p0 .LBB2_31-.Ltmp16, $4  }
0x2a9: {  	s7 =	simm.s32 @p1 $0xC  }
0x2aa: {  	_ =	swait.ge @p1 [sflag:s7], $0x4000  }
0x2ab: {  	[sflag:s7] =	ssyncset.done @p1 $0x0  }
0x2ac: {  	[sflag:s7] =	ssyncadd.s32 @p1 $0xFFFFC000  }
0x2ad: {  	s3 =	sshll.u32 s16, $0x7  }
0x2ae: {  	s3 =	sshra.s32 s3, $0x2  }
0x2af: {  	v8 =	vld [tilespmem:s3+$0x3080];
	_ =	sdelay $0x4  }
0x2b0: {  	v9 =	vshll.u32 v8, $0x2  }
0x2b1: {  	v8 =	vand.u32 $0x7, v8;
	v9 =	vand.u32 $0xFFFFFFE0, v9  }
0x2b2: {  	v8 =	vor.u32 v8, v9  }
0x2b3: {  	v9 =	vperm.xlane v8, v5;
	_ =	sdelay $0x1  }
0x2b4: {  	v9 =	vadd.s32 v6, v9;
	_ =	sdelay $0x1  }
0x2b5: {  	v8 =	vperm.xlane v8, v7;
	_ =	sdelay $0x1  }
0x2b6: {  	s8 =	simm.s32 $0x0;
	s7 =	simm.s32 $0x3880;
	v8 =	vadd.s32 v6, v8  }
0x2b7: {  	[tilespmem:s7], [sflag:$0x1] =	stream.indirect_vreg.gather [hbm4b:s0+s8], $0x80, v9, vm0, $0xb8;
	[tilespmem:$0x1BCC0] =	vst v63  }
0x2b8: {  	s23 =	simm.s32 $0x4080  }
0x2b9: {  	[tilespmem:s23], [sflag:$0x1] =	stream.indirect_vreg.gather [hbm4b:s14+s8], $0x80, v9, vm0, $0xb8;
	[tilespmem:$0x1BCC0] =	vst v63  }
0x2ba: {  	s24 =	simm.s32 $0x4880  }
0x2bb: {  	[tilespmem:s24], [sflag:$0x1] =	stream.indirect_vreg.gather [hbm4b:s0+s8], $0x80, v8, vm0, $0xb8;
	[tilespmem:$0x1BCC0] =	vst v63  }
0x2bc: {  	s20 =	simm.s32 $0x5080  }
0x2bd: {  	[tilespmem:s20], [sflag:$0x1] =	stream.indirect_vreg.gather [hbm4b:s14+s8], $0x80, v8, vm0, $0xb8;
	[tilespmem:$0x1BCC0] =	vst v63  }
0x2be: {  	v8 =	vld [tilespmem:s3+$0x3090];
	_ =	sdelay $0x4  }
0x2bf: {  	v63 =	vshll.u32 v8, $0x2  }
0x2c0: {  	v8 =	vand.u32 $0x7, v8;
	v9 =	vand.u32 $0xFFFFFFE0, v63  }
0x2c1: {  	v8 =	vor.u32 v8, v9  }
0x2c2: {  	v9 =	vperm.xlane v8, v5;
	_ =	sdelay $0x1  }
0x2c3: {  	v9 =	vadd.s32 v6, v9;
	_ =	sdelay $0x1  }
0x2c4: {  	v8 =	vperm.xlane v8, v7;
	_ =	sdelay $0x1  }
0x2c5: {  	s21 =	simm.s32 $0x5880;
	v8 =	vadd.s32 v6, v8  }
0x2c6: {  	[tilespmem:s21], [sflag:$0x1] =	stream.indirect_vreg.gather [hbm4b:s0+s8], $0x80, v9, vm0, $0xb8;
	[tilespmem:$0x1BCC0] =	vst v63  }
0x2c7: {  	s22 =	simm.s32 $0x6080  }
0x2c8: {  	[tilespmem:s22], [sflag:$0x1] =	stream.indirect_vreg.gather [hbm4b:s14+s8], $0x80, v9, vm0, $0xb8;
	[tilespmem:$0x1BCC0] =	vst v63  }
0x2c9: {  	s23 =	simm.s32 $0x6880  }
0x2ca: {  	[tilespmem:s23], [sflag:$0x1] =	stream.indirect_vreg.gather [hbm4b:s0+s8], $0x80, v8, vm0, $0xb8;
	[tilespmem:$0x1BCC0] =	vst v63  }
0x2cb: {  	s24 =	simm.s32 $0x7080  }
0x2cc: {  	[tilespmem:s24], [sflag:$0x1] =	stream.indirect_vreg.gather [hbm4b:s14+s8], $0x80, v8, vm0, $0xb8;
	[tilespmem:$0x1BCC0] =	vst v63  }
0x2cd: {  	_ =	swait.ge [sflag:s29], $0x4000  }
0x2ce: {  	s17 =	ssub.s32 s17, s19;
	[sflag:s29] =	ssyncset.done $0x0  }
0x2cf: {  	s19 =	ssub.s32 $0x20, s17;
	s20 =	simm.s32 $0x0;
	[sflag:s29] =	ssyncadd.s32 $0xFFFFC000  }
.LBB2_27:
0x2d0: {  	s3 =	sadd.s32 s17, s20  }
0x2d1: {  	s7 =	sshll.u32 s3, $0x9;
	s3 =	sshll.u32 s3, $0x7  }
0x2d2: {  	s7 =	sand.u32 $0xFFFFF000, s7;
	s3 =	sand.u32 $0x380, s3  }
0x2d3: {  	s3 =	sor.u32 s3, s7  }
0x2d4: {  	s23 =	sand.u32 $0xC00, s8;
	s21 =	sadd.s32 $0x3880, s3  }
0x2d5: {  	s24 =	sand.u32 $0x70, s8;
	s3 =	sadd.s32 s23, s21  }
0x2d6: {  	s22 =	simm.s32 $0x10;
	s23 =	simm.s32 $0x0;
	s24 =	sadd.s32 s24, s3  }
.LBB2_28:
0x2d7: {  	p0 =	sne.s32 s22, $0x1F0  }
0x2d8: {  	[tilespmem:s24+$0x0] =	vst v2;
	s23 =	sadd.s32 $0x80, s23;
	s3 =	smov.u32 s22;
	s22 =	sadd.s32 $0x10, s22  }
.Ltmp17:
0x2d9: {  	(pc) =	sbr.rel @p0 .LBB2_28-.Ltmp17, $4  }
0x2da: {  	_ = 	snop  }
0x2db: {  	s7 =	sand.u32 $0xC00, s23  }
0x2dc: {  	s3 =	sand.u32 $0x70, s3;
	s7 =	sadd.s32 s7, s21  }
0x2dd: {  	s24 =	sadd.s32 s3, s7  }
0x2de: {  	s20 =	sadd.s32 $0x1, s20  }
0x2df: {  	p0 =	sne.s32 s20, s19  }
.Ltmp18:
0x2e0: {  	_ = 	snop;
	(pc) =	sbr.rel @p0 .LBB2_27-.Ltmp18, $2  }
0x2e1: {  	_ =	sdelay $0x2  }
0x2e2: {  	[tilespmem:s24+$0x0] =	vst v2  }
0x2e3: {  	s3 =	sshll.u32 s16, $0xB;
	s7 =	rddreg [dreg:$0x12]  }
0x2e4: {  	s24 =	simm.s32 $0x3880;
	s3 =	sadd.s32 s7, s3  }
0x2e5: {  	[hbm4b:s3+s4] =	stream.linear.scatter [tilespmem:s24], [sflag:$0xD], $0x4000, $0x38;
	[tilespmem:$0x1BCC0] =	vst v63  }
0x2e6: {  	_ =	swait.ge [sflag:s1], $0x4000  }
0x2e7: {  	[sflag:s1] =	ssyncset.done $0x0  }
0x2e8: {  	[sflag:s1] =	ssyncadd.s32 $0xFFFFC000  }
.LBB2_31:
0x2e9: {  	s3 =	sld [smem:$0x7FC];
	_ =	sdelay $0x2  }
0x2ea: {  	p0 =	seq.s32 s3, $0x1  }
.Ltmp19:
0x2eb: {  	_ = 	snop;
	(pc) =	sbr.rel @p0 .LBB2_35-.Ltmp19, $1  }
0x2ec: {  	_ =	sdelay $0x3  }
0x2ed: {  	p0 =	sne.s32 s15, $0x1  }
.Ltmp20:
0x2ee: {  	_ = 	snop;
	(pc) =	sbr.rel @!p0 .LBB2_34-.Ltmp20, $3  }
0x2ef: {  	_ =	sdelay $0x1  }
0x2f0: {  	_ =	swait.ge [sflag:s30], $0x4000  }
0x2f1: {  	s8 =	sadd.s32 $0xFFFFFFFF, s15;
	[sflag:s30] =	ssyncset.done $0x0  }
.LBB2_33:
0x2f2: {  	p0 =	sne.s32 s8, $0x1;
	s8 =	sadd.s32 $0xFFFFFFFF, s8;
	[sflag:s30] =	ssyncadd.s32 $0xFFFFC000  }
.Ltmp21:
0x2f3: {  	(pc) =	sbr.rel @p0 .LBB2_33-.Ltmp21, $3  }
0x2f4: {  	_ =	sdelay $0x1  }
0x2f5: {  	_ =	swait.ge [sflag:s30], $0x4000  }
0x2f6: {  	[sflag:s30] =	ssyncset.done $0x0  }
.Ltmp22:
0x2f7: {  	_ = 	snop;
	(pc) =	sbr.rel .LBB2_34-.Ltmp22, $1  }
0x2f8: {  	_ =	sdelay $0x3  }
.LBB2_36:
0x2f9: {  	_ =	sfence.sel $0x180000  }
0x2fa: {  	[bflag:$0x0] =	sbarrier.arrive $0xFFFF  }
0x2fb: {  	_ =	strace $0x90000047  }
0x2fc: {  	s0 =	stileid.u32;
	[bflag:$0x2] =	sbarrier.arrive $0xFFFF  }
0x2fd: {  	p0 =	sne.s32 s0, $0x0;
	s0 =	rddreg [dreg:$0x9]  }
0x2fe: {  	s0 =	sadd.s32 @!p0 $0x100000, s0  }
0x2ff: {  	[sflag:s0] =	ssyncadd.tile.s32 @!p0 $0x1;
	_ =	shalt  }
.Lfunc_end2:
_tile_overlayer_lowered:
.L_overlay_start_2:
0x300: {  	(tag) =	ssettag $0x2  }
0x301: {  	s0 =	rddreg [dreg:$0x0];
	s2 =	stileid.u32  }
0x302: {  	s1 =	rddreg [dreg:$0x1];
	p0 =	sne.s32 s2, $0x0  }
0x303: {  	s3 =	rddreg [dreg:$0x2];
	[bflag:$0x3] =	sbarrier.arrive $0xFFFF;
	s2 =	simm.s32 @!p0 $0x1C0D  }
0x304: {  	[timem:s3], [sflag:s2] =	dma.local @!p0 [hbm:s0], s1  }
0x305: {  	s0 =	simm.s32 @!p0 $0xD  }
0x306: {  	_ =	swait.ge @!p0 [sflag:s0], s1  }
0x307: {  	s1 =	ssub.s32 @!p0 $0x0, s1;
	[sflag:s0] =	ssyncset.done @!p0 $0x0  }
0x308: {  	[sflag:s0] =	ssyncadd.s32 @!p0 s1  }
0x309: {  	[bflag:$0x3] =	sbarrier.arrive $0xFFFF  }
0x30a: {  	_ =	shalt  }

</sc_bundles>
